<compile_context>
chip_gen: v7x
topology: tpu7x:2x2x1
jax: 0.10.2.dev20260603
libtpu: 0.0.44.dev20260713+nightly
codegen_flags: <defaults>
</compile_context>

<pallas_src>
import jax
import jax.numpy as jnp
from jax import lax
from jax.experimental import pallas as pl
from jax.experimental.pallas import tpu as pltpu
from jax.experimental.pallas import tpu_sc as plsc

NUM_USERS = 20000
NUM_ITEMS = 30000
N = NUM_USERS + NUM_ITEMS
E = 800000
D = 64
BATCH = 4096

NC, NS, L = 2, 16, 16
NW = NC * NS

RN = 2560
NR = 20
NRT = NR * RN
SL = RN // NS
CPB = 1792
B = 64
MAXNB = (CPB + B - 1) // B

SCAN_B = 1024
NB = 26
EPW = SCAN_B * NB
E_PAD = NW * EPW

TCB = 400

_MESH = None


def _mesh():
    global _MESH
    if _MESH is None:
        _MESH = plsc.VectorSubcoreMesh(core_axis_name="c", subcore_axis_name="s")
    return _MESH



def _tc1_body(x_ref, w_ref, a_ref, outa, outb, outc):
    x = x_ref[...]
    h = jnp.dot(x, w_ref[...], preferred_element_type=jnp.float32)
    hh = h.reshape(-1, 4, 64)
    asrc = (hh * a_ref[:, :64][None]).sum(-1)
    adst = (hh * a_ref[:, 64:][None]).sum(-1)
    outa[...] = h[:, :128]
    outb[...] = h[:, 128:]
    outc[...] = jnp.concatenate(
        [asrc, adst, jnp.zeros((x.shape[0], 120), jnp.float32)], axis=1)


def _tc1(x, w1, a1):
    return pl.pallas_call(
        _tc1_body,
        grid=(N // TCB,),
        in_specs=[
            pl.BlockSpec((TCB, 64), lambda i: (i, 0)),
            pl.BlockSpec((64, 256), lambda i: (0, 0)),
            pl.BlockSpec((4, 128), lambda i: (0, 0)),
        ],
        out_specs=[
            pl.BlockSpec((TCB, 128), lambda i: (i, 0)),
            pl.BlockSpec((TCB, 128), lambda i: (i, 0)),
            pl.BlockSpec((TCB, 128), lambda i: (i, 0)),
        ],
        out_shape=[
            jax.ShapeDtypeStruct((N, 128), jnp.float32),
            jax.ShapeDtypeStruct((N, 128), jnp.float32),
            jax.ShapeDtypeStruct((N, 128), jnp.float32),
        ],
    )(x, w1, a1)


def _tc2_body(pa_ref, pb_ref, pd_ref, w_ref, a_ref, out_ref):
    pa = pa_ref[0] + pa_ref[1]
    pb = pb_ref[0] + pb_ref[1]
    pd = pd_ref[0] + pd_ref[1]
    den = pd[:, 0:4] + 1e-8
    m01 = pa.reshape(-1, 2, 64) / den[:, 0:2, None]
    m23 = pb.reshape(-1, 2, 64) / den[:, 2:4, None]
    m = jnp.concatenate([m01.reshape(-1, 128), m23.reshape(-1, 128)], axis=1)
    o = jnp.where(m > 0, m, jnp.exp(jnp.minimum(m, 0.0)) - 1.0)
    h2 = jnp.dot(o, w_ref[...], preferred_element_type=jnp.float32)
    asrc = (h2 * a_ref[0, :64][None]).sum(-1, keepdims=True)
    adst = (h2 * a_ref[0, 64:][None]).sum(-1, keepdims=True)
    out_ref[...] = jnp.concatenate(
        [h2, asrc, adst, jnp.zeros((h2.shape[0], 62), jnp.float32)], axis=1)


def _tc2(pa, pb, pd, w2, a2):
    return pl.pallas_call(
        _tc2_body,
        grid=(N // TCB,),
        in_specs=[
            pl.BlockSpec((2, TCB, 128), lambda i: (0, i, 0)),
            pl.BlockSpec((2, TCB, 128), lambda i: (0, i, 0)),
            pl.BlockSpec((2, TCB, 16), lambda i: (0, i, 0)),
            pl.BlockSpec((256, 64), lambda i: (0, 0)),
            pl.BlockSpec((1, 128), lambda i: (0, 0)),
        ],
        out_specs=pl.BlockSpec((TCB, 128), lambda i: (i, 0)),
        out_shape=jax.ShapeDtypeStruct((N, 128), jnp.float32),
    )(pa, pb, pd, w2, a2)


def _tc3_body(p_ref, x_ref, out_ref):
    p = p_ref[0] + p_ref[1]
    hf = p[:, :64] / (p[:, 64:65] + 1e-8) + x_ref[...]
    out_ref[...] = jnp.concatenate(
        [hf, jnp.zeros((hf.shape[0], 64), jnp.float32)], axis=1)


def _tc3(p2, x):
    return pl.pallas_call(
        _tc3_body,
        grid=(N // TCB,),
        in_specs=[
            pl.BlockSpec((2, TCB, 128), lambda i: (0, i, 0)),
            pl.BlockSpec((TCB, 64), lambda i: (i, 0)),
        ],
        out_specs=pl.BlockSpec((TCB, 128), lambda i: (i, 0)),
        out_shape=jax.ShapeDtypeStruct((N, 128), jnp.float32),
    )(p2, x)



def _route_body(es, ed, cpbig, counts, ebs, ebd, cp, scr, cvec):
    c = lax.axis_index("c")
    s = lax.axis_index("s")
    wid = c * NS + s
    ebase = wid * EPW
    iota = lax.iota(jnp.int32, L)
    zeros = jnp.zeros((L,), jnp.int32)
    scr[pl.ds(0, L)] = zeros
    scr[pl.ds(24, L)] = zeros

    def per_range(r, carry):
        r_lo = r * RN

        def per_block(b, cnt):
            pltpu.sync_copy(es.at[pl.ds(ebase + b * SCAN_B, SCAN_B)], ebs)
            pltpu.sync_copy(ed.at[pl.ds(ebase + b * SCAN_B, SCAN_B)], ebd)

            def per_vreg(v, cnt):
                srcv = ebs[pl.ds(v * L, L)]
                dstv = ebd[pl.ds(v * L, L)]
                loc = dstv - r_lo
                m = (loc >= 0) & (loc < RN)
                p = jnp.where(m, 1, 0)
                for sh in (1, 2, 4, 8):
                    scr[pl.ds(8, L)] = p
                    p = p + scr[pl.ds(8 - sh, L)]
                total = p[L - 1]
                packed = srcv | (loc << 16)
                d = jnp.where(m, iota - p + 1, 0)
                vv = packed
                for bb in (1, 2, 4, 8):
                    scr[pl.ds(8, L)] = d
                    dsh = scr[pl.ds(8 + bb, L)]
                    scr[pl.ds(8, L)] = vv
                    vsh = scr[pl.ds(8 + bb, L)]
                    mv = (dsh & bb) != 0
                    vv = jnp.where(mv, vsh, vv)
                    d = jnp.where(mv, dsh - bb, d)
                cp[pl.ds(jnp.minimum(cnt, CPB - L), L)] = vv
                return cnt + total

            return lax.fori_loop(0, SCAN_B // L, per_vreg, cnt)

        cnt = lax.fori_loop(0, NB, per_block, 0)
        cnt = jnp.minimum(cnt, CPB)
        pltpu.sync_copy(cp, cpbig.at[pl.ds((wid * NR + r) * CPB, CPB)])
        cvec[pl.ds(r, L)] = jnp.full((L,), cnt, jnp.int32)
        return carry

    lax.fori_loop(0, NR, per_range, 0)
    pltpu.sync_copy(cvec.at[pl.ds(0, 32)], counts.at[pl.ds(wid * 32, 32)])


def _route(es, ed):
    return pl.kernel(
        _route_body,
        out_type=(jax.ShapeDtypeStruct((NW * NR * CPB,), jnp.int32),
                  jax.ShapeDtypeStruct((NW * 32,), jnp.int32)),
        mesh=_mesh(),
        scratch_types=[
            pltpu.VMEM((SCAN_B,), jnp.int32),
            pltpu.VMEM((SCAN_B,), jnp.int32),
            pltpu.VMEM((CPB,), jnp.int32),
            pltpu.VMEM((40,), jnp.int32),
            pltpu.VMEM((NR + L,), jnp.int32),
        ],
    )(es, ed)



def _flush1_body(hxa, hxb, hxc, adt, cpbig, counts, z128, z16,
                 outa, outb, outd,
                 acca, accb, accd, atbl, ga, gb, gc, gd, cpv, sidx, didx, ldx,
                 cvbuf):
    c = lax.axis_index("c")
    s = lax.axis_index("s")
    wid = c * NS + s
    iota = lax.iota(jnp.int32, L)
    pltpu.sync_copy(counts.at[pl.ds(wid * 32, 32)], cvbuf.at[pl.ds(0, 32)])

    def per_range(r, carry):
        r_lo = r * RN
        pltpu.sync_copy(z128, acca.at[pl.ds(s * SL, SL), :])
        pltpu.sync_copy(z128, accb.at[pl.ds(s * SL, SL), :])
        pltpu.sync_copy(z16, accd.at[pl.ds(s * SL, SL), :])

        @pl.when(s == NS - 1)
        def _trash():
            pltpu.sync_copy(z128.at[pl.ds(0, L), :], acca.at[pl.ds(RN, L), :])
            pltpu.sync_copy(z128.at[pl.ds(0, L), :], accb.at[pl.ds(RN, L), :])
            pltpu.sync_copy(z16.at[pl.ds(0, L), :], accd.at[pl.ds(RN, L), :])

        pltpu.sync_copy(adt.at[pl.ds(r_lo * 4, RN * 4)], atbl.at[pl.ds(0, RN * 4)])
        pltpu.sync_copy(cpbig.at[pl.ds((wid * NR + r) * CPB, CPB)], cpv)
        plsc.subcore_barrier()
        cv = cvbuf[pl.ds(r, L)]
        cnt = cv[0]

        def per_batch(t, carry2):
            @pl.when(t * B < cnt)
            def _do():
                tb = t * B
                for k in range(B // L):
                    pv = cpv[pl.ds(tb + k * L, L)]
                    mm = (iota + (tb + k * L)) < cnt
                    sidx[pl.ds(k * L, L)] = jnp.where(mm, pv & 0xFFFF, 0)
                    lv = jnp.where(mm, pv >> 16, RN)
                    didx[pl.ds(k * L, L)] = lv
                    ldx[pl.ds(k * L, L)] = lv
                pltpu.sync_copy(hxa.at[sidx], ga)
                pltpu.sync_copy(hxb.at[sidx], gb)
                pltpu.sync_copy(hxc.at[sidx], gc)

                def edge(j, cc):
                    lvv = ldx[pl.ds(j, L)]
                    loc = lvv[0]
                    arow = gc[j, pl.ds(0, L)]
                    atv = atbl[pl.ds(4 * loc, L)]
                    lg = arow + atv
                    lr = jnp.where(lg > 0, lg, 0.2 * lg)
                    raw = jnp.exp(lr)
                    gd[j, pl.ds(0, L)] = raw
                    for h in range(4):
                        bh = raw[h]
                        tgt = ga if h < 2 else gb
                        cbase = (h % 2) * 64
                        for kk in range(4):
                            col = cbase + kk * L
                            tgt[j, pl.ds(col, L)] = tgt[j, pl.ds(col, L)] * bh
                    return cc

                lax.fori_loop(0, B, edge, 0)
                pltpu.sync_copy(ga, acca.at[didx], add=True)
                pltpu.sync_copy(gb, accb.at[didx], add=True)
                pltpu.sync_copy(gd, accd.at[didx], add=True)
            return carry2

        lax.fori_loop(0, MAXNB, per_batch, 0)
        plsc.subcore_barrier()
        rows = pl.ds(s * SL, SL)
        orows = pl.ds(r_lo + s * SL, SL)
        pltpu.sync_copy(acca.at[rows, :], outa.at[c, orows, :])
        pltpu.sync_copy(accb.at[rows, :], outb.at[c, orows, :])
        pltpu.sync_copy(accd.at[rows, :], outd.at[c, orows, :])
        plsc.subcore_barrier()
        return carry

    lax.fori_loop(0, NR, per_range, 0)


def _flush1(hxa, hxb, hxc, adt, cpbig, counts, z128, z16):
    return pl.kernel(
        _flush1_body,
        out_type=(jax.ShapeDtypeStruct((NC, NRT, 128), jnp.float32),
                  jax.ShapeDtypeStruct((NC, NRT, 128), jnp.float32),
                  jax.ShapeDtypeStruct((NC, NRT, 16), jnp.float32)),
        mesh=_mesh(),
        scratch_types=[
            pltpu.VMEM_SHARED((RN + L, 128), jnp.float32),
            pltpu.VMEM_SHARED((RN + L, 128), jnp.float32),
            pltpu.VMEM_SHARED((RN + L, 16), jnp.float32),
            pltpu.VMEM((RN * 4 + L,), jnp.float32),
            pltpu.VMEM((B, 128), jnp.float32),
            pltpu.VMEM((B, 128), jnp.float32),
            pltpu.VMEM((B, 128), jnp.float32),
            pltpu.VMEM((B, 16), jnp.float32),
            pltpu.VMEM((CPB,), jnp.int32),
            pltpu.VMEM((B,), jnp.int32),
            pltpu.VMEM((B,), jnp.int32),
            pltpu.VMEM((B + L,), jnp.int32),
            pltpu.VMEM((NR + 2 * L,), jnp.int32),
        ],
    )(hxa, hxb, hxc, adt, cpbig, counts, z128, z16)


def _flush2_body(hx2, adt, cpbig, counts, z128,
                 out2, acc, atbl, g, cpv, sidx, didx, ldx, cvbuf):
    c = lax.axis_index("c")
    s = lax.axis_index("s")
    wid = c * NS + s
    iota = lax.iota(jnp.int32, L)
    pltpu.sync_copy(counts.at[pl.ds(wid * 32, 32)], cvbuf.at[pl.ds(0, 32)])

    def per_range(r, carry):
        r_lo = r * RN
        pltpu.sync_copy(z128, acc.at[pl.ds(s * SL, SL), :])

        @pl.when(s == NS - 1)
        def _trash():
            pltpu.sync_copy(z128.at[pl.ds(0, L), :], acc.at[pl.ds(RN, L), :])

        pltpu.sync_copy(adt.at[pl.ds(r_lo * 4, RN * 4)], atbl.at[pl.ds(0, RN * 4)])
        pltpu.sync_copy(cpbig.at[pl.ds((wid * NR + r) * CPB, CPB)], cpv)
        plsc.subcore_barrier()
        cv = cvbuf[pl.ds(r, L)]
        cnt = cv[0]

        def per_batch(t, carry2):
            @pl.when(t * B < cnt)
            def _do():
                tb = t * B
                for k in range(B // L):
                    pv = cpv[pl.ds(tb + k * L, L)]
                    mm = (iota + (tb + k * L)) < cnt
                    sidx[pl.ds(k * L, L)] = jnp.where(mm, pv & 0xFFFF, 0)
                    lv = jnp.where(mm, pv >> 16, RN)
                    didx[pl.ds(k * L, L)] = lv
                    ldx[pl.ds(k * L, L)] = lv
                pltpu.sync_copy(hx2.at[sidx], g)

                def edge(j, cc):
                    lvv = ldx[pl.ds(j, L)]
                    loc = lvv[0]
                    arow = g[j, pl.ds(64, L)]
                    atv = atbl[pl.ds(4 * loc, L)]
                    lg = arow + atv
                    lr = jnp.where(lg > 0, lg, 0.2 * lg)
                    raw = jnp.exp(lr)
                    g[j, pl.ds(64, L)] = raw
                    bh = raw[0]
                    for kk in range(4):
                        col = kk * L
                        g[j, pl.ds(col, L)] = g[j, pl.ds(col, L)] * bh
                    return cc

                lax.fori_loop(0, B, edge, 0)
                pltpu.sync_copy(g, acc.at[didx], add=True)
            return carry2

        lax.fori_loop(0, MAXNB, per_batch, 0)
        plsc.subcore_barrier()
        pltpu.sync_copy(acc.at[pl.ds(s * SL, SL), :],
                        out2.at[c, pl.ds(r_lo + s * SL, SL), :])
        plsc.subcore_barrier()
        return carry

    lax.fori_loop(0, NR, per_range, 0)


def _flush2(hx2, adt, cpbig, counts, z128):
    return pl.kernel(
        _flush2_body,
        out_type=jax.ShapeDtypeStruct((NC, NRT, 128), jnp.float32),
        mesh=_mesh(),
        scratch_types=[
            pltpu.VMEM_SHARED((RN + L, 128), jnp.float32),
            pltpu.VMEM((RN * 4 + L,), jnp.float32),
            pltpu.VMEM((B, 128), jnp.float32),
            pltpu.VMEM((CPB,), jnp.int32),
            pltpu.VMEM((B,), jnp.int32),
            pltpu.VMEM((B,), jnp.int32),
            pltpu.VMEM((B + L,), jnp.int32),
            pltpu.VMEM((NR + 2 * L,), jnp.int32),
        ],
    )(hx2, adt, cpbig, counts, z128)



PB = BATCH // NW
CH = 32


def _dot_body(hf, uids, iids, out, ub, ib, ur, ir, ob, fscr):
    c = lax.axis_index("c")
    s = lax.axis_index("s")
    base = (c * NS + s) * PB
    zf = jnp.zeros((L,), jnp.float32)
    fscr[pl.ds(0, L)] = zf
    fscr[pl.ds(24, L)] = zf

    def chunk(q, carry):
        cb = base + q * CH
        pltpu.sync_copy(uids.at[pl.ds(cb, CH)], ub)
        pltpu.sync_copy(iids.at[pl.ds(cb, CH)], ib)
        pltpu.sync_copy(hf.at[ub], ur)
        pltpu.sync_copy(hf.at[ib], ir)

        def pair(j, carry2):
            acc = ur[j, pl.ds(0, L)] * ir[j, pl.ds(0, L)]
            for k in range(1, D // L):
                acc = acc + ur[j, pl.ds(k * L, L)] * ir[j, pl.ds(k * L, L)]
            for sh in (1, 2, 4, 8):
                fscr[pl.ds(8, L)] = acc
                acc = acc + fscr[pl.ds(8 - sh, L)]
            total = acc[L - 1]
            ob[pl.ds(j, L)] = jnp.full((L,), total, jnp.float32)
            return carry2

        lax.fori_loop(0, CH, pair, 0)
        pltpu.sync_copy(ob.at[pl.ds(0, CH)], out.at[pl.ds(cb, CH)])
        return carry

    lax.fori_loop(0, PB // CH, chunk, 0)


def _dot(hf, uids, iids):
    return pl.kernel(
        _dot_body,
        out_type=jax.ShapeDtypeStruct((BATCH,), jnp.float32),
        mesh=_mesh(),
        scratch_types=[
            pltpu.VMEM((CH,), jnp.int32),
            pltpu.VMEM((CH,), jnp.int32),
            pltpu.VMEM((CH, 128), jnp.float32),
            pltpu.VMEM((CH, 128), jnp.float32),
            pltpu.VMEM((CH + L,), jnp.float32),
            pltpu.VMEM((40,), jnp.float32),
        ],
    )(hf, uids, iids)


@jax.jit
def kernel(user_emb, item_emb, W1, a1, W2, a2, edge_index, user_ids, item_ids):
    x = jnp.concatenate([user_emb, item_emb], axis=0)
    es = jnp.pad(edge_index[0], (0, E_PAD - E))
    ed = jnp.pad(edge_index[1], (0, E_PAD - E), constant_values=2 ** 24)
    z128 = jnp.zeros((SL, 128), jnp.float32)
    z16 = jnp.zeros((SL, 16), jnp.float32)

    cpbig, counts = _route(es, ed)

    hxa, hxb, hxc = _tc1(x, W1, a1)
    adt1 = jnp.pad(hxc[:, 4:8], ((0, NRT - N), (0, 0))).reshape(-1)
    pa, pb, pd = _flush1(hxa, hxb, hxc, adt1, cpbig, counts, z128, z16)

    hx2 = _tc2(pa, pb, pd, W2, a2)
    adt2 = jnp.pad(hx2[:, 65:66], ((0, NRT - N), (0, 3))).reshape(-1)
    p2 = _flush2(hx2, adt2, cpbig, counts, z128)

    hf = _tc3(p2, x)
    return _dot(hf, user_ids, item_ids + NUM_USERS)

# --- scband reference (transcript-rebuilt; emitter-appended) ---
"""Pipeline reference for scband-gatrecommender-38611755991229 (READ-ONLY COPY).

The authoritative reference and input builder live on the scoring server;
editing this copy changes nothing except your own understanding.
"""

import jax, jax.numpy as jnp
import numpy as np

NUM_USERS = 20000
NUM_ITEMS = 30000
EMB_DIM = 64
NUM_NODES = NUM_USERS + NUM_ITEMS
NUM_EDGES = 800000
BATCH = 4096


def gat_layer(x, edge_index, W, a, num_heads, out_features, concat):
    N = x.shape[0]
    h = (x @ W).reshape(N, num_heads, out_features)
    src = edge_index[0]
    dst = edge_index[1]
    h_src = h[src]
    h_dst = h[dst]
    edge_features = jnp.concatenate([h_src, h_dst], axis=-1)  # [E, H, 2F]
    attention = (edge_features * a).sum(axis=-1)  # [E, H]
    attention = jax.nn.leaky_relu(attention, negative_slope=0.2)
    attention = jnp.exp(attention - attention.max())
    attention_sum = jnp.zeros((N, num_heads), dtype=x.dtype).at[dst].add(attention)
    attention = attention / (attention_sum[dst] + 1e-08)
    out = jnp.zeros((N, num_heads, out_features), dtype=x.dtype).at[dst].add(attention[..., None] * h_src)
    if concat:
        return out.reshape(N, -1)
    else:
        return out.mean(axis=1)


def setup_inputs(seed: int = 0) -> dict:
    key = jax.random.key(seed)
    ks = jax.random.split(key, 9)
    d = EMB_DIM
    return {
        "user_emb": jax.random.normal(ks[0], (NUM_USERS, d), dtype=jnp.float32) * 0.05,
        "item_emb": jax.random.normal(ks[1], (NUM_ITEMS, d), dtype=jnp.float32) * 0.05,
        "W1": jax.random.normal(ks[2], (d, 4 * d), dtype=jnp.float32) * 0.05,
        "a1": jax.random.normal(ks[3], (4, 2 * d), dtype=jnp.float32) * 0.05,
        "W2": jax.random.normal(ks[4], (4 * d, d), dtype=jnp.float32) * 0.05,
        "a2": jax.random.normal(ks[5], (1, 2 * d), dtype=jnp.float32) * 0.05,
        "edge_index": jax.random.randint(ks[6], (2, NUM_EDGES), 0, NUM_NODES, dtype=jnp.int32),
        "user_ids": jax.random.randint(ks[7], (BATCH,), 0, NUM_USERS, dtype=jnp.int32),
        "item_ids": jax.random.randint(ks[8], (BATCH,), 0, NUM_ITEMS, dtype=jnp.int32),
    }


def reference(user_emb, item_emb, W1, a1, W2, a2, edge_index, user_ids, item_ids):
    num_users = user_emb.shape[0]
    all_emb = jnp.concatenate([user_emb, item_emb], axis=0)
    h = gat_layer(all_emb, edge_index, W1, a1, num_heads=4, out_features=EMB_DIM, concat=True)
    h = jax.nn.elu(h)
    h = gat_layer(h, edge_index, W2, a2, num_heads=1, out_features=EMB_DIM, concat=False)
    h = h + all_emb
    user_h = h[:num_users]
    item_h = h[num_users:]
    ue = user_h[user_ids]
    ie = item_h[item_ids]
    return (ue * ie).sum(axis=1)

if __name__ == "__main__":
    import jax
    _d = setup_inputs()
    print(jax.jit(kernel)(*tuple(_d.values())))

</pallas_src>

<mosaic_0001>
#map = affine_map<(d0, d1) -> (0, 0)>
#map1 = affine_map<(d0, d1) -> (0)>
#map2 = affine_map<(d0, d1) -> (0, 0, 0)>
module attributes {stable_mosaic.version = 14 : i64} {
  func.func @_flush1_body(%arg0: i32, %arg1: i32, %arg2: memref<50000x128xf32, #tpu.memory_space<hbm>>, %arg3: memref<50000x128xf32, #tpu.memory_space<hbm>>, %arg4: memref<50000x128xf32, #tpu.memory_space<hbm>>, %arg5: memref<204800xf32, #tpu.memory_space<hbm>>, %arg6: memref<1146880xi32, #tpu.memory_space<hbm>>, %arg7: memref<1024xi32, #tpu.memory_space<hbm>>, %arg8: memref<160x128xf32, #tpu.memory_space<hbm>>, %arg9: memref<160x16xf32, #tpu.memory_space<hbm>>, %arg10: memref<2x51200x128xf32, #tpu.memory_space<hbm>>, %arg11: memref<2x51200x128xf32, #tpu.memory_space<hbm>>, %arg12: memref<2x51200x16xf32, #tpu.memory_space<hbm>>, %arg13: memref<2576x128xf32, #tpu.memory_space<vmem_shared>>, %arg14: memref<2576x128xf32, #tpu.memory_space<vmem_shared>>, %arg15: memref<2576x16xf32, #tpu.memory_space<vmem_shared>>, %arg16: memref<10256xf32, #tpu.memory_space<vmem>>, %arg17: memref<64x128xf32, #tpu.memory_space<vmem>>, %arg18: memref<64x128xf32, #tpu.memory_space<vmem>>, %arg19: memref<64x128xf32, #tpu.memory_space<vmem>>, %arg20: memref<64x16xf32, #tpu.memory_space<vmem>>, %arg21: memref<1792xi32, #tpu.memory_space<vmem>>, %arg22: memref<64xi32, #tpu.memory_space<vmem>>, %arg23: memref<64xi32, #tpu.memory_space<vmem>>, %arg24: memref<80xi32, #tpu.memory_space<vmem>>, %arg25: memref<52xi32, #tpu.memory_space<vmem>>) attributes {dimension_semantics = [#tpu.dimension_semantics<core_parallel>, #tpu.dimension_semantics<subcore_parallel>], iteration_bounds = array<i64: 2, 16>, scalar_prefetch = 0 : i64, scratch_operands = 13 : i64, tpu.core_type = #tpu.core_type<sc_vector_subcore>, window_params = [{transform_indices = #map}, {transform_indices = #map}, {transform_indices = #map}, {transform_indices = #map1}, {transform_indices = #map1}, {transform_indices = #map1}, {transform_indices = #map}, {transform_indices = #map}, {transform_indices = #map2}, {transform_indices = #map2}, {transform_indices = #map2}]} {
    %mul3A = arith.constant 16 : i32
    %mul3A_0 = arith.muli %arg0, %mul3A : i32
    %add3A = arith.addi %mul3A_0, %arg1 : i32
    %iota3A = tpu.iota {dimensions = array<i32: 0>} : vector<16xi32>
    %mul3A_1 = arith.constant 32 : i32
    %mul3A_2 = arith.muli %add3A, %mul3A_1 : i32
    "tpu.region"() ({
      %run_scoped3A = tpu.sem_alloc : memref<!tpu.dma_semaphore, #tpu.memory_space<semaphore_mem>>
      %dma_start3A = arith.constant 0 : i32
      %dma_start3A_8 = tpu.memref_slice %arg25[%dma_start3A] : memref<52xi32, #tpu.memory_space<vmem>> -> memref<32xi32, #tpu.memory_space<vmem>>
      %dma_start3A_9 = tpu.memref_slice %arg7[%mul3A_2] : memref<1024xi32, #tpu.memory_space<hbm>> -> memref<32xi32, #tpu.memory_space<hbm>>
      %dma_start3A_10 = arith.constant 0 : i32
      %dma_start3A_11 = tpu.memref_slice %arg25[%dma_start3A_10] : memref<52xi32, #tpu.memory_space<vmem>> -> memref<32xi32, #tpu.memory_space<vmem>>
      %dma_start3A_12 = tpu.memref_slice %arg7[%mul3A_2] : memref<1024xi32, #tpu.memory_space<hbm>> -> memref<32xi32, #tpu.memory_space<hbm>>
      tpu.enqueue_dma source(%dma_start3A_12 : memref<32xi32, #tpu.memory_space<hbm>>) target(%dma_start3A_11 : memref<32xi32, #tpu.memory_space<vmem>>) target_semaphore(%run_scoped3A : memref<!tpu.dma_semaphore, #tpu.memory_space<semaphore_mem>>)
      %dma_wait3A = arith.constant 0 : i32
      %dma_wait3A_13 = tpu.memref_slice %arg25[%dma_wait3A] : memref<52xi32, #tpu.memory_space<vmem>> -> memref<32xi32, #tpu.memory_space<vmem>>
      %dma_wait3A_14 = tpu.memref_slice %arg7[%mul3A_2] : memref<1024xi32, #tpu.memory_space<hbm>> -> memref<32xi32, #tpu.memory_space<hbm>>
      %dma_wait3A_15 = arith.constant 0 : i32
      %dma_wait3A_16 = tpu.memref_slice %arg25[%dma_wait3A_15] : memref<52xi32, #tpu.memory_space<vmem>> -> memref<32xi32, #tpu.memory_space<vmem>>
      %dma_wait3A_17 = tpu.memref_slice %arg7[%mul3A_2] : memref<1024xi32, #tpu.memory_space<hbm>> -> memref<32xi32, #tpu.memory_space<hbm>>
      tpu.wait_dma2 semaphore(%run_scoped3A : memref<!tpu.dma_semaphore, #tpu.memory_space<semaphore_mem>>) src(%dma_wait3A_17 : memref<32xi32, #tpu.memory_space<hbm>>) dst(%dma_wait3A_16 : memref<32xi32, #tpu.memory_space<vmem>>)
      tpu.yield
    }) : () -> ()
    %scan3A = arith.constant 0 : i32
    %scan3A_3 = arith.constant 0 : i32
    %scan3A_4 = arith.constant 20 : i32
    %scan3A_5 = arith.addi %scan3A_3, %scan3A_4 : i32
    %scan3A_6 = arith.constant 1 : i32
    scf.for %scan3A_8 = %scan3A_3 to %scan3A_5 step %scan3A_6  : i32 {
      %mul3A_9 = arith.constant 2560 : i32
      %mul3A_10 = arith.muli %scan3A_8, %mul3A_9 : i32
      %mul3A_11 = arith.constant 160 : i32
      %mul3A_12 = arith.muli %arg1, %mul3A_11 : i32
      "tpu.region"() ({
        %run_scoped3A = tpu.sem_alloc : memref<!tpu.dma_semaphore, #tpu.memory_space<semaphore_mem>>
        %dma_start3A = arith.constant 0 : i32
        %dma_start3A_41 = tpu.memref_slice %arg13[%mul3A_12, %dma_start3A] : memref<2576x128xf32, #tpu.memory_space<vmem_shared>> -> memref<160x128xf32, #tpu.memory_space<vmem_shared>>
        tpu.enqueue_dma source(%arg8 : memref<160x128xf32, #tpu.memory_space<hbm>>) target(%dma_start3A_41 : memref<160x128xf32, #tpu.memory_space<vmem_shared>>) target_semaphore(%run_scoped3A : memref<!tpu.dma_semaphore, #tpu.memory_space<semaphore_mem>>)
        %dma_wait3A = arith.constant 0 : i32
        %dma_wait3A_42 = tpu.memref_slice %arg13[%mul3A_12, %dma_wait3A] : memref<2576x128xf32, #tpu.memory_space<vmem_shared>> -> memref<160x128xf32, #tpu.memory_space<vmem_shared>>
        tpu.wait_dma2 semaphore(%run_scoped3A : memref<!tpu.dma_semaphore, #tpu.memory_space<semaphore_mem>>) src(%arg8 : memref<160x128xf32, #tpu.memory_space<hbm>>) dst(%dma_wait3A_42 : memref<160x128xf32, #tpu.memory_space<vmem_shared>>)
        tpu.yield
      }) : () -> ()
      %mul3A_13 = arith.constant 160 : i32
      %mul3A_14 = arith.muli %arg1, %mul3A_13 : i32
      "tpu.region"() ({
        %run_scoped3A = tpu.sem_alloc : memref<!tpu.dma_semaphore, #tpu.memory_space<semaphore_mem>>
        %dma_start3A = arith.constant 0 : i32
        %dma_start3A_41 = tpu.memref_slice %arg14[%mul3A_14, %dma_start3A] : memref<2576x128xf32, #tpu.memory_space<vmem_shared>> -> memref<160x128xf32, #tpu.memory_space<vmem_shared>>
        tpu.enqueue_dma source(%arg8 : memref<160x128xf32, #tpu.memory_space<hbm>>) target(%dma_start3A_41 : memref<160x128xf32, #tpu.memory_space<vmem_shared>>) target_semaphore(%run_scoped3A : memref<!tpu.dma_semaphore, #tpu.memory_space<semaphore_mem>>)
        %dma_wait3A = arith.constant 0 : i32
        %dma_wait3A_42 = tpu.memref_slice %arg14[%mul3A_14, %dma_wait3A] : memref<2576x128xf32, #tpu.memory_space<vmem_shared>> -> memref<160x128xf32, #tpu.memory_space<vmem_shared>>
        tpu.wait_dma2 semaphore(%run_scoped3A : memref<!tpu.dma_semaphore, #tpu.memory_space<semaphore_mem>>) src(%arg8 : memref<160x128xf32, #tpu.memory_space<hbm>>) dst(%dma_wait3A_42 : memref<160x128xf32, #tpu.memory_space<vmem_shared>>)
        tpu.yield
      }) : () -> ()
      %mul3A_15 = arith.constant 160 : i32
      %mul3A_16 = arith.muli %arg1, %mul3A_15 : i32
      "tpu.region"() ({
        %run_scoped3A = tpu.sem_alloc : memref<!tpu.dma_semaphore, #tpu.memory_space<semaphore_mem>>
        %dma_start3A = arith.constant 0 : i32
        %dma_start3A_41 = tpu.memref_slice %arg15[%mul3A_16, %dma_start3A] : memref<2576x16xf32, #tpu.memory_space<vmem_shared>> -> memref<160x16xf32, #tpu.memory_space<vmem_shared>>
        tpu.enqueue_dma source(%arg9 : memref<160x16xf32, #tpu.memory_space<hbm>>) target(%dma_start3A_41 : memref<160x16xf32, #tpu.memory_space<vmem_shared>>) target_semaphore(%run_scoped3A : memref<!tpu.dma_semaphore, #tpu.memory_space<semaphore_mem>>)
        %dma_wait3A = arith.constant 0 : i32
        %dma_wait3A_42 = tpu.memref_slice %arg15[%mul3A_16, %dma_wait3A] : memref<2576x16xf32, #tpu.memory_space<vmem_shared>> -> memref<160x16xf32, #tpu.memory_space<vmem_shared>>
        tpu.wait_dma2 semaphore(%run_scoped3A : memref<!tpu.dma_semaphore, #tpu.memory_space<semaphore_mem>>) src(%arg9 : memref<160x16xf32, #tpu.memory_space<hbm>>) dst(%dma_wait3A_42 : memref<160x16xf32, #tpu.memory_space<vmem_shared>>)
        tpu.yield
      }) : () -> ()
      %eq3A = arith.constant 15 : i32
      %eq3A_17 = arith.cmpi eq, %arg1, %eq3A : i32
      %convert_element_type3A = arith.extui %eq3A_17 : i1 to i32
      %cond3A = arith.constant 0 : i32
      %cond3A_18 = arith.cmpi ne, %convert_element_type3A, %cond3A : i32
      scf.if %cond3A_18 {
        "tpu.region"() ({
          %run_scoped3A = tpu.sem_alloc : memref<!tpu.dma_semaphore, #tpu.memory_space<semaphore_mem>>
          %dma_start3A = arith.constant 2560 : i32
          %dma_start3A_41 = arith.constant 0 : i32
          %dma_start3A_42 = tpu.memref_slice %arg13[%dma_start3A, %dma_start3A_41] : memref<2576x128xf32, #tpu.memory_space<vmem_shared>> -> memref<16x128xf32, #tpu.memory_space<vmem_shared>>
          %dma_start3A_43 = arith.constant 0 : i32
          %dma_start3A_44 = arith.constant 0 : i32
          %dma_start3A_45 = tpu.memref_slice %arg8[%dma_start3A_43, %dma_start3A_44] : memref<160x128xf32, #tpu.memory_space<hbm>> -> memref<16x128xf32, #tpu.memory_space<hbm>>
          tpu.enqueue_dma source(%dma_start3A_45 : memref<16x128xf32, #tpu.memory_space<hbm>>) target(%dma_start3A_42 : memref<16x128xf32, #tpu.memory_space<vmem_shared>>) target_semaphore(%run_scoped3A : memref<!tpu.dma_semaphore, #tpu.memory_space<semaphore_mem>>)
          %dma_wait3A = arith.constant 2560 : i32
          %dma_wait3A_46 = arith.constant 0 : i32
          %dma_wait3A_47 = tpu.memref_slice %arg13[%dma_wait3A, %dma_wait3A_46] : memref<2576x128xf32, #tpu.memory_space<vmem_shared>> -> memref<16x128xf32, #tpu.memory_space<vmem_shared>>
          %dma_wait3A_48 = arith.constant 0 : i32
          %dma_wait3A_49 = arith.constant 0 : i32
          %dma_wait3A_50 = tpu.memref_slice %arg8[%dma_wait3A_48, %dma_wait3A_49] : memref<160x128xf32, #tpu.memory_space<hbm>> -> memref<16x128xf32, #tpu.memory_space<hbm>>
          tpu.wait_dma2 semaphore(%run_scoped3A : memref<!tpu.dma_semaphore, #tpu.memory_space<semaphore_mem>>) src(%dma_wait3A_50 : memref<16x128xf32, #tpu.memory_space<hbm>>) dst(%dma_wait3A_47 : memref<16x128xf32, #tpu.memory_space<vmem_shared>>)
          tpu.yield
        }) : () -> ()
        "tpu.region"() ({
          %run_scoped3A = tpu.sem_alloc : memref<!tpu.dma_semaphore, #tpu.memory_space<semaphore_mem>>
          %dma_start3A = arith.constant 2560 : i32
          %dma_start3A_41 = arith.constant 0 : i32
          %dma_start3A_42 = tpu.memref_slice %arg14[%dma_start3A, %dma_start3A_41] : memref<2576x128xf32, #tpu.memory_space<vmem_shared>> -> memref<16x128xf32, #tpu.memory_space<vmem_shared>>
          %dma_start3A_43 = arith.constant 0 : i32
          %dma_start3A_44 = arith.constant 0 : i32
          %dma_start3A_45 = tpu.memref_slice %arg8[%dma_start3A_43, %dma_start3A_44] : memref<160x128xf32, #tpu.memory_space<hbm>> -> memref<16x128xf32, #tpu.memory_space<hbm>>
          tpu.enqueue_dma source(%dma_start3A_45 : memref<16x128xf32, #tpu.memory_space<hbm>>) target(%dma_start3A_42 : memref<16x128xf32, #tpu.memory_space<vmem_shared>>) target_semaphore(%run_scoped3A : memref<!tpu.dma_semaphore, #tpu.memory_space<semaphore_mem>>)
          %dma_wait3A = arith.constant 2560 : i32
          %dma_wait3A_46 = arith.constant 0 : i32
          %dma_wait3A_47 = tpu.memref_slice %arg14[%dma_wait3A, %dma_wait3A_46] : memref<2576x128xf32, #tpu.memory_space<vmem_shared>> -> memref<16x128xf32, #tpu.memory_space<vmem_shared>>
          %dma_wait3A_48 = arith.constant 0 : i32
          %dma_wait3A_49 = arith.constant 0 : i32
          %dma_wait3A_50 = tpu.memref_slice %arg8[%dma_wait3A_48, %dma_wait3A_49] : memref<160x128xf32, #tpu.memory_space<hbm>> -> memref<16x128xf32, #tpu.memory_space<hbm>>
          tpu.wait_dma2 semaphore(%run_scoped3A : memref<!tpu.dma_semaphore, #tpu.memory_space<semaphore_mem>>) src(%dma_wait3A_50 : memref<16x128xf32, #tpu.memory_space<hbm>>) dst(%dma_wait3A_47 : memref<16x128xf32, #tpu.memory_space<vmem_shared>>)
          tpu.yield
        }) : () -> ()
        "tpu.region"() ({
          %run_scoped3A = tpu.sem_alloc : memref<!tpu.dma_semaphore, #tpu.memory_space<semaphore_mem>>
          %dma_start3A = arith.constant 2560 : i32
          %dma_start3A_41 = arith.constant 0 : i32
          %dma_start3A_42 = tpu.memref_slice %arg15[%dma_start3A, %dma_start3A_41] : memref<2576x16xf32, #tpu.memory_space<vmem_shared>> -> memref<16x16xf32, #tpu.memory_space<vmem_shared>>
          %dma_start3A_43 = arith.constant 0 : i32
          %dma_start3A_44 = arith.constant 0 : i32
          %dma_start3A_45 = tpu.memref_slice %arg9[%dma_start3A_43, %dma_start3A_44] : memref<160x16xf32, #tpu.memory_space<hbm>> -> memref<16x16xf32, #tpu.memory_space<hbm>>
          tpu.enqueue_dma source(%dma_start3A_45 : memref<16x16xf32, #tpu.memory_space<hbm>>) target(%dma_start3A_42 : memref<16x16xf32, #tpu.memory_space<vmem_shared>>) target_semaphore(%run_scoped3A : memref<!tpu.dma_semaphore, #tpu.memory_space<semaphore_mem>>)
          %dma_wait3A = arith.constant 2560 : i32
          %dma_wait3A_46 = arith.constant 0 : i32
          %dma_wait3A_47 = tpu.memref_slice %arg15[%dma_wait3A, %dma_wait3A_46] : memref<2576x16xf32, #tpu.memory_space<vmem_shared>> -> memref<16x16xf32, #tpu.memory_space<vmem_shared>>
          %dma_wait3A_48 = arith.constant 0 : i32
          %dma_wait3A_49 = arith.constant 0 : i32
          %dma_wait3A_50 = tpu.memref_slice %arg9[%dma_wait3A_48, %dma_wait3A_49] : memref<160x16xf32, #tpu.memory_space<hbm>> -> memref<16x16xf32, #tpu.memory_space<hbm>>
          tpu.wait_dma2 semaphore(%run_scoped3A : memref<!tpu.dma_semaphore, #tpu.memory_space<semaphore_mem>>) src(%dma_wait3A_50 : memref<16x16xf32, #tpu.memory_space<hbm>>) dst(%dma_wait3A_47 : memref<16x16xf32, #tpu.memory_space<vmem_shared>>)
          tpu.yield
        }) : () -> ()
      } else {
      }
      %mul3A_19 = arith.constant 4 : i32
      %mul3A_20 = arith.muli %mul3A_10, %mul3A_19 : i32
      "tpu.region"() ({
        %run_scoped3A = tpu.sem_alloc : memref<!tpu.dma_semaphore, #tpu.memory_space<semaphore_mem>>
        %dma_start3A = arith.constant 0 : i32
        %dma_start3A_41 = tpu.memref_slice %arg16[%dma_start3A] : memref<10256xf32, #tpu.memory_space<vmem>> -> memref<10240xf32, #tpu.memory_space<vmem>>
        %dma_start3A_42 = tpu.memref_slice %arg5[%mul3A_20] : memref<204800xf32, #tpu.memory_space<hbm>> -> memref<10240xf32, #tpu.memory_space<hbm>>
        %dma_start3A_43 = arith.constant 0 : i32
        %dma_start3A_44 = tpu.memref_slice %arg16[%dma_start3A_43] : memref<10256xf32, #tpu.memory_space<vmem>> -> memref<10240xf32, #tpu.memory_space<vmem>>
        %dma_start3A_45 = tpu.memref_slice %arg5[%mul3A_20] : memref<204800xf32, #tpu.memory_space<hbm>> -> memref<10240xf32, #tpu.memory_space<hbm>>
        tpu.enqueue_dma source(%dma_start3A_45 : memref<10240xf32, #tpu.memory_space<hbm>>) target(%dma_start3A_44 : memref<10240xf32, #tpu.memory_space<vmem>>) target_semaphore(%run_scoped3A : memref<!tpu.dma_semaphore, #tpu.memory_space<semaphore_mem>>)
        %dma_wait3A = arith.constant 0 : i32
        %dma_wait3A_46 = tpu.memref_slice %arg16[%dma_wait3A] : memref<10256xf32, #tpu.memory_space<vmem>> -> memref<10240xf32, #tpu.memory_space<vmem>>
        %dma_wait3A_47 = tpu.memref_slice %arg5[%mul3A_20] : memref<204800xf32, #tpu.memory_space<hbm>> -> memref<10240xf32, #tpu.memory_space<hbm>>
        %dma_wait3A_48 = arith.constant 0 : i32
        %dma_wait3A_49 = tpu.memref_slice %arg16[%dma_wait3A_48] : memref<10256xf32, #tpu.memory_space<vmem>> -> memref<10240xf32, #tpu.memory_space<vmem>>
        %dma_wait3A_50 = tpu.memref_slice %arg5[%mul3A_20] : memref<204800xf32, #tpu.memory_space<hbm>> -> memref<10240xf32, #tpu.memory_space<hbm>>
        tpu.wait_dma2 semaphore(%run_scoped3A : memref<!tpu.dma_semaphore, #tpu.memory_space<semaphore_mem>>) src(%dma_wait3A_50 : memref<10240xf32, #tpu.memory_space<hbm>>) dst(%dma_wait3A_49 : memref<10240xf32, #tpu.memory_space<vmem>>)
        tpu.yield
      }) : () -> ()
      %mul3A_21 = arith.constant 20 : i32
      %mul3A_22 = arith.muli %add3A, %mul3A_21 : i32
      %add3A_23 = arith.addi %mul3A_22, %scan3A_8 : i32
      %mul3A_24 = arith.constant 1792 : i32
      %mul3A_25 = arith.muli %add3A_23, %mul3A_24 : i32
      "tpu.region"() ({
        %run_scoped3A = tpu.sem_alloc : memref<!tpu.dma_semaphore, #tpu.memory_space<semaphore_mem>>
        %dma_start3A = tpu.memref_slice %arg6[%mul3A_25] : memref<1146880xi32, #tpu.memory_space<hbm>> -> memref<1792xi32, #tpu.memory_space<hbm>>
        %dma_start3A_41 = tpu.memref_slice %arg6[%mul3A_25] : memref<1146880xi32, #tpu.memory_space<hbm>> -> memref<1792xi32, #tpu.memory_space<hbm>>
        tpu.enqueue_dma source(%dma_start3A_41 : memref<1792xi32, #tpu.memory_space<hbm>>) target(%arg21 : memref<1792xi32, #tpu.memory_space<vmem>>) target_semaphore(%run_scoped3A : memref<!tpu.dma_semaphore, #tpu.memory_space<semaphore_mem>>)
        %dma_wait3A = tpu.memref_slice %arg6[%mul3A_25] : memref<1146880xi32, #tpu.memory_space<hbm>> -> memref<1792xi32, #tpu.memory_space<hbm>>
        %dma_wait3A_42 = tpu.memref_slice %arg6[%mul3A_25] : memref<1146880xi32, #tpu.memory_space<hbm>> -> memref<1792xi32, #tpu.memory_space<hbm>>
        tpu.wait_dma2 semaphore(%run_scoped3A : memref<!tpu.dma_semaphore, #tpu.memory_space<semaphore_mem>>) src(%dma_wait3A_42 : memref<1792xi32, #tpu.memory_space<hbm>>) dst(%arg21 : memref<1792xi32, #tpu.memory_space<vmem>>)
        tpu.yield
      }) : () -> ()
      %barrier3A = arith.constant 0 : index
      tpu.barrier barrier_id(%barrier3A)
      %get3A = arith.index_cast %scan3A_8 : i32 to index
      %get3A_26 = tpu.vector_load %arg25[%get3A] {strides = array<i32>} : memref<52xi32, #tpu.memory_space<vmem>>, vector<16xi32>,
      %get3A_27 = vector.shape_cast %get3A_26 : vector<16xi32> to vector<16xi32>
      %slice3A = vector.extract_strided_slice %get3A_27 {offsets = [0], sizes = [1], strides = [1]} : vector<16xi32> to vector<1xi32>
      %squeeze3A = vector.extract %slice3A[0] : i32 from vector<1xi32>
      %scan3A_28 = arith.constant 0 : i32
      %scan3A_29 = arith.constant 0 : i32
      %scan3A_30 = arith.constant 28 : i32
      %scan3A_31 = arith.addi %scan3A_29, %scan3A_30 : i32
      %scan3A_32 = arith.constant 1 : i32
      scf.for %scan3A_41 = %scan3A_29 to %scan3A_31 step %scan3A_32  : i32 {
        %mul3A_42 = arith.constant 64 : i32
        %mul3A_43 = arith.muli %scan3A_41, %mul3A_42 : i32
        %lt3A = arith.cmpi slt, %mul3A_43, %squeeze3A : i32
        %convert_element_type3A_44 = arith.extui %lt3A : i1 to i32
        %cond3A_45 = arith.constant 0 : i32
        %cond3A_46 = arith.cmpi ne, %convert_element_type3A_44, %cond3A_45 : i32
        scf.if %cond3A_46 {
          %mul3A_47 = arith.constant 64 : i32
          %mul3A_48 = arith.muli %scan3A_41, %mul3A_47 : i32
          %add3A_49 = arith.constant 0 : i32
          %add3A_50 = arith.addi %mul3A_48, %add3A_49 : i32
          %get3A_51 = arith.index_cast %add3A_50 : i32 to index
          %get3A_52 = tpu.vector_load %arg21[%get3A_51] {strides = array<i32>} : memref<1792xi32, #tpu.memory_space<vmem>>, vector<16xi32>,
          %get3A_53 = vector.shape_cast %get3A_52 : vector<16xi32> to vector<16xi32>
          %add3A_54 = arith.constant 0 : i32
          %add3A_55 = arith.addi %mul3A_48, %add3A_54 : i32
          %add3A_56 = vector.broadcast %add3A_55 : i32 to vector<16xi32>
          %add3A_57 = arith.addi %iota3A, %add3A_56 : vector<16xi32>
          %lt3A_58 = vector.broadcast %squeeze3A : i32 to vector<16xi32>
          %lt3A_59 = arith.cmpi slt, %add3A_57, %lt3A_58 : vector<16xi32>
          %and3A = arith.constant 65535 : i32
          %and3A_60 = vector.broadcast %and3A : i32 to vector<16xi32>
          %and3A_61 = arith.andi %get3A_53, %and3A_60 : vector<16xi32>
          %jit3A = arith.constant 0 : i32
          %broadcast_in_dim3A = vector.broadcast %jit3A : i32 to vector<16xi32>
          %select_n3A = arith.select %lt3A_59, %and3A_61, %broadcast_in_dim3A : vector<16xi1>, vector<16xi32>
          %swap3A = arith.constant 0 : index
          %swap3A_62 = tpu.vector_load %arg22[%swap3A] {strides = array<i32>} : memref<64xi32, #tpu.memory_space<vmem>>, vector<16xi32>,
          %swap3A_63 = vector.shape_cast %swap3A_62 : vector<16xi32> to vector<16xi32>
          %swap3A_64 = vector.shape_cast %select_n3A : vector<16xi32> to vector<16xi32>
          tpu.vector_store %arg22[%swap3A], %swap3A_64 {strides = array<i32>} : memref<64xi32, #tpu.memory_space<vmem>>, vector<16xi32>,
          %shift_right_arithmetic3A = arith.constant 16 : i32
          %shift_right_arithmetic3A_65 = vector.broadcast %shift_right_arithmetic3A : i32 to vector<16xi32>
          %shift_right_arithmetic3A_66 = arith.shrsi %get3A_53, %shift_right_arithmetic3A_65 : vector<16xi32>
          %jit3A_67 = arith.constant 2560 : i32
          %broadcast_in_dim3A_68 = vector.broadcast %jit3A_67 : i32 to vector<16xi32>
          %select_n3A_69 = arith.select %lt3A_59, %shift_right_arithmetic3A_66, %broadcast_in_dim3A_68 : vector<16xi1>, vector<16xi32>
          %swap3A_70 = arith.constant 0 : index
          %swap3A_71 = tpu.vector_load %arg23[%swap3A_70] {strides = array<i32>} : memref<64xi32, #tpu.memory_space<vmem>>, vector<16xi32>,
          %swap3A_72 = vector.shape_cast %swap3A_71 : vector<16xi32> to vector<16xi32>
          %swap3A_73 = vector.shape_cast %select_n3A_69 : vector<16xi32> to vector<16xi32>
          tpu.vector_store %arg23[%swap3A_70], %swap3A_73 {strides = array<i32>} : memref<64xi32, #tpu.memory_space<vmem>>, vector<16xi32>,
          %swap3A_74 = arith.constant 0 : index
          %swap3A_75 = tpu.vector_load %arg24[%swap3A_74] {strides = array<i32>} : memref<80xi32, #tpu.memory_space<vmem>>, vector<16xi32>,
          %swap3A_76 = vector.shape_cast %swap3A_75 : vector<16xi32> to vector<16xi32>
          %swap3A_77 = vector.shape_cast %select_n3A_69 : vector<16xi32> to vector<16xi32>
          tpu.vector_store %arg24[%swap3A_74], %swap3A_77 {strides = array<i32>} : memref<80xi32, #tpu.memory_space<vmem>>, vector<16xi32>,
          %add3A_78 = arith.constant 16 : i32
          %add3A_79 = arith.addi %mul3A_48, %add3A_78 : i32
          %get3A_80 = arith.index_cast %add3A_79 : i32 to index
          %get3A_81 = tpu.vector_load %arg21[%get3A_80] {strides = array<i32>} : memref<1792xi32, #tpu.memory_space<vmem>>, vector<16xi32>,
          %get3A_82 = vector.shape_cast %get3A_81 : vector<16xi32> to vector<16xi32>
          %add3A_83 = arith.constant 16 : i32
          %add3A_84 = arith.addi %mul3A_48, %add3A_83 : i32
          %add3A_85 = vector.broadcast %add3A_84 : i32 to vector<16xi32>
          %add3A_86 = arith.addi %iota3A, %add3A_85 : vector<16xi32>
          %lt3A_87 = vector.broadcast %squeeze3A : i32 to vector<16xi32>
          %lt3A_88 = arith.cmpi slt, %add3A_86, %lt3A_87 : vector<16xi32>
          %and3A_89 = arith.constant 65535 : i32
          %and3A_90 = vector.broadcast %and3A_89 : i32 to vector<16xi32>
          %and3A_91 = arith.andi %get3A_82, %and3A_90 : vector<16xi32>
          %jit3A_92 = arith.constant 0 : i32
          %broadcast_in_dim3A_93 = vector.broadcast %jit3A_92 : i32 to vector<16xi32>
          %select_n3A_94 = arith.select %lt3A_88, %and3A_91, %broadcast_in_dim3A_93 : vector<16xi1>, vector<16xi32>
          %swap3A_95 = arith.constant 16 : index
          %swap3A_96 = tpu.vector_load %arg22[%swap3A_95] {strides = array<i32>} : memref<64xi32, #tpu.memory_space<vmem>>, vector<16xi32>,
          %swap3A_97 = vector.shape_cast %swap3A_96 : vector<16xi32> to vector<16xi32>
          %swap3A_98 = vector.shape_cast %select_n3A_94 : vector<16xi32> to vector<16xi32>
          tpu.vector_store %arg22[%swap3A_95], %swap3A_98 {strides = array<i32>} : memref<64xi32, #tpu.memory_space<vmem>>, vector<16xi32>,
          %shift_right_arithmetic3A_99 = arith.constant 16 : i32
          %shift_right_arithmetic3A_100 = vector.broadcast %shift_right_arithmetic3A_99 : i32 to vector<16xi32>
          %shift_right_arithmetic3A_101 = arith.shrsi %get3A_82, %shift_right_arithmetic3A_100 : vector<16xi32>
          %jit3A_102 = arith.constant 2560 : i32
          %broadcast_in_dim3A_103 = vector.broadcast %jit3A_102 : i32 to vector<16xi32>
          %select_n3A_104 = arith.select %lt3A_88, %shift_right_arithmetic3A_101, %broadcast_in_dim3A_103 : vector<16xi1>, vector<16xi32>
          %swap3A_105 = arith.constant 16 : index
          %swap3A_106 = tpu.vector_load %arg23[%swap3A_105] {strides = array<i32>} : memref<64xi32, #tpu.memory_space<vmem>>, vector<16xi32>,
          %swap3A_107 = vector.shape_cast %swap3A_106 : vector<16xi32> to vector<16xi32>
          %swap3A_108 = vector.shape_cast %select_n3A_104 : vector<16xi32> to vector<16xi32>
          tpu.vector_store %arg23[%swap3A_105], %swap3A_108 {strides = array<i32>} : memref<64xi32, #tpu.memory_space<vmem>>, vector<16xi32>,
          %swap3A_109 = arith.constant 16 : index
          %swap3A_110 = tpu.vector_load %arg24[%swap3A_109] {strides = array<i32>} : memref<80xi32, #tpu.memory_space<vmem>>, vector<16xi32>,
          %swap3A_111 = vector.shape_cast %swap3A_110 : vector<16xi32> to vector<16xi32>
          %swap3A_112 = vector.shape_cast %select_n3A_104 : vector<16xi32> to vector<16xi32>
          tpu.vector_store %arg24[%swap3A_109], %swap3A_112 {strides = array<i32>} : memref<80xi32, #tpu.memory_space<vmem>>, vector<16xi32>,
          %add3A_113 = arith.constant 32 : i32
          %add3A_114 = arith.addi %mul3A_48, %add3A_113 : i32
          %get3A_115 = arith.index_cast %add3A_114 : i32 to index
          %get3A_116 = tpu.vector_load %arg21[%get3A_115] {strides = array<i32>} : memref<1792xi32, #tpu.memory_space<vmem>>, vector<16xi32>,
          %get3A_117 = vector.shape_cast %get3A_116 : vector<16xi32> to vector<16xi32>
          %add3A_118 = arith.constant 32 : i32
          %add3A_119 = arith.addi %mul3A_48, %add3A_118 : i32
          %add3A_120 = vector.broadcast %add3A_119 : i32 to vector<16xi32>
          %add3A_121 = arith.addi %iota3A, %add3A_120 : vector<16xi32>
          %lt3A_122 = vector.broadcast %squeeze3A : i32 to vector<16xi32>
          %lt3A_123 = arith.cmpi slt, %add3A_121, %lt3A_122 : vector<16xi32>
          %and3A_124 = arith.constant 65535 : i32
          %and3A_125 = vector.broadcast %and3A_124 : i32 to vector<16xi32>
          %and3A_126 = arith.andi %get3A_117, %and3A_125 : vector<16xi32>
          %jit3A_127 = arith.constant 0 : i32
          %broadcast_in_dim3A_128 = vector.broadcast %jit3A_127 : i32 to vector<16xi32>
          %select_n3A_129 = arith.select %lt3A_123, %and3A_126, %broadcast_in_dim3A_128 : vector<16xi1>, vector<16xi32>
          %swap3A_130 = arith.constant 32 : index
          %swap3A_131 = tpu.vector_load %arg22[%swap3A_130] {strides = array<i32>} : memref<64xi32, #tpu.memory_space<vmem>>, vector<16xi32>,
          %swap3A_132 = vector.shape_cast %swap3A_131 : vector<16xi32> to vector<16xi32>
          %swap3A_133 = vector.shape_cast %select_n3A_129 : vector<16xi32> to vector<16xi32>
          tpu.vector_store %arg22[%swap3A_130], %swap3A_133 {strides = array<i32>} : memref<64xi32, #tpu.memory_space<vmem>>, vector<16xi32>,
          %shift_right_arithmetic3A_134 = arith.constant 16 : i32
          %shift_right_arithmetic3A_135 = vector.broadcast %shift_right_arithmetic3A_134 : i32 to vector<16xi32>
          %shift_right_arithmetic3A_136 = arith.shrsi %get3A_117, %shift_right_arithmetic3A_135 : vector<16xi32>
          %jit3A_137 = arith.constant 2560 : i32
          %broadcast_in_dim3A_138 = vector.broadcast %jit3A_137 : i32 to vector<16xi32>
          %select_n3A_139 = arith.select %lt3A_123, %shift_right_arithmetic3A_136, %broadcast_in_dim3A_138 : vector<16xi1>, vector<16xi32>
          %swap3A_140 = arith.constant 32 : index
          %swap3A_141 = tpu.vector_load %arg23[%swap3A_140] {strides = array<i32>} : memref<64xi32, #tpu.memory_space<vmem>>, vector<16xi32>,
          %swap3A_142 = vector.shape_cast %swap3A_141 : vector<16xi32> to vector<16xi32>
          %swap3A_143 = vector.shape_cast %select_n3A_139 : vector<16xi32> to vector<16xi32>
          tpu.vector_store %arg23[%swap3A_140], %swap3A_143 {strides = array<i32>} : memref<64xi32, #tpu.memory_space<vmem>>, vector<16xi32>,
          %swap3A_144 = arith.constant 32 : index
          %swap3A_145 = tpu.vector_load %arg24[%swap3A_144] {strides = array<i32>} : memref<80xi32, #tpu.memory_space<vmem>>, vector<16xi32>,
          %swap3A_146 = vector.shape_cast %swap3A_145 : vector<16xi32> to vector<16xi32>
          %swap3A_147 = vector.shape_cast %select_n3A_139 : vector<16xi32> to vector<16xi32>
          tpu.vector_store %arg24[%swap3A_144], %swap3A_147 {strides = array<i32>} : memref<80xi32, #tpu.memory_space<vmem>>, vector<16xi32>,
          %add3A_148 = arith.constant 48 : i32
          %add3A_149 = arith.addi %mul3A_48, %add3A_148 : i32
          %get3A_150 = arith.index_cast %add3A_149 : i32 to index
          %get3A_151 = tpu.vector_load %arg21[%get3A_150] {strides = array<i32>} : memref<1792xi32, #tpu.memory_space<vmem>>, vector<16xi32>,
          %get3A_152 = vector.shape_cast %get3A_151 : vector<16xi32> to vector<16xi32>
          %add3A_153 = arith.constant 48 : i32
          %add3A_154 = arith.addi %mul3A_48, %add3A_153 : i32
          %add3A_155 = vector.broadcast %add3A_154 : i32 to vector<16xi32>
          %add3A_156 = arith.addi %iota3A, %add3A_155 : vector<16xi32>
          %lt3A_157 = vector.broadcast %squeeze3A : i32 to vector<16xi32>
          %lt3A_158 = arith.cmpi slt, %add3A_156, %lt3A_157 : vector<16xi32>
          %and3A_159 = arith.constant 65535 : i32
          %and3A_160 = vector.broadcast %and3A_159 : i32 to vector<16xi32>
          %and3A_161 = arith.andi %get3A_152, %and3A_160 : vector<16xi32>
          %jit3A_162 = arith.constant 0 : i32
          %broadcast_in_dim3A_163 = vector.broadcast %jit3A_162 : i32 to vector<16xi32>
          %select_n3A_164 = arith.select %lt3A_158, %and3A_161, %broadcast_in_dim3A_163 : vector<16xi1>, vector<16xi32>
          %swap3A_165 = arith.constant 48 : index
          %swap3A_166 = tpu.vector_load %arg22[%swap3A_165] {strides = array<i32>} : memref<64xi32, #tpu.memory_space<vmem>>, vector<16xi32>,
          %swap3A_167 = vector.shape_cast %swap3A_166 : vector<16xi32> to vector<16xi32>
          %swap3A_168 = vector.shape_cast %select_n3A_164 : vector<16xi32> to vector<16xi32>
          tpu.vector_store %arg22[%swap3A_165], %swap3A_168 {strides = array<i32>} : memref<64xi32, #tpu.memory_space<vmem>>, vector<16xi32>,
          %shift_right_arithmetic3A_169 = arith.constant 16 : i32
          %shift_right_arithmetic3A_170 = vector.broadcast %shift_right_arithmetic3A_169 : i32 to vector<16xi32>
          %shift_right_arithmetic3A_171 = arith.shrsi %get3A_152, %shift_right_arithmetic3A_170 : vector<16xi32>
          %jit3A_172 = arith.constant 2560 : i32
          %broadcast_in_dim3A_173 = vector.broadcast %jit3A_172 : i32 to vector<16xi32>
          %select_n3A_174 = arith.select %lt3A_158, %shift_right_arithmetic3A_171, %broadcast_in_dim3A_173 : vector<16xi1>, vector<16xi32>
          %swap3A_175 = arith.constant 48 : index
          %swap3A_176 = tpu.vector_load %arg23[%swap3A_175] {strides = array<i32>} : memref<64xi32, #tpu.memory_space<vmem>>, vector<16xi32>,
          %swap3A_177 = vector.shape_cast %swap3A_176 : vector<16xi32> to vector<16xi32>
          %swap3A_178 = vector.shape_cast %select_n3A_174 : vector<16xi32> to vector<16xi32>
          tpu.vector_store %arg23[%swap3A_175], %swap3A_178 {strides = array<i32>} : memref<64xi32, #tpu.memory_space<vmem>>, vector<16xi32>,
          %swap3A_179 = arith.constant 48 : index
          %swap3A_180 = tpu.vector_load %arg24[%swap3A_179] {strides = array<i32>} : memref<80xi32, #tpu.memory_space<vmem>>, vector<16xi32>,
          %swap3A_181 = vector.shape_cast %swap3A_180 : vector<16xi32> to vector<16xi32>
          %swap3A_182 = vector.shape_cast %select_n3A_174 : vector<16xi32> to vector<16xi32>
          tpu.vector_store %arg24[%swap3A_179], %swap3A_182 {strides = array<i32>} : memref<80xi32, #tpu.memory_space<vmem>>, vector<16xi32>,
          "tpu.region"() ({
            %run_scoped3A = tpu.sem_alloc : memref<!tpu.dma_semaphore, #tpu.memory_space<semaphore_mem>>
            %dma_start3A = arith.constant 0 : i32
            %dma_start3A_189 = arith.constant 0 : i32
            %dma_start3A_190 = tpu.memref_slice %arg2[%dma_start3A, %dma_start3A_189] : memref<50000x128xf32, #tpu.memory_space<hbm>> -> memref<50000x128xf32, #tpu.memory_space<hbm>>
            tpu.enqueue_indirect_dma source(%dma_start3A_190 : memref<50000x128xf32, #tpu.memory_space<hbm>>) target(%arg17 : memref<64x128xf32, #tpu.memory_space<vmem>>) offsets(%arg22 : memref<64xi32, #tpu.memory_space<vmem>>) semaphore(%run_scoped3A : memref<!tpu.dma_semaphore, #tpu.memory_space<semaphore_mem>>)
            %dma_wait3A = arith.constant 0 : i32
            %dma_wait3A_191 = arith.constant 0 : i32
            %dma_wait3A_192 = tpu.memref_slice %arg2[%dma_wait3A, %dma_wait3A_191] : memref<50000x128xf32, #tpu.memory_space<hbm>> -> memref<50000x128xf32, #tpu.memory_space<hbm>>
            tpu.wait_indirect_dma semaphore(%run_scoped3A : memref<!tpu.dma_semaphore, #tpu.memory_space<semaphore_mem>>) src(%dma_wait3A_192 : memref<50000x128xf32, #tpu.memory_space<hbm>>) dst(%arg17 : memref<64x128xf32, #tpu.memory_space<vmem>>)
            tpu.yield
          }) : () -> ()
          "tpu.region"() ({
            %run_scoped3A = tpu.sem_alloc : memref<!tpu.dma_semaphore, #tpu.memory_space<semaphore_mem>>
            %dma_start3A = arith.constant 0 : i32
            %dma_start3A_189 = arith.constant 0 : i32
            %dma_start3A_190 = tpu.memref_slice %arg3[%dma_start3A, %dma_start3A_189] : memref<50000x128xf32, #tpu.memory_space<hbm>> -> memref<50000x128xf32, #tpu.memory_space<hbm>>
            tpu.enqueue_indirect_dma source(%dma_start3A_190 : memref<50000x128xf32, #tpu.memory_space<hbm>>) target(%arg18 : memref<64x128xf32, #tpu.memory_space<vmem>>) offsets(%arg22 : memref<64xi32, #tpu.memory_space<vmem>>) semaphore(%run_scoped3A : memref<!tpu.dma_semaphore, #tpu.memory_space<semaphore_mem>>)
            %dma_wait3A = arith.constant 0 : i32
            %dma_wait3A_191 = arith.constant 0 : i32
            %dma_wait3A_192 = tpu.memref_slice %arg3[%dma_wait3A, %dma_wait3A_191] : memref<50000x128xf32, #tpu.memory_space<hbm>> -> memref<50000x128xf32, #tpu.memory_space<hbm>>
            tpu.wait_indirect_dma semaphore(%run_scoped3A : memref<!tpu.dma_semaphore, #tpu.memory_space<semaphore_mem>>) src(%dma_wait3A_192 : memref<50000x128xf32, #tpu.memory_space<hbm>>) dst(%arg18 : memref<64x128xf32, #tpu.memory_space<vmem>>)
            tpu.yield
          }) : () -> ()
          "tpu.region"() ({
            %run_scoped3A = tpu.sem_alloc : memref<!tpu.dma_semaphore, #tpu.memory_space<semaphore_mem>>
            %dma_start3A = arith.constant 0 : i32
            %dma_start3A_189 = arith.constant 0 : i32
            %dma_start3A_190 = tpu.memref_slice %arg4[%dma_start3A, %dma_start3A_189] : memref<50000x128xf32, #tpu.memory_space<hbm>> -> memref<50000x128xf32, #tpu.memory_space<hbm>>
            tpu.enqueue_indirect_dma source(%dma_start3A_190 : memref<50000x128xf32, #tpu.memory_space<hbm>>) target(%arg19 : memref<64x128xf32, #tpu.memory_space<vmem>>) offsets(%arg22 : memref<64xi32, #tpu.memory_space<vmem>>) semaphore(%run_scoped3A : memref<!tpu.dma_semaphore, #tpu.memory_space<semaphore_mem>>)
            %dma_wait3A = arith.constant 0 : i32
            %dma_wait3A_191 = arith.constant 0 : i32
            %dma_wait3A_192 = tpu.memref_slice %arg4[%dma_wait3A, %dma_wait3A_191] : memref<50000x128xf32, #tpu.memory_space<hbm>> -> memref<50000x128xf32, #tpu.memory_space<hbm>>
            tpu.wait_indirect_dma semaphore(%run_scoped3A : memref<!tpu.dma_semaphore, #tpu.memory_space<semaphore_mem>>) src(%dma_wait3A_192 : memref<50000x128xf32, #tpu.memory_space<hbm>>) dst(%arg19 : memref<64x128xf32, #tpu.memory_space<vmem>>)
            tpu.yield
          }) : () -> ()
          %scan3A_183 = arith.constant 0 : i32
          %scan3A_184 = arith.constant 0 : i32
          %scan3A_185 = arith.constant 64 : i32
          %scan3A_186 = arith.addi %scan3A_184, %scan3A_185 : i32
          %scan3A_187 = arith.constant 1 : i32
          scf.for %scan3A_189 = %scan3A_184 to %scan3A_186 step %scan3A_187  : i32 {
            %get3A_190 = arith.index_cast %scan3A_189 : i32 to index
            %get3A_191 = tpu.vector_load %arg24[%get3A_190] {strides = array<i32>} : memref<80xi32, #tpu.memory_space<vmem>>, vector<16xi32>,
            %get3A_192 = vector.shape_cast %get3A_191 : vector<16xi32> to vector<16xi32>
            %slice3A_193 = vector.extract_strided_slice %get3A_192 {offsets = [0], sizes = [1], strides = [1]} : vector<16xi32> to vector<1xi32>
            %squeeze3A_194 = vector.extract %slice3A_193[0] : i32 from vector<1xi32>
            %get3A_195 = arith.index_cast %scan3A_189 : i32 to index
            %get3A_196 = arith.constant 0 : index
            %get3A_197 = tpu.vector_load %arg19[%get3A_195, %get3A_196] {strides = array<i32>} : memref<64x128xf32, #tpu.memory_space<vmem>>, vector<1x16xf32>,
            %get3A_198 = vector.shape_cast %get3A_197 : vector<1x16xf32> to vector<16xf32>
            %mul3A_199 = arith.constant 4 : i32
            %mul3A_200 = arith.muli %mul3A_199, %squeeze3A_194 : i32
            %get3A_201 = arith.index_cast %mul3A_200 : i32 to index
            %get3A_202 = tpu.vector_load %arg16[%get3A_201] {strides = array<i32>} : memref<10256xf32, #tpu.memory_space<vmem>>, vector<16xf32>,
            %get3A_203 = vector.shape_cast %get3A_202 : vector<16xf32> to vector<16xf32>
            %add3A_204 = arith.addf %get3A_198, %get3A_203 : vector<16xf32>
            %gt3A = arith.constant 0.000000e+00 : f32
            %gt3A_205 = vector.broadcast %gt3A : f32 to vector<16xf32>
            %gt3A_206 = arith.cmpf ogt, %add3A_204, %gt3A_205 : vector<16xf32>
            %mul3A_207 = arith.constant 2.000000e-01 : f32
            %mul3A_208 = vector.broadcast %mul3A_207 : f32 to vector<16xf32>
            %mul3A_209 = arith.mulf %mul3A_208, %add3A_204 : vector<16xf32>
            %select_n3A_210 = arith.select %gt3A_206, %add3A_204, %mul3A_209 : vector<16xi1>, vector<16xf32>
            %exp3A = math.exp %select_n3A_210 : vector<16xf32>
            %swap3A_211 = arith.index_cast %scan3A_189 : i32 to index
            %swap3A_212 = arith.constant 0 : index
            %swap3A_213 = tpu.vector_load %arg20[%swap3A_211, %swap3A_212] {strides = array<i32>} : memref<64x16xf32, #tpu.memory_space<vmem>>, vector<1x16xf32>,
            %swap3A_214 = vector.shape_cast %swap3A_213 : vector<1x16xf32> to vector<16xf32>
            %swap3A_215 = vector.shape_cast %exp3A : vector<16xf32> to vector<1x16xf32>
            tpu.vector_store %arg20[%swap3A_211, %swap3A_212], %swap3A_215 {strides = array<i32>} : memref<64x16xf32, #tpu.memory_space<vmem>>, vector<1x16xf32>,
            %slice3A_216 = vector.extract_strided_slice %exp3A {offsets = [0], sizes = [1], strides = [1]} : vector<16xf32> to vector<1xf32>
            %squeeze3A_217 = vector.extract %slice3A_216[0] : f32 from vector<1xf32>
            %get3A_218 = arith.index_cast %scan3A_189 : i32 to index
            %get3A_219 = arith.constant 0 : index
            %get3A_220 = tpu.vector_load %arg17[%get3A_218, %get3A_219] {strides = array<i32>} : memref<64x128xf32, #tpu.memory_space<vmem>>, vector<1x16xf32>,
            %get3A_221 = vector.shape_cast %get3A_220 : vector<1x16xf32> to vector<16xf32>
            %mul3A_222 = vector.broadcast %squeeze3A_217 : f32 to vector<16xf32>
            %mul3A_223 = arith.mulf %get3A_221, %mul3A_222 : vector<16xf32>
            %swap3A_224 = arith.index_cast %scan3A_189 : i32 to index
            %swap3A_225 = arith.constant 0 : index
            %swap3A_226 = tpu.vector_load %arg17[%swap3A_224, %swap3A_225] {strides = array<i32>} : memref<64x128xf32, #tpu.memory_space<vmem>>, vector<1x16xf32>,
            %swap3A_227 = vector.shape_cast %swap3A_226 : vector<1x16xf32> to vector<16xf32>
            %swap3A_228 = vector.shape_cast %mul3A_223 : vector<16xf32> to vector<1x16xf32>
            tpu.vector_store %arg17[%swap3A_224, %swap3A_225], %swap3A_228 {strides = array<i32>} : memref<64x128xf32, #tpu.memory_space<vmem>>, vector<1x16xf32>,
            %get3A_229 = arith.index_cast %scan3A_189 : i32 to index
            %get3A_230 = arith.constant 16 : index
            %get3A_231 = tpu.vector_load %arg17[%get3A_229, %get3A_230] {strides = array<i32>} : memref<64x128xf32, #tpu.memory_space<vmem>>, vector<1x16xf32>,
            %get3A_232 = vector.shape_cast %get3A_231 : vector<1x16xf32> to vector<16xf32>
            %mul3A_233 = vector.broadcast %squeeze3A_217 : f32 to vector<16xf32>
            %mul3A_234 = arith.mulf %get3A_232, %mul3A_233 : vector<16xf32>
            %swap3A_235 = arith.index_cast %scan3A_189 : i32 to index
            %swap3A_236 = arith.constant 16 : index
            %swap3A_237 = tpu.vector_load %arg17[%swap3A_235, %swap3A_236] {strides = array<i32>} : memref<64x128xf32, #tpu.memory_space<vmem>>, vector<1x16xf32>,
            %swap3A_238 = vector.shape_cast %swap3A_237 : vector<1x16xf32> to vector<16xf32>
            %swap3A_239 = vector.shape_cast %mul3A_234 : vector<16xf32> to vector<1x16xf32>
            tpu.vector_store %arg17[%swap3A_235, %swap3A_236], %swap3A_239 {strides = array<i32>} : memref<64x128xf32, #tpu.memory_space<vmem>>, vector<1x16xf32>,
            %get3A_240 = arith.index_cast %scan3A_189 : i32 to index
            %get3A_241 = arith.constant 32 : index
            %get3A_242 = tpu.vector_load %arg17[%get3A_240, %get3A_241] {strides = array<i32>} : memref<64x128xf32, #tpu.memory_space<vmem>>, vector<1x16xf32>,
            %get3A_243 = vector.shape_cast %get3A_242 : vector<1x16xf32> to vector<16xf32>
            %mul3A_244 = vector.broadcast %squeeze3A_217 : f32 to vector<16xf32>
            %mul3A_245 = arith.mulf %get3A_243, %mul3A_244 : vector<16xf32>
            %swap3A_246 = arith.index_cast %scan3A_189 : i32 to index
            %swap3A_247 = arith.constant 32 : index
            %swap3A_248 = tpu.vector_load %arg17[%swap3A_246, %swap3A_247] {strides = array<i32>} : memref<64x128xf32, #tpu.memory_space<vmem>>, vector<1x16xf32>,
            %swap3A_249 = vector.shape_cast %swap3A_248 : vector<1x16xf32> to vector<16xf32>
            %swap3A_250 = vector.shape_cast %mul3A_245 : vector<16xf32> to vector<1x16xf32>
            tpu.vector_store %arg17[%swap3A_246, %swap3A_247], %swap3A_250 {strides = array<i32>} : memref<64x128xf32, #tpu.memory_space<vmem>>, vector<1x16xf32>,
            %get3A_251 = arith.index_cast %scan3A_189 : i32 to index
            %get3A_252 = arith.constant 48 : index
            %get3A_253 = tpu.vector_load %arg17[%get3A_251, %get3A_252] {strides = array<i32>} : memref<64x128xf32, #tpu.memory_space<vmem>>, vector<1x16xf32>,
            %get3A_254 = vector.shape_cast %get3A_253 : vector<1x16xf32> to vector<16xf32>
            %mul3A_255 = vector.broadcast %squeeze3A_217 : f32 to vector<16xf32>
            %mul3A_256 = arith.mulf %get3A_254, %mul3A_255 : vector<16xf32>
            %swap3A_257 = arith.index_cast %scan3A_189 : i32 to index
            %swap3A_258 = arith.constant 48 : index
            %swap3A_259 = tpu.vector_load %arg17[%swap3A_257, %swap3A_258] {strides = array<i32>} : memref<64x128xf32, #tpu.memory_space<vmem>>, vector<1x16xf32>,
            %swap3A_260 = vector.shape_cast %swap3A_259 : vector<1x16xf32> to vector<16xf32>
            %swap3A_261 = vector.shape_cast %mul3A_256 : vector<16xf32> to vector<1x16xf32>
            tpu.vector_store %arg17[%swap3A_257, %swap3A_258], %swap3A_261 {strides = array<i32>} : memref<64x128xf32, #tpu.memory_space<vmem>>, vector<1x16xf32>,
            %slice3A_262 = vector.extract_strided_slice %exp3A {offsets = [1], sizes = [1], strides = [1]} : vector<16xf32> to vector<1xf32>
            %squeeze3A_263 = vector.extract %slice3A_262[0] : f32 from vector<1xf32>
            %get3A_264 = arith.index_cast %scan3A_189 : i32 to index
            %get3A_265 = arith.constant 64 : index
            %get3A_266 = tpu.vector_load %arg17[%get3A_264, %get3A_265] {strides = array<i32>} : memref<64x128xf32, #tpu.memory_space<vmem>>, vector<1x16xf32>,
            %get3A_267 = vector.shape_cast %get3A_266 : vector<1x16xf32> to vector<16xf32>
            %mul3A_268 = vector.broadcast %squeeze3A_263 : f32 to vector<16xf32>
            %mul3A_269 = arith.mulf %get3A_267, %mul3A_268 : vector<16xf32>
            %swap3A_270 = arith.index_cast %scan3A_189 : i32 to index
            %swap3A_271 = arith.constant 64 : index
            %swap3A_272 = tpu.vector_load %arg17[%swap3A_270, %swap3A_271] {strides = array<i32>} : memref<64x128xf32, #tpu.memory_space<vmem>>, vector<1x16xf32>,
            %swap3A_273 = vector.shape_cast %swap3A_272 : vector<1x16xf32> to vector<16xf32>
            %swap3A_274 = vector.shape_cast %mul3A_269 : vector<16xf32> to vector<1x16xf32>
            tpu.vector_store %arg17[%swap3A_270, %swap3A_271], %swap3A_274 {strides = array<i32>} : memref<64x128xf32, #tpu.memory_space<vmem>>, vector<1x16xf32>,
            %get3A_275 = arith.index_cast %scan3A_189 : i32 to index
            %get3A_276 = arith.constant 80 : index
            %get3A_277 = tpu.vector_load %arg17[%get3A_275, %get3A_276] {strides = array<i32>} : memref<64x128xf32, #tpu.memory_space<vmem>>, vector<1x16xf32>,
            %get3A_278 = vector.shape_cast %get3A_277 : vector<1x16xf32> to vector<16xf32>
            %mul3A_279 = vector.broadcast %squeeze3A_263 : f32 to vector<16xf32>
            %mul3A_280 = arith.mulf %get3A_278, %mul3A_279 : vector<16xf32>
            %swap3A_281 = arith.index_cast %scan3A_189 : i32 to index
            %swap3A_282 = arith.constant 80 : index
            %swap3A_283 = tpu.vector_load %arg17[%swap3A_281, %swap3A_282] {strides = array<i32>} : memref<64x128xf32, #tpu.memory_space<vmem>>, vector<1x16xf32>,
            %swap3A_284 = vector.shape_cast %swap3A_283 : vector<1x16xf32> to vector<16xf32>
            %swap3A_285 = vector.shape_cast %mul3A_280 : vector<16xf32> to vector<1x16xf32>
            tpu.vector_store %arg17[%swap3A_281, %swap3A_282], %swap3A_285 {strides = array<i32>} : memref<64x128xf32, #tpu.memory_space<vmem>>, vector<1x16xf32>,
            %get3A_286 = arith.index_cast %scan3A_189 : i32 to index
            %get3A_287 = arith.constant 96 : index
            %get3A_288 = tpu.vector_load %arg17[%get3A_286, %get3A_287] {strides = array<i32>} : memref<64x128xf32, #tpu.memory_space<vmem>>, vector<1x16xf32>,
            %get3A_289 = vector.shape_cast %get3A_288 : vector<1x16xf32> to vector<16xf32>
            %mul3A_290 = vector.broadcast %squeeze3A_263 : f32 to vector<16xf32>
            %mul3A_291 = arith.mulf %get3A_289, %mul3A_290 : vector<16xf32>
            %swap3A_292 = arith.index_cast %scan3A_189 : i32 to index
            %swap3A_293 = arith.constant 96 : index
            %swap3A_294 = tpu.vector_load %arg17[%swap3A_292, %swap3A_293] {strides = array<i32>} : memref<64x128xf32, #tpu.memory_space<vmem>>, vector<1x16xf32>,
            %swap3A_295 = vector.shape_cast %swap3A_294 : vector<1x16xf32> to vector<16xf32>
            %swap3A_296 = vector.shape_cast %mul3A_291 : vector<16xf32> to vector<1x16xf32>
            tpu.vector_store %arg17[%swap3A_292, %swap3A_293], %swap3A_296 {strides = array<i32>} : memref<64x128xf32, #tpu.memory_space<vmem>>, vector<1x16xf32>,
            %get3A_297 = arith.index_cast %scan3A_189 : i32 to index
            %get3A_298 = arith.constant 112 : index
            %get3A_299 = tpu.vector_load %arg17[%get3A_297, %get3A_298] {strides = array<i32>} : memref<64x128xf32, #tpu.memory_space<vmem>>, vector<1x16xf32>,
            %get3A_300 = vector.shape_cast %get3A_299 : vector<1x16xf32> to vector<16xf32>
            %mul3A_301 = vector.broadcast %squeeze3A_263 : f32 to vector<16xf32>
            %mul3A_302 = arith.mulf %get3A_300, %mul3A_301 : vector<16xf32>
            %swap3A_303 = arith.index_cast %scan3A_189 : i32 to index
            %swap3A_304 = arith.constant 112 : index
            %swap3A_305 = tpu.vector_load %arg17[%swap3A_303, %swap3A_304] {strides = array<i32>} : memref<64x128xf32, #tpu.memory_space<vmem>>, vector<1x16xf32>,
            %swap3A_306 = vector.shape_cast %swap3A_305 : vector<1x16xf32> to vector<16xf32>
            %swap3A_307 = vector.shape_cast %mul3A_302 : vector<16xf32> to vector<1x16xf32>
            tpu.vector_store %arg17[%swap3A_303, %swap3A_304], %swap3A_307 {strides = array<i32>} : memref<64x128xf32, #tpu.memory_space<vmem>>, vector<1x16xf32>,
            %slice3A_308 = vector.extract_strided_slice %exp3A {offsets = [2], sizes = [1], strides = [1]} : vector<16xf32> to vector<1xf32>
            %squeeze3A_309 = vector.extract %slice3A_308[0] : f32 from vector<1xf32>
            %get3A_310 = arith.index_cast %scan3A_189 : i32 to index
            %get3A_311 = arith.constant 0 : index
            %get3A_312 = tpu.vector_load %arg18[%get3A_310, %get3A_311] {strides = array<i32>} : memref<64x128xf32, #tpu.memory_space<vmem>>, vector<1x16xf32>,
            %get3A_313 = vector.shape_cast %get3A_312 : vector<1x16xf32> to vector<16xf32>
            %mul3A_314 = vector.broadcast %squeeze3A_309 : f32 to vector<16xf32>
            %mul3A_315 = arith.mulf %get3A_313, %mul3A_314 : vector<16xf32>
            %swap3A_316 = arith.index_cast %scan3A_189 : i32 to index
            %swap3A_317 = arith.constant 0 : index
            %swap3A_318 = tpu.vector_load %arg18[%swap3A_316, %swap3A_317] {strides = array<i32>} : memref<64x128xf32, #tpu.memory_space<vmem>>, vector<1x16xf32>,
            %swap3A_319 = vector.shape_cast %swap3A_318 : vector<1x16xf32> to vector<16xf32>
            %swap3A_320 = vector.shape_cast %mul3A_315 : vector<16xf32> to vector<1x16xf32>
            tpu.vector_store %arg18[%swap3A_316, %swap3A_317], %swap3A_320 {strides = array<i32>} : memref<64x128xf32, #tpu.memory_space<vmem>>, vector<1x16xf32>,
            %get3A_321 = arith.index_cast %scan3A_189 : i32 to index
            %get3A_322 = arith.constant 16 : index
            %get3A_323 = tpu.vector_load %arg18[%get3A_321, %get3A_322] {strides = array<i32>} : memref<64x128xf32, #tpu.memory_space<vmem>>, vector<1x16xf32>,
            %get3A_324 = vector.shape_cast %get3A_323 : vector<1x16xf32> to vector<16xf32>
            %mul3A_325 = vector.broadcast %squeeze3A_309 : f32 to vector<16xf32>
            %mul3A_326 = arith.mulf %get3A_324, %mul3A_325 : vector<16xf32>
            %swap3A_327 = arith.index_cast %scan3A_189 : i32 to index
            %swap3A_328 = arith.constant 16 : index
            %swap3A_329 = tpu.vector_load %arg18[%swap3A_327, %swap3A_328] {strides = array<i32>} : memref<64x128xf32, #tpu.memory_space<vmem>>, vector<1x16xf32>,
            %swap3A_330 = vector.shape_cast %swap3A_329 : vector<1x16xf32> to vector<16xf32>
            %swap3A_331 = vector.shape_cast %mul3A_326 : vector<16xf32> to vector<1x16xf32>
            tpu.vector_store %arg18[%swap3A_327, %swap3A_328], %swap3A_331 {strides = array<i32>} : memref<64x128xf32, #tpu.memory_space<vmem>>, vector<1x16xf32>,
            %get3A_332 = arith.index_cast %scan3A_189 : i32 to index
            %get3A_333 = arith.constant 32 : index
            %get3A_334 = tpu.vector_load %arg18[%get3A_332, %get3A_333] {strides = array<i32>} : memref<64x128xf32, #tpu.memory_space<vmem>>, vector<1x16xf32>,
            %get3A_335 = vector.shape_cast %get3A_334 : vector<1x16xf32> to vector<16xf32>
            %mul3A_336 = vector.broadcast %squeeze3A_309 : f32 to vector<16xf32>
            %mul3A_337 = arith.mulf %get3A_335, %mul3A_336 : vector<16xf32>
            %swap3A_338 = arith.index_cast %scan3A_189 : i32 to index
            %swap3A_339 = arith.constant 32 : index
            %swap3A_340 = tpu.vector_load %arg18[%swap3A_338, %swap3A_339] {strides = array<i32>} : memref<64x128xf32, #tpu.memory_space<vmem>>, vector<1x16xf32>,
            %swap3A_341 = vector.shape_cast %swap3A_340 : vector<1x16xf32> to vector<16xf32>
            %swap3A_342 = vector.shape_cast %mul3A_337 : vector<16xf32> to vector<1x16xf32>
            tpu.vector_store %arg18[%swap3A_338, %swap3A_339], %swap3A_342 {strides = array<i32>} : memref<64x128xf32, #tpu.memory_space<vmem>>, vector<1x16xf32>,
            %get3A_343 = arith.index_cast %scan3A_189 : i32 to index
            %get3A_344 = arith.constant 48 : index
            %get3A_345 = tpu.vector_load %arg18[%get3A_343, %get3A_344] {strides = array<i32>} : memref<64x128xf32, #tpu.memory_space<vmem>>, vector<1x16xf32>,
            %get3A_346 = vector.shape_cast %get3A_345 : vector<1x16xf32> to vector<16xf32>
            %mul3A_347 = vector.broadcast %squeeze3A_309 : f32 to vector<16xf32>
            %mul3A_348 = arith.mulf %get3A_346, %mul3A_347 : vector<16xf32>
            %swap3A_349 = arith.index_cast %scan3A_189 : i32 to index
            %swap3A_350 = arith.constant 48 : index
            %swap3A_351 = tpu.vector_load %arg18[%swap3A_349, %swap3A_350] {strides = array<i32>} : memref<64x128xf32, #tpu.memory_space<vmem>>, vector<1x16xf32>,
            %swap3A_352 = vector.shape_cast %swap3A_351 : vector<1x16xf32> to vector<16xf32>
            %swap3A_353 = vector.shape_cast %mul3A_348 : vector<16xf32> to vector<1x16xf32>
            tpu.vector_store %arg18[%swap3A_349, %swap3A_350], %swap3A_353 {strides = array<i32>} : memref<64x128xf32, #tpu.memory_space<vmem>>, vector<1x16xf32>,
            %slice3A_354 = vector.extract_strided_slice %exp3A {offsets = [3], sizes = [1], strides = [1]} : vector<16xf32> to vector<1xf32>
            %squeeze3A_355 = vector.extract %slice3A_354[0] : f32 from vector<1xf32>
            %get3A_356 = arith.index_cast %scan3A_189 : i32 to index
            %get3A_357 = arith.constant 64 : index
            %get3A_358 = tpu.vector_load %arg18[%get3A_356, %get3A_357] {strides = array<i32>} : memref<64x128xf32, #tpu.memory_space<vmem>>, vector<1x16xf32>,
            %get3A_359 = vector.shape_cast %get3A_358 : vector<1x16xf32> to vector<16xf32>
            %mul3A_360 = vector.broadcast %squeeze3A_355 : f32 to vector<16xf32>
            %mul3A_361 = arith.mulf %get3A_359, %mul3A_360 : vector<16xf32>
            %swap3A_362 = arith.index_cast %scan3A_189 : i32 to index
            %swap3A_363 = arith.constant 64 : index
            %swap3A_364 = tpu.vector_load %arg18[%swap3A_362, %swap3A_363] {strides = array<i32>} : memref<64x128xf32, #tpu.memory_space<vmem>>, vector<1x16xf32>,
            %swap3A_365 = vector.shape_cast %swap3A_364 : vector<1x16xf32> to vector<16xf32>
            %swap3A_366 = vector.shape_cast %mul3A_361 : vector<16xf32> to vector<1x16xf32>
            tpu.vector_store %arg18[%swap3A_362, %swap3A_363], %swap3A_366 {strides = array<i32>} : memref<64x128xf32, #tpu.memory_space<vmem>>, vector<1x16xf32>,
            %get3A_367 = arith.index_cast %scan3A_189 : i32 to index
            %get3A_368 = arith.constant 80 : index
            %get3A_369 = tpu.vector_load %arg18[%get3A_367, %get3A_368] {strides = array<i32>} : memref<64x128xf32, #tpu.memory_space<vmem>>, vector<1x16xf32>,
            %get3A_370 = vector.shape_cast %get3A_369 : vector<1x16xf32> to vector<16xf32>
            %mul3A_371 = vector.broadcast %squeeze3A_355 : f32 to vector<16xf32>
            %mul3A_372 = arith.mulf %get3A_370, %mul3A_371 : vector<16xf32>
            %swap3A_373 = arith.index_cast %scan3A_189 : i32 to index
            %swap3A_374 = arith.constant 80 : index
            %swap3A_375 = tpu.vector_load %arg18[%swap3A_373, %swap3A_374] {strides = array<i32>} : memref<64x128xf32, #tpu.memory_space<vmem>>, vector<1x16xf32>,
            %swap3A_376 = vector.shape_cast %swap3A_375 : vector<1x16xf32> to vector<16xf32>
            %swap3A_377 = vector.shape_cast %mul3A_372 : vector<16xf32> to vector<1x16xf32>
            tpu.vector_store %arg18[%swap3A_373, %swap3A_374], %swap3A_377 {strides = array<i32>} : memref<64x128xf32, #tpu.memory_space<vmem>>, vector<1x16xf32>,
            %get3A_378 = arith.index_cast %scan3A_189 : i32 to index
            %get3A_379 = arith.constant 96 : index
            %get3A_380 = tpu.vector_load %arg18[%get3A_378, %get3A_379] {strides = array<i32>} : memref<64x128xf32, #tpu.memory_space<vmem>>, vector<1x16xf32>,
            %get3A_381 = vector.shape_cast %get3A_380 : vector<1x16xf32> to vector<16xf32>
            %mul3A_382 = vector.broadcast %squeeze3A_355 : f32 to vector<16xf32>
            %mul3A_383 = arith.mulf %get3A_381, %mul3A_382 : vector<16xf32>
            %swap3A_384 = arith.index_cast %scan3A_189 : i32 to index
            %swap3A_385 = arith.constant 96 : index
            %swap3A_386 = tpu.vector_load %arg18[%swap3A_384, %swap3A_385] {strides = array<i32>} : memref<64x128xf32, #tpu.memory_space<vmem>>, vector<1x16xf32>,
            %swap3A_387 = vector.shape_cast %swap3A_386 : vector<1x16xf32> to vector<16xf32>
            %swap3A_388 = vector.shape_cast %mul3A_383 : vector<16xf32> to vector<1x16xf32>
            tpu.vector_store %arg18[%swap3A_384, %swap3A_385], %swap3A_388 {strides = array<i32>} : memref<64x128xf32, #tpu.memory_space<vmem>>, vector<1x16xf32>,
            %get3A_389 = arith.index_cast %scan3A_189 : i32 to index
            %get3A_390 = arith.constant 112 : index
            %get3A_391 = tpu.vector_load %arg18[%get3A_389, %get3A_390] {strides = array<i32>} : memref<64x128xf32, #tpu.memory_space<vmem>>, vector<1x16xf32>,
            %get3A_392 = vector.shape_cast %get3A_391 : vector<1x16xf32> to vector<16xf32>
            %mul3A_393 = vector.broadcast %squeeze3A_355 : f32 to vector<16xf32>
            %mul3A_394 = arith.mulf %get3A_392, %mul3A_393 : vector<16xf32>
            %swap3A_395 = arith.index_cast %scan3A_189 : i32 to index
            %swap3A_396 = arith.constant 112 : index
            %swap3A_397 = tpu.vector_load %arg18[%swap3A_395, %swap3A_396] {strides = array<i32>} : memref<64x128xf32, #tpu.memory_space<vmem>>, vector<1x16xf32>,
            %swap3A_398 = vector.shape_cast %swap3A_397 : vector<1x16xf32> to vector<16xf32>
            %swap3A_399 = vector.shape_cast %mul3A_394 : vector<16xf32> to vector<1x16xf32>
            tpu.vector_store %arg18[%swap3A_395, %swap3A_396], %swap3A_399 {strides = array<i32>} : memref<64x128xf32, #tpu.memory_space<vmem>>, vector<1x16xf32>,
          }
          %scan3A_188 = arith.constant 64 : i32
          "tpu.region"() ({
            %run_scoped3A = tpu.sem_alloc : memref<!tpu.dma_semaphore, #tpu.memory_space<semaphore_mem>>
            %dma_start3A = arith.constant 0 : i32
            %dma_start3A_189 = arith.constant 0 : i32
            %dma_start3A_190 = tpu.memref_slice %arg13[%dma_start3A, %dma_start3A_189] : memref<2576x128xf32, #tpu.memory_space<vmem_shared>> -> memref<2576x128xf32, #tpu.memory_space<vmem_shared>>
            tpu.enqueue_indirect_dma source(%arg17 : memref<64x128xf32, #tpu.memory_space<vmem>>) target(%dma_start3A_190 : memref<2576x128xf32, #tpu.memory_space<vmem_shared>>) offsets(%arg23 : memref<64xi32, #tpu.memory_space<vmem>>) semaphore(%run_scoped3A : memref<!tpu.dma_semaphore, #tpu.memory_space<semaphore_mem>>) {add = true}
            %dma_wait3A = arith.constant 0 : i32
            %dma_wait3A_191 = arith.constant 0 : i32
            %dma_wait3A_192 = tpu.memref_slice %arg13[%dma_wait3A, %dma_wait3A_191] : memref<2576x128xf32, #tpu.memory_space<vmem_shared>> -> memref<2576x128xf32, #tpu.memory_space<vmem_shared>>
            tpu.wait_indirect_dma semaphore(%run_scoped3A : memref<!tpu.dma_semaphore, #tpu.memory_space<semaphore_mem>>) src(%arg17 : memref<64x128xf32, #tpu.memory_space<vmem>>) dst(%dma_wait3A_192 : memref<2576x128xf32, #tpu.memory_space<vmem_shared>>)
            tpu.yield
          }) : () -> ()
          "tpu.region"() ({
            %run_scoped3A = tpu.sem_alloc : memref<!tpu.dma_semaphore, #tpu.memory_space<semaphore_mem>>
            %dma_start3A = arith.constant 0 : i32
            %dma_start3A_189 = arith.constant 0 : i32
            %dma_start3A_190 = tpu.memref_slice %arg14[%dma_start3A, %dma_start3A_189] : memref<2576x128xf32, #tpu.memory_space<vmem_shared>> -> memref<2576x128xf32, #tpu.memory_space<vmem_shared>>
            tpu.enqueue_indirect_dma source(%arg18 : memref<64x128xf32, #tpu.memory_space<vmem>>) target(%dma_start3A_190 : memref<2576x128xf32, #tpu.memory_space<vmem_shared>>) offsets(%arg23 : memref<64xi32, #tpu.memory_space<vmem>>) semaphore(%run_scoped3A : memref<!tpu.dma_semaphore, #tpu.memory_space<semaphore_mem>>) {add = true}
            %dma_wait3A = arith.constant 0 : i32
            %dma_wait3A_191 = arith.constant 0 : i32
            %dma_wait3A_192 = tpu.memref_slice %arg14[%dma_wait3A, %dma_wait3A_191] : memref<2576x128xf32, #tpu.memory_space<vmem_shared>> -> memref<2576x128xf32, #tpu.memory_space<vmem_shared>>
            tpu.wait_indirect_dma semaphore(%run_scoped3A : memref<!tpu.dma_semaphore, #tpu.memory_space<semaphore_mem>>) src(%arg18 : memref<64x128xf32, #tpu.memory_space<vmem>>) dst(%dma_wait3A_192 : memref<2576x128xf32, #tpu.memory_space<vmem_shared>>)
            tpu.yield
          }) : () -> ()
          "tpu.region"() ({
            %run_scoped3A = tpu.sem_alloc : memref<!tpu.dma_semaphore, #tpu.memory_space<semaphore_mem>>
            %dma_start3A = arith.constant 0 : i32
            %dma_start3A_189 = arith.constant 0 : i32
            %dma_start3A_190 = tpu.memref_slice %arg15[%dma_start3A, %dma_start3A_189] : memref<2576x16xf32, #tpu.memory_space<vmem_shared>> -> memref<2576x16xf32, #tpu.memory_space<vmem_shared>>
            tpu.enqueue_indirect_dma source(%arg20 : memref<64x16xf32, #tpu.memory_space<vmem>>) target(%dma_start3A_190 : memref<2576x16xf32, #tpu.memory_space<vmem_shared>>) offsets(%arg23 : memref<64xi32, #tpu.memory_space<vmem>>) semaphore(%run_scoped3A : memref<!tpu.dma_semaphore, #tpu.memory_space<semaphore_mem>>) {add = true}
            %dma_wait3A = arith.constant 0 : i32
            %dma_wait3A_191 = arith.constant 0 : i32
            %dma_wait3A_192 = tpu.memref_slice %arg15[%dma_wait3A, %dma_wait3A_191] : memref<2576x16xf32, #tpu.memory_space<vmem_shared>> -> memref<2576x16xf32, #tpu.memory_space<vmem_shared>>
            tpu.wait_indirect_dma semaphore(%run_scoped3A : memref<!tpu.dma_semaphore, #tpu.memory_space<semaphore_mem>>) src(%arg20 : memref<64x16xf32, #tpu.memory_space<vmem>>) dst(%dma_wait3A_192 : memref<2576x16xf32, #tpu.memory_space<vmem_shared>>)
            tpu.yield
          }) : () -> ()
        } else {
        }
      }
      %scan3A_33 = arith.constant 28 : i32
      %barrier3A_34 = arith.constant 0 : index
      tpu.barrier barrier_id(%barrier3A_34)
      %mul3A_35 = arith.constant 160 : i32
      %mul3A_36 = arith.muli %arg1, %mul3A_35 : i32
      %mul3A_37 = arith.constant 160 : i32
      %mul3A_38 = arith.muli %arg1, %mul3A_37 : i32
      %add3A_39 = arith.addi %mul3A_10, %mul3A_38 : i32
      "tpu.region"() ({
        %run_scoped3A = tpu.sem_alloc : memref<!tpu.dma_semaphore, #tpu.memory_space<semaphore_mem>>
        %dma_start3A = arith.constant 0 : i32
        %dma_start3A_41 = tpu.memref_slice %arg10[%arg0, %add3A_39, %dma_start3A] : memref<2x51200x128xf32, #tpu.memory_space<hbm>> -> memref<1x160x128xf32, #tpu.memory_space<hbm>>
        %dma_start3A_42 = tpu.memref_squeeze %dma_start3A_41 : memref<1x160x128xf32, #tpu.memory_space<hbm>> -> memref<160x128xf32, #tpu.memory_space<hbm>>
        %dma_start3A_43 = arith.constant 0 : i32
        %dma_start3A_44 = tpu.memref_slice %arg13[%mul3A_36, %dma_start3A_43] : memref<2576x128xf32, #tpu.memory_space<vmem_shared>> -> memref<160x128xf32, #tpu.memory_space<vmem_shared>>
        tpu.enqueue_dma source(%dma_start3A_44 : memref<160x128xf32, #tpu.memory_space<vmem_shared>>) target(%dma_start3A_42 : memref<160x128xf32, #tpu.memory_space<hbm>>) target_semaphore(%run_scoped3A : memref<!tpu.dma_semaphore, #tpu.memory_space<semaphore_mem>>)
        %dma_wait3A = arith.constant 0 : i32
        %dma_wait3A_45 = tpu.memref_slice %arg10[%arg0, %add3A_39, %dma_wait3A] : memref<2x51200x128xf32, #tpu.memory_space<hbm>> -> memref<1x160x128xf32, #tpu.memory_space<hbm>>
        %dma_wait3A_46 = tpu.memref_squeeze %dma_wait3A_45 : memref<1x160x128xf32, #tpu.memory_space<hbm>> -> memref<160x128xf32, #tpu.memory_space<hbm>>
        %dma_wait3A_47 = arith.constant 0 : i32
        %dma_wait3A_48 = tpu.memref_slice %arg13[%mul3A_36, %dma_wait3A_47] : memref<2576x128xf32, #tpu.memory_space<vmem_shared>> -> memref<160x128xf32, #tpu.memory_space<vmem_shared>>
        tpu.wait_dma2 semaphore(%run_scoped3A : memref<!tpu.dma_semaphore, #tpu.memory_space<semaphore_mem>>) src(%dma_wait3A_48 : memref<160x128xf32, #tpu.memory_space<vmem_shared>>) dst(%dma_wait3A_46 : memref<160x128xf32, #tpu.memory_space<hbm>>)
        tpu.yield
      }) : () -> ()
      "tpu.region"() ({
        %run_scoped3A = tpu.sem_alloc : memref<!tpu.dma_semaphore, #tpu.memory_space<semaphore_mem>>
        %dma_start3A = arith.constant 0 : i32
        %dma_start3A_41 = tpu.memref_slice %arg11[%arg0, %add3A_39, %dma_start3A] : memref<2x51200x128xf32, #tpu.memory_space<hbm>> -> memref<1x160x128xf32, #tpu.memory_space<hbm>>
        %dma_start3A_42 = tpu.memref_squeeze %dma_start3A_41 : memref<1x160x128xf32, #tpu.memory_space<hbm>> -> memref<160x128xf32, #tpu.memory_space<hbm>>
        %dma_start3A_43 = arith.constant 0 : i32
        %dma_start3A_44 = tpu.memref_slice %arg14[%mul3A_36, %dma_start3A_43] : memref<2576x128xf32, #tpu.memory_space<vmem_shared>> -> memref<160x128xf32, #tpu.memory_space<vmem_shared>>
        tpu.enqueue_dma source(%dma_start3A_44 : memref<160x128xf32, #tpu.memory_space<vmem_shared>>) target(%dma_start3A_42 : memref<160x128xf32, #tpu.memory_space<hbm>>) target_semaphore(%run_scoped3A : memref<!tpu.dma_semaphore, #tpu.memory_space<semaphore_mem>>)
        %dma_wait3A = arith.constant 0 : i32
        %dma_wait3A_45 = tpu.memref_slice %arg11[%arg0, %add3A_39, %dma_wait3A] : memref<2x51200x128xf32, #tpu.memory_space<hbm>> -> memref<1x160x128xf32, #tpu.memory_space<hbm>>
        %dma_wait3A_46 = tpu.memref_squeeze %dma_wait3A_45 : memref<1x160x128xf32, #tpu.memory_space<hbm>> -> memref<160x128xf32, #tpu.memory_space<hbm>>
        %dma_wait3A_47 = arith.constant 0 : i32
        %dma_wait3A_48 = tpu.memref_slice %arg14[%mul3A_36, %dma_wait3A_47] : memref<2576x128xf32, #tpu.memory_space<vmem_shared>> -> memref<160x128xf32, #tpu.memory_space<vmem_shared>>
        tpu.wait_dma2 semaphore(%run_scoped3A : memref<!tpu.dma_semaphore, #tpu.memory_space<semaphore_mem>>) src(%dma_wait3A_48 : memref<160x128xf32, #tpu.memory_space<vmem_shared>>) dst(%dma_wait3A_46 : memref<160x128xf32, #tpu.memory_space<hbm>>)
        tpu.yield
      }) : () -> ()
      "tpu.region"() ({
        %run_scoped3A = tpu.sem_alloc : memref<!tpu.dma_semaphore, #tpu.memory_space<semaphore_mem>>
        %dma_start3A = arith.constant 0 : i32
        %dma_start3A_41 = tpu.memref_slice %arg12[%arg0, %add3A_39, %dma_start3A] : memref<2x51200x16xf32, #tpu.memory_space<hbm>> -> memref<1x160x16xf32, #tpu.memory_space<hbm>>
        %dma_start3A_42 = tpu.memref_squeeze %dma_start3A_41 : memref<1x160x16xf32, #tpu.memory_space<hbm>> -> memref<160x16xf32, #tpu.memory_space<hbm>>
        %dma_start3A_43 = arith.constant 0 : i32
        %dma_start3A_44 = tpu.memref_slice %arg15[%mul3A_36, %dma_start3A_43] : memref<2576x16xf32, #tpu.memory_space<vmem_shared>> -> memref<160x16xf32, #tpu.memory_space<vmem_shared>>
        tpu.enqueue_dma source(%dma_start3A_44 : memref<160x16xf32, #tpu.memory_space<vmem_shared>>) target(%dma_start3A_42 : memref<160x16xf32, #tpu.memory_space<hbm>>) target_semaphore(%run_scoped3A : memref<!tpu.dma_semaphore, #tpu.memory_space<semaphore_mem>>)
        %dma_wait3A = arith.constant 0 : i32
        %dma_wait3A_45 = tpu.memref_slice %arg12[%arg0, %add3A_39, %dma_wait3A] : memref<2x51200x16xf32, #tpu.memory_space<hbm>> -> memref<1x160x16xf32, #tpu.memory_space<hbm>>
        %dma_wait3A_46 = tpu.memref_squeeze %dma_wait3A_45 : memref<1x160x16xf32, #tpu.memory_space<hbm>> -> memref<160x16xf32, #tpu.memory_space<hbm>>
        %dma_wait3A_47 = arith.constant 0 : i32
        %dma_wait3A_48 = tpu.memref_slice %arg15[%mul3A_36, %dma_wait3A_47] : memref<2576x16xf32, #tpu.memory_space<vmem_shared>> -> memref<160x16xf32, #tpu.memory_space<vmem_shared>>
        tpu.wait_dma2 semaphore(%run_scoped3A : memref<!tpu.dma_semaphore, #tpu.memory_space<semaphore_mem>>) src(%dma_wait3A_48 : memref<160x16xf32, #tpu.memory_space<vmem_shared>>) dst(%dma_wait3A_46 : memref<160x16xf32, #tpu.memory_space<hbm>>)
        tpu.yield
      }) : () -> ()
      %barrier3A_40 = arith.constant 0 : index
      tpu.barrier barrier_id(%barrier3A_40)
    }
    %scan3A_7 = arith.constant 20 : i32
    return
  }
}

#map = affine_map<(d0, d1) -> (0)>
module attributes {stable_mosaic.version = 14 : i64} {
  func.func @_route_body(%arg0: i32, %arg1: i32, %arg2: memref<851968xi32, #tpu.memory_space<hbm>>, %arg3: memref<851968xi32, #tpu.memory_space<hbm>>, %arg4: memref<1146880xi32, #tpu.memory_space<hbm>>, %arg5: memref<1024xi32, #tpu.memory_space<hbm>>, %arg6: memref<1024xi32, #tpu.memory_space<vmem>>, %arg7: memref<1024xi32, #tpu.memory_space<vmem>>, %arg8: memref<1792xi32, #tpu.memory_space<vmem>>, %arg9: memref<40xi32, #tpu.memory_space<vmem>>, %arg10: memref<36xi32, #tpu.memory_space<vmem>>) attributes {dimension_semantics = [#tpu.dimension_semantics<core_parallel>, #tpu.dimension_semantics<subcore_parallel>], iteration_bounds = array<i64: 2, 16>, scalar_prefetch = 0 : i64, scratch_operands = 5 : i64, tpu.core_type = #tpu.core_type<sc_vector_subcore>, window_params = [{transform_indices = #map}, {transform_indices = #map}, {transform_indices = #map}, {transform_indices = #map}]} {
    %mul3A = arith.constant 16 : i32
    %mul3A_0 = arith.muli %arg0, %mul3A : i32
    %add3A = arith.addi %mul3A_0, %arg1 : i32
    %mul3A_1 = arith.constant 26624 : i32
    %mul3A_2 = arith.muli %add3A, %mul3A_1 : i32
    %iota3A = tpu.iota {dimensions = array<i32: 0>} : vector<16xi32>
    %broadcast_in_dim3A = arith.constant 0 : i32
    %broadcast_in_dim3A_3 = vector.broadcast %broadcast_in_dim3A : i32 to vector<16xi32>
    %swap3A = arith.constant 0 : index
    %swap3A_4 = tpu.vector_load %arg9[%swap3A] {strides = array<i32>} : memref<40xi32, #tpu.memory_space<vmem>>, vector<16xi32>,
    %swap3A_5 = vector.shape_cast %swap3A_4 : vector<16xi32> to vector<16xi32>
    %swap3A_6 = vector.shape_cast %broadcast_in_dim3A_3 : vector<16xi32> to vector<16xi32>
    tpu.vector_store %arg9[%swap3A], %swap3A_6 {strides = array<i32>} : memref<40xi32, #tpu.memory_space<vmem>>, vector<16xi32>,
    %swap3A_7 = arith.constant 24 : index
    %swap3A_8 = tpu.vector_load %arg9[%swap3A_7] {strides = array<i32>} : memref<40xi32, #tpu.memory_space<vmem>>, vector<16xi32>,
    %swap3A_9 = vector.shape_cast %swap3A_8 : vector<16xi32> to vector<16xi32>
    %swap3A_10 = vector.shape_cast %broadcast_in_dim3A_3 : vector<16xi32> to vector<16xi32>
    tpu.vector_store %arg9[%swap3A_7], %swap3A_10 {strides = array<i32>} : memref<40xi32, #tpu.memory_space<vmem>>, vector<16xi32>,
    %scan3A = arith.constant 0 : i32
    %scan3A_11 = arith.constant 0 : i32
    %scan3A_12 = arith.constant 20 : i32
    %scan3A_13 = arith.addi %scan3A_11, %scan3A_12 : i32
    %scan3A_14 = arith.constant 1 : i32
    scf.for %scan3A_18 = %scan3A_11 to %scan3A_13 step %scan3A_14  : i32 {
      %mul3A_19 = arith.constant 2560 : i32
      %mul3A_20 = arith.muli %scan3A_18, %mul3A_19 : i32
      %scan3A_21 = arith.constant 0 : i32
      %scan3A_22 = arith.constant 0 : i32
      %scan3A_23 = arith.constant 26 : i32
      %scan3A_24 = arith.addi %scan3A_22, %scan3A_23 : i32
      %scan3A_25 = arith.constant 1 : i32
      %scan3A_26 = scf.for %scan3A_39 = %scan3A_22 to %scan3A_24 step %scan3A_25 iter_args(%scan3A_40 = %scan3A_21) -> (i32)  : i32 {
        %mul3A_41 = arith.constant 1024 : i32
        %mul3A_42 = arith.muli %scan3A_39, %mul3A_41 : i32
        %add3A_43 = arith.addi %mul3A_2, %mul3A_42 : i32
        "tpu.region"() ({
          %run_scoped3A = tpu.sem_alloc : memref<!tpu.dma_semaphore, #tpu.memory_space<semaphore_mem>>
          %dma_start3A = tpu.memref_slice %arg2[%add3A_43] : memref<851968xi32, #tpu.memory_space<hbm>> -> memref<1024xi32, #tpu.memory_space<hbm>>
          %dma_start3A_53 = tpu.memref_slice %arg2[%add3A_43] : memref<851968xi32, #tpu.memory_space<hbm>> -> memref<1024xi32, #tpu.memory_space<hbm>>
          tpu.enqueue_dma source(%dma_start3A_53 : memref<1024xi32, #tpu.memory_space<hbm>>) target(%arg6 : memref<1024xi32, #tpu.memory_space<vmem>>) target_semaphore(%run_scoped3A : memref<!tpu.dma_semaphore, #tpu.memory_space<semaphore_mem>>)
          %dma_wait3A = tpu.memref_slice %arg2[%add3A_43] : memref<851968xi32, #tpu.memory_space<hbm>> -> memref<1024xi32, #tpu.memory_space<hbm>>
          %dma_wait3A_54 = tpu.memref_slice %arg2[%add3A_43] : memref<851968xi32, #tpu.memory_space<hbm>> -> memref<1024xi32, #tpu.memory_space<hbm>>
          tpu.wait_dma2 semaphore(%run_scoped3A : memref<!tpu.dma_semaphore, #tpu.memory_space<semaphore_mem>>) src(%dma_wait3A_54 : memref<1024xi32, #tpu.memory_space<hbm>>) dst(%arg6 : memref<1024xi32, #tpu.memory_space<vmem>>)
          tpu.yield
        }) : () -> ()
        %mul3A_44 = arith.constant 1024 : i32
        %mul3A_45 = arith.muli %scan3A_39, %mul3A_44 : i32
        %add3A_46 = arith.addi %mul3A_2, %mul3A_45 : i32
        "tpu.region"() ({
          %run_scoped3A = tpu.sem_alloc : memref<!tpu.dma_semaphore, #tpu.memory_space<semaphore_mem>>
          %dma_start3A = tpu.memref_slice %arg3[%add3A_46] : memref<851968xi32, #tpu.memory_space<hbm>> -> memref<1024xi32, #tpu.memory_space<hbm>>
          %dma_start3A_53 = tpu.memref_slice %arg3[%add3A_46] : memref<851968xi32, #tpu.memory_space<hbm>> -> memref<1024xi32, #tpu.memory_space<hbm>>
          tpu.enqueue_dma source(%dma_start3A_53 : memref<1024xi32, #tpu.memory_space<hbm>>) target(%arg7 : memref<1024xi32, #tpu.memory_space<vmem>>) target_semaphore(%run_scoped3A : memref<!tpu.dma_semaphore, #tpu.memory_space<semaphore_mem>>)
          %dma_wait3A = tpu.memref_slice %arg3[%add3A_46] : memref<851968xi32, #tpu.memory_space<hbm>> -> memref<1024xi32, #tpu.memory_space<hbm>>
          %dma_wait3A_54 = tpu.memref_slice %arg3[%add3A_46] : memref<851968xi32, #tpu.memory_space<hbm>> -> memref<1024xi32, #tpu.memory_space<hbm>>
          tpu.wait_dma2 semaphore(%run_scoped3A : memref<!tpu.dma_semaphore, #tpu.memory_space<semaphore_mem>>) src(%dma_wait3A_54 : memref<1024xi32, #tpu.memory_space<hbm>>) dst(%arg7 : memref<1024xi32, #tpu.memory_space<vmem>>)
          tpu.yield
        }) : () -> ()
        %scan3A_47 = arith.constant 0 : i32
        %scan3A_48 = arith.constant 64 : i32
        %scan3A_49 = arith.addi %scan3A_47, %scan3A_48 : i32
        %scan3A_50 = arith.constant 1 : i32
        %scan3A_51 = scf.for %scan3A_53 = %scan3A_47 to %scan3A_49 step %scan3A_50 iter_args(%scan3A_54 = %scan3A_40) -> (i32)  : i32 {
          %mul3A_55 = arith.constant 16 : i32
          %mul3A_56 = arith.muli %scan3A_53, %mul3A_55 : i32
          %get3A = arith.index_cast %mul3A_56 : i32 to index
          %get3A_57 = tpu.vector_load %arg6[%get3A] {strides = array<i32>} : memref<1024xi32, #tpu.memory_space<vmem>>, vector<16xi32>,
          %get3A_58 = vector.shape_cast %get3A_57 : vector<16xi32> to vector<16xi32>
          %mul3A_59 = arith.constant 16 : i32
          %mul3A_60 = arith.muli %scan3A_53, %mul3A_59 : i32
          %get3A_61 = arith.index_cast %mul3A_60 : i32 to index
          %get3A_62 = tpu.vector_load %arg7[%get3A_61] {strides = array<i32>} : memref<1024xi32, #tpu.memory_space<vmem>>, vector<16xi32>,
          %get3A_63 = vector.shape_cast %get3A_62 : vector<16xi32> to vector<16xi32>
          %sub3A = vector.broadcast %mul3A_20 : i32 to vector<16xi32>
          %sub3A_64 = arith.subi %get3A_63, %sub3A : vector<16xi32>
          %ge3A = arith.constant 0 : i32
          %ge3A_65 = vector.broadcast %ge3A : i32 to vector<16xi32>
          %ge3A_66 = arith.cmpi sge, %sub3A_64, %ge3A_65 : vector<16xi32>
          %lt3A = arith.constant 2560 : i32
          %lt3A_67 = vector.broadcast %lt3A : i32 to vector<16xi32>
          %lt3A_68 = arith.cmpi slt, %sub3A_64, %lt3A_67 : vector<16xi32>
          %and3A = arith.andi %ge3A_66, %lt3A_68 : vector<16xi1>
          %jit3A = arith.constant 1 : i32
          %jit3A_69 = arith.constant 0 : i32
          %broadcast_in_dim3A_70 = vector.broadcast %jit3A : i32 to vector<16xi32>
          %broadcast_in_dim3A_71 = vector.broadcast %jit3A_69 : i32 to vector<16xi32>
          %select_n3A = arith.select %and3A, %broadcast_in_dim3A_70, %broadcast_in_dim3A_71 : vector<16xi1>, vector<16xi32>
          %swap3A_72 = arith.constant 8 : index
          %swap3A_73 = tpu.vector_load %arg9[%swap3A_72] {strides = array<i32>} : memref<40xi32, #tpu.memory_space<vmem>>, vector<16xi32>,
          %swap3A_74 = vector.shape_cast %swap3A_73 : vector<16xi32> to vector<16xi32>
          %swap3A_75 = vector.shape_cast %select_n3A : vector<16xi32> to vector<16xi32>
          tpu.vector_store %arg9[%swap3A_72], %swap3A_75 {strides = array<i32>} : memref<40xi32, #tpu.memory_space<vmem>>, vector<16xi32>,
          %get3A_76 = arith.constant 7 : index
          %get3A_77 = tpu.vector_load %arg9[%get3A_76] {strides = array<i32>} : memref<40xi32, #tpu.memory_space<vmem>>, vector<16xi32>,
          %get3A_78 = vector.shape_cast %get3A_77 : vector<16xi32> to vector<16xi32>
          %add3A_79 = arith.addi %select_n3A, %get3A_78 : vector<16xi32>
          %swap3A_80 = arith.constant 8 : index
          %swap3A_81 = tpu.vector_load %arg9[%swap3A_80] {strides = array<i32>} : memref<40xi32, #tpu.memory_space<vmem>>, vector<16xi32>,
          %swap3A_82 = vector.shape_cast %swap3A_81 : vector<16xi32> to vector<16xi32>
          %swap3A_83 = vector.shape_cast %add3A_79 : vector<16xi32> to vector<16xi32>
          tpu.vector_store %arg9[%swap3A_80], %swap3A_83 {strides = array<i32>} : memref<40xi32, #tpu.memory_space<vmem>>, vector<16xi32>,
          %get3A_84 = arith.constant 6 : index
          %get3A_85 = tpu.vector_load %arg9[%get3A_84] {strides = array<i32>} : memref<40xi32, #tpu.memory_space<vmem>>, vector<16xi32>,
          %get3A_86 = vector.shape_cast %get3A_85 : vector<16xi32> to vector<16xi32>
          %add3A_87 = arith.addi %add3A_79, %get3A_86 : vector<16xi32>
          %swap3A_88 = arith.constant 8 : index
          %swap3A_89 = tpu.vector_load %arg9[%swap3A_88] {strides = array<i32>} : memref<40xi32, #tpu.memory_space<vmem>>, vector<16xi32>,
          %swap3A_90 = vector.shape_cast %swap3A_89 : vector<16xi32> to vector<16xi32>
          %swap3A_91 = vector.shape_cast %add3A_87 : vector<16xi32> to vector<16xi32>
          tpu.vector_store %arg9[%swap3A_88], %swap3A_91 {strides = array<i32>} : memref<40xi32, #tpu.memory_space<vmem>>, vector<16xi32>,
          %get3A_92 = arith.constant 4 : index
          %get3A_93 = tpu.vector_load %arg9[%get3A_92] {strides = array<i32>} : memref<40xi32, #tpu.memory_space<vmem>>, vector<16xi32>,
          %get3A_94 = vector.shape_cast %get3A_93 : vector<16xi32> to vector<16xi32>
          %add3A_95 = arith.addi %add3A_87, %get3A_94 : vector<16xi32>
          %swap3A_96 = arith.constant 8 : index
          %swap3A_97 = tpu.vector_load %arg9[%swap3A_96] {strides = array<i32>} : memref<40xi32, #tpu.memory_space<vmem>>, vector<16xi32>,
          %swap3A_98 = vector.shape_cast %swap3A_97 : vector<16xi32> to vector<16xi32>
          %swap3A_99 = vector.shape_cast %add3A_95 : vector<16xi32> to vector<16xi32>
          tpu.vector_store %arg9[%swap3A_96], %swap3A_99 {strides = array<i32>} : memref<40xi32, #tpu.memory_space<vmem>>, vector<16xi32>,
          %get3A_100 = arith.constant 0 : index
          %get3A_101 = tpu.vector_load %arg9[%get3A_100] {strides = array<i32>} : memref<40xi32, #tpu.memory_space<vmem>>, vector<16xi32>,
          %get3A_102 = vector.shape_cast %get3A_101 : vector<16xi32> to vector<16xi32>
          %add3A_103 = arith.addi %add3A_95, %get3A_102 : vector<16xi32>
          %slice3A = vector.extract_strided_slice %add3A_103 {offsets = [15], sizes = [1], strides = [1]} : vector<16xi32> to vector<1xi32>
          %squeeze3A = vector.extract %slice3A[0] : i32 from vector<1xi32>
          %shift_left3A = arith.constant 16 : i32
          %shift_left3A_104 = vector.broadcast %shift_left3A : i32 to vector<16xi32>
          %shift_left3A_105 = arith.shli %sub3A_64, %shift_left3A_104 : vector<16xi32>
          %or3A = arith.ori %get3A_58, %shift_left3A_105 : vector<16xi32>
          %sub3A_106 = arith.subi %iota3A, %add3A_103 : vector<16xi32>
          %add3A_107 = arith.constant 1 : i32
          %add3A_108 = vector.broadcast %add3A_107 : i32 to vector<16xi32>
          %add3A_109 = arith.addi %sub3A_106, %add3A_108 : vector<16xi32>
          %jit3A_110 = arith.constant 0 : i32
          %broadcast_in_dim3A_111 = vector.broadcast %jit3A_110 : i32 to vector<16xi32>
          %select_n3A_112 = arith.select %and3A, %add3A_109, %broadcast_in_dim3A_111 : vector<16xi1>, vector<16xi32>
          %swap3A_113 = arith.constant 8 : index
          %swap3A_114 = tpu.vector_load %arg9[%swap3A_113] {strides = array<i32>} : memref<40xi32, #tpu.memory_space<vmem>>, vector<16xi32>,
          %swap3A_115 = vector.shape_cast %swap3A_114 : vector<16xi32> to vector<16xi32>
          %swap3A_116 = vector.shape_cast %select_n3A_112 : vector<16xi32> to vector<16xi32>
          tpu.vector_store %arg9[%swap3A_113], %swap3A_116 {strides = array<i32>} : memref<40xi32, #tpu.memory_space<vmem>>, vector<16xi32>,
          %get3A_117 = arith.constant 9 : index
          %get3A_118 = tpu.vector_load %arg9[%get3A_117] {strides = array<i32>} : memref<40xi32, #tpu.memory_space<vmem>>, vector<16xi32>,
          %get3A_119 = vector.shape_cast %get3A_118 : vector<16xi32> to vector<16xi32>
          %swap3A_120 = arith.constant 8 : index
          %swap3A_121 = tpu.vector_load %arg9[%swap3A_120] {strides = array<i32>} : memref<40xi32, #tpu.memory_space<vmem>>, vector<16xi32>,
          %swap3A_122 = vector.shape_cast %swap3A_121 : vector<16xi32> to vector<16xi32>
          %swap3A_123 = vector.shape_cast %or3A : vector<16xi32> to vector<16xi32>
          tpu.vector_store %arg9[%swap3A_120], %swap3A_123 {strides = array<i32>} : memref<40xi32, #tpu.memory_space<vmem>>, vector<16xi32>,
          %get3A_124 = arith.constant 9 : index
          %get3A_125 = tpu.vector_load %arg9[%get3A_124] {strides = array<i32>} : memref<40xi32, #tpu.memory_space<vmem>>, vector<16xi32>,
          %get3A_126 = vector.shape_cast %get3A_125 : vector<16xi32> to vector<16xi32>
          %and3A_127 = arith.constant 1 : i32
          %and3A_128 = vector.broadcast %and3A_127 : i32 to vector<16xi32>
          %and3A_129 = arith.andi %get3A_119, %and3A_128 : vector<16xi32>
          %ne3A = arith.constant 0 : i32
          %ne3A_130 = vector.broadcast %ne3A : i32 to vector<16xi32>
          %ne3A_131 = arith.cmpi ne, %and3A_129, %ne3A_130 : vector<16xi32>
          %select_n3A_132 = arith.select %ne3A_131, %get3A_126, %or3A : vector<16xi1>, vector<16xi32>
          %sub3A_133 = arith.constant 1 : i32
          %sub3A_134 = vector.broadcast %sub3A_133 : i32 to vector<16xi32>
          %sub3A_135 = arith.subi %get3A_119, %sub3A_134 : vector<16xi32>
          %select_n3A_136 = arith.select %ne3A_131, %sub3A_135, %select_n3A_112 : vector<16xi1>, vector<16xi32>
          %swap3A_137 = arith.constant 8 : index
          %swap3A_138 = tpu.vector_load %arg9[%swap3A_137] {strides = array<i32>} : memref<40xi32, #tpu.memory_space<vmem>>, vector<16xi32>,
          %swap3A_139 = vector.shape_cast %swap3A_138 : vector<16xi32> to vector<16xi32>
          %swap3A_140 = vector.shape_cast %select_n3A_136 : vector<16xi32> to vector<16xi32>
          tpu.vector_store %arg9[%swap3A_137], %swap3A_140 {strides = array<i32>} : memref<40xi32, #tpu.memory_space<vmem>>, vector<16xi32>,
          %get3A_141 = arith.constant 10 : index
          %get3A_142 = tpu.vector_load %arg9[%get3A_141] {strides = array<i32>} : memref<40xi32, #tpu.memory_space<vmem>>, vector<16xi32>,
          %get3A_143 = vector.shape_cast %get3A_142 : vector<16xi32> to vector<16xi32>
          %swap3A_144 = arith.constant 8 : index
          %swap3A_145 = tpu.vector_load %arg9[%swap3A_144] {strides = array<i32>} : memref<40xi32, #tpu.memory_space<vmem>>, vector<16xi32>,
          %swap3A_146 = vector.shape_cast %swap3A_145 : vector<16xi32> to vector<16xi32>
          %swap3A_147 = vector.shape_cast %select_n3A_132 : vector<16xi32> to vector<16xi32>
          tpu.vector_store %arg9[%swap3A_144], %swap3A_147 {strides = array<i32>} : memref<40xi32, #tpu.memory_space<vmem>>, vector<16xi32>,
          %get3A_148 = arith.constant 10 : index
          %get3A_149 = tpu.vector_load %arg9[%get3A_148] {strides = array<i32>} : memref<40xi32, #tpu.memory_space<vmem>>, vector<16xi32>,
          %get3A_150 = vector.shape_cast %get3A_149 : vector<16xi32> to vector<16xi32>
          %and3A_151 = arith.constant 2 : i32
          %and3A_152 = vector.broadcast %and3A_151 : i32 to vector<16xi32>
          %and3A_153 = arith.andi %get3A_143, %and3A_152 : vector<16xi32>
          %ne3A_154 = arith.constant 0 : i32
          %ne3A_155 = vector.broadcast %ne3A_154 : i32 to vector<16xi32>
          %ne3A_156 = arith.cmpi ne, %and3A_153, %ne3A_155 : vector<16xi32>
          %select_n3A_157 = arith.select %ne3A_156, %get3A_150, %select_n3A_132 : vector<16xi1>, vector<16xi32>
          %sub3A_158 = arith.constant 2 : i32
          %sub3A_159 = vector.broadcast %sub3A_158 : i32 to vector<16xi32>
          %sub3A_160 = arith.subi %get3A_143, %sub3A_159 : vector<16xi32>
          %select_n3A_161 = arith.select %ne3A_156, %sub3A_160, %select_n3A_136 : vector<16xi1>, vector<16xi32>
          %swap3A_162 = arith.constant 8 : index
          %swap3A_163 = tpu.vector_load %arg9[%swap3A_162] {strides = array<i32>} : memref<40xi32, #tpu.memory_space<vmem>>, vector<16xi32>,
          %swap3A_164 = vector.shape_cast %swap3A_163 : vector<16xi32> to vector<16xi32>
          %swap3A_165 = vector.shape_cast %select_n3A_161 : vector<16xi32> to vector<16xi32>
          tpu.vector_store %arg9[%swap3A_162], %swap3A_165 {strides = array<i32>} : memref<40xi32, #tpu.memory_space<vmem>>, vector<16xi32>,
          %get3A_166 = arith.constant 12 : index
          %get3A_167 = tpu.vector_load %arg9[%get3A_166] {strides = array<i32>} : memref<40xi32, #tpu.memory_space<vmem>>, vector<16xi32>,
          %get3A_168 = vector.shape_cast %get3A_167 : vector<16xi32> to vector<16xi32>
          %swap3A_169 = arith.constant 8 : index
          %swap3A_170 = tpu.vector_load %arg9[%swap3A_169] {strides = array<i32>} : memref<40xi32, #tpu.memory_space<vmem>>, vector<16xi32>,
          %swap3A_171 = vector.shape_cast %swap3A_170 : vector<16xi32> to vector<16xi32>
          %swap3A_172 = vector.shape_cast %select_n3A_157 : vector<16xi32> to vector<16xi32>
          tpu.vector_store %arg9[%swap3A_169], %swap3A_172 {strides = array<i32>} : memref<40xi32, #tpu.memory_space<vmem>>, vector<16xi32>,
          %get3A_173 = arith.constant 12 : index
          %get3A_174 = tpu.vector_load %arg9[%get3A_173] {strides = array<i32>} : memref<40xi32, #tpu.memory_space<vmem>>, vector<16xi32>,
          %get3A_175 = vector.shape_cast %get3A_174 : vector<16xi32> to vector<16xi32>
          %and3A_176 = arith.constant 4 : i32
          %and3A_177 = vector.broadcast %and3A_176 : i32 to vector<16xi32>
          %and3A_178 = arith.andi %get3A_168, %and3A_177 : vector<16xi32>
          %ne3A_179 = arith.constant 0 : i32
          %ne3A_180 = vector.broadcast %ne3A_179 : i32 to vector<16xi32>
          %ne3A_181 = arith.cmpi ne, %and3A_178, %ne3A_180 : vector<16xi32>
          %select_n3A_182 = arith.select %ne3A_181, %get3A_175, %select_n3A_157 : vector<16xi1>, vector<16xi32>
          %sub3A_183 = arith.constant 4 : i32
          %sub3A_184 = vector.broadcast %sub3A_183 : i32 to vector<16xi32>
          %sub3A_185 = arith.subi %get3A_168, %sub3A_184 : vector<16xi32>
          %select_n3A_186 = arith.select %ne3A_181, %sub3A_185, %select_n3A_161 : vector<16xi1>, vector<16xi32>
          %swap3A_187 = arith.constant 8 : index
          %swap3A_188 = tpu.vector_load %arg9[%swap3A_187] {strides = array<i32>} : memref<40xi32, #tpu.memory_space<vmem>>, vector<16xi32>,
          %swap3A_189 = vector.shape_cast %swap3A_188 : vector<16xi32> to vector<16xi32>
          %swap3A_190 = vector.shape_cast %select_n3A_186 : vector<16xi32> to vector<16xi32>
          tpu.vector_store %arg9[%swap3A_187], %swap3A_190 {strides = array<i32>} : memref<40xi32, #tpu.memory_space<vmem>>, vector<16xi32>,
          %get3A_191 = arith.constant 16 : index
          %get3A_192 = tpu.vector_load %arg9[%get3A_191] {strides = array<i32>} : memref<40xi32, #tpu.memory_space<vmem>>, vector<16xi32>,
          %get3A_193 = vector.shape_cast %get3A_192 : vector<16xi32> to vector<16xi32>
          %swap3A_194 = arith.constant 8 : index
          %swap3A_195 = tpu.vector_load %arg9[%swap3A_194] {strides = array<i32>} : memref<40xi32, #tpu.memory_space<vmem>>, vector<16xi32>,
          %swap3A_196 = vector.shape_cast %swap3A_195 : vector<16xi32> to vector<16xi32>
          %swap3A_197 = vector.shape_cast %select_n3A_182 : vector<16xi32> to vector<16xi32>
          tpu.vector_store %arg9[%swap3A_194], %swap3A_197 {strides = array<i32>} : memref<40xi32, #tpu.memory_space<vmem>>, vector<16xi32>,
          %get3A_198 = arith.constant 16 : index
          %get3A_199 = tpu.vector_load %arg9[%get3A_198] {strides = array<i32>} : memref<40xi32, #tpu.memory_space<vmem>>, vector<16xi32>,
          %get3A_200 = vector.shape_cast %get3A_199 : vector<16xi32> to vector<16xi32>
          %and3A_201 = arith.constant 8 : i32
          %and3A_202 = vector.broadcast %and3A_201 : i32 to vector<16xi32>
          %and3A_203 = arith.andi %get3A_193, %and3A_202 : vector<16xi32>
          %ne3A_204 = arith.constant 0 : i32
          %ne3A_205 = vector.broadcast %ne3A_204 : i32 to vector<16xi32>
          %ne3A_206 = arith.cmpi ne, %and3A_203, %ne3A_205 : vector<16xi32>
          %select_n3A_207 = arith.select %ne3A_206, %get3A_200, %select_n3A_182 : vector<16xi1>, vector<16xi32>
          %sub3A_208 = arith.constant 8 : i32
          %sub3A_209 = vector.broadcast %sub3A_208 : i32 to vector<16xi32>
          %sub3A_210 = arith.subi %get3A_193, %sub3A_209 : vector<16xi32>
          %select_n3A_211 = arith.select %ne3A_206, %sub3A_210, %select_n3A_186 : vector<16xi1>, vector<16xi32>
          %min3A_212 = arith.constant 1776 : i32
          %min3A_213 = arith.minsi %scan3A_54, %min3A_212 : i32
          %swap3A_214 = arith.index_cast %min3A_213 : i32 to index
          %swap3A_215 = tpu.vector_load %arg8[%swap3A_214] {strides = array<i32>} : memref<1792xi32, #tpu.memory_space<vmem>>, vector<16xi32>,
          %swap3A_216 = vector.shape_cast %swap3A_215 : vector<16xi32> to vector<16xi32>
          %swap3A_217 = vector.shape_cast %select_n3A_207 : vector<16xi32> to vector<16xi32>
          tpu.vector_store %arg8[%swap3A_214], %swap3A_217 {strides = array<i32>} : memref<1792xi32, #tpu.memory_space<vmem>>, vector<16xi32>,
          %add3A_218 = arith.addi %scan3A_54, %squeeze3A : i32
          scf.yield %add3A_218 : i32
        }
        %scan3A_52 = arith.constant 64 : i32
        scf.yield %scan3A_51 : i32
      }
      %scan3A_27 = arith.constant 26 : i32
      %min3A = arith.constant 1792 : i32
      %min3A_28 = arith.minsi %scan3A_26, %min3A : i32
      %mul3A_29 = arith.constant 20 : i32
      %mul3A_30 = arith.muli %add3A, %mul3A_29 : i32
      %add3A_31 = arith.addi %mul3A_30, %scan3A_18 : i32
      %mul3A_32 = arith.constant 1792 : i32
      %mul3A_33 = arith.muli %add3A_31, %mul3A_32 : i32
      "tpu.region"() ({
        %run_scoped3A = tpu.sem_alloc : memref<!tpu.dma_semaphore, #tpu.memory_space<semaphore_mem>>
        %dma_start3A = tpu.memref_slice %arg4[%mul3A_33] : memref<1146880xi32, #tpu.memory_space<hbm>> -> memref<1792xi32, #tpu.memory_space<hbm>>
        %dma_start3A_39 = tpu.memref_slice %arg4[%mul3A_33] : memref<1146880xi32, #tpu.memory_space<hbm>> -> memref<1792xi32, #tpu.memory_space<hbm>>
        tpu.enqueue_dma source(%arg8 : memref<1792xi32, #tpu.memory_space<vmem>>) target(%dma_start3A_39 : memref<1792xi32, #tpu.memory_space<hbm>>) target_semaphore(%run_scoped3A : memref<!tpu.dma_semaphore, #tpu.memory_space<semaphore_mem>>)
        %dma_wait3A = tpu.memref_slice %arg4[%mul3A_33] : memref<1146880xi32, #tpu.memory_space<hbm>> -> memref<1792xi32, #tpu.memory_space<hbm>>
        %dma_wait3A_40 = tpu.memref_slice %arg4[%mul3A_33] : memref<1146880xi32, #tpu.memory_space<hbm>> -> memref<1792xi32, #tpu.memory_space<hbm>>
        tpu.wait_dma2 semaphore(%run_scoped3A : memref<!tpu.dma_semaphore, #tpu.memory_space<semaphore_mem>>) src(%arg8 : memref<1792xi32, #tpu.memory_space<vmem>>) dst(%dma_wait3A_40 : memref<1792xi32, #tpu.memory_space<hbm>>)
        tpu.yield
      }) : () -> ()
      %broadcast_in_dim3A_34 = vector.broadcast %min3A_28 : i32 to vector<16xi32>
      %swap3A_35 = arith.index_cast %scan3A_18 : i32 to index
      %swap3A_36 = tpu.vector_load %arg10[%swap3A_35] {strides = array<i32>} : memref<36xi32, #tpu.memory_space<vmem>>, vector<16xi32>,
      %swap3A_37 = vector.shape_cast %swap3A_36 : vector<16xi32> to vector<16xi32>
      %swap3A_38 = vector.shape_cast %broadcast_in_dim3A_34 : vector<16xi32> to vector<16xi32>
      tpu.vector_store %arg10[%swap3A_35], %swap3A_38 {strides = array<i32>} : memref<36xi32, #tpu.memory_space<vmem>>, vector<16xi32>,
    }
    %scan3A_15 = arith.constant 20 : i32
    %mul3A_16 = arith.constant 32 : i32
    %mul3A_17 = arith.muli %add3A, %mul3A_16 : i32
    "tpu.region"() ({
      %run_scoped3A = tpu.sem_alloc : memref<!tpu.dma_semaphore, #tpu.memory_space<semaphore_mem>>
      %dma_start3A = arith.constant 0 : i32
      %dma_start3A_18 = tpu.memref_slice %arg10[%dma_start3A] : memref<36xi32, #tpu.memory_space<vmem>> -> memref<32xi32, #tpu.memory_space<vmem>>
      %dma_start3A_19 = tpu.memref_slice %arg5[%mul3A_17] : memref<1024xi32, #tpu.memory_space<hbm>> -> memref<32xi32, #tpu.memory_space<hbm>>
      %dma_start3A_20 = tpu.memref_slice %arg5[%mul3A_17] : memref<1024xi32, #tpu.memory_space<hbm>> -> memref<32xi32, #tpu.memory_space<hbm>>
      %dma_start3A_21 = arith.constant 0 : i32
      %dma_start3A_22 = tpu.memref_slice %arg10[%dma_start3A_21] : memref<36xi32, #tpu.memory_space<vmem>> -> memref<32xi32, #tpu.memory_space<vmem>>
      tpu.enqueue_dma source(%dma_start3A_22 : memref<32xi32, #tpu.memory_space<vmem>>) target(%dma_start3A_20 : memref<32xi32, #tpu.memory_space<hbm>>) target_semaphore(%run_scoped3A : memref<!tpu.dma_semaphore, #tpu.memory_space<semaphore_mem>>)
      %dma_wait3A = arith.constant 0 : i32
      %dma_wait3A_23 = tpu.memref_slice %arg10[%dma_wait3A] : memref<36xi32, #tpu.memory_space<vmem>> -> memref<32xi32, #tpu.memory_space<vmem>>
      %dma_wait3A_24 = tpu.memref_slice %arg5[%mul3A_17] : memref<1024xi32, #tpu.memory_space<hbm>> -> memref<32xi32, #tpu.memory_space<hbm>>
      %dma_wait3A_25 = tpu.memref_slice %arg5[%mul3A_17] : memref<1024xi32, #tpu.memory_space<hbm>> -> memref<32xi32, #tpu.memory_space<hbm>>
      %dma_wait3A_26 = arith.constant 0 : i32
      %dma_wait3A_27 = tpu.memref_slice %arg10[%dma_wait3A_26] : memref<36xi32, #tpu.memory_space<vmem>> -> memref<32xi32, #tpu.memory_space<vmem>>
      tpu.wait_dma2 semaphore(%run_scoped3A : memref<!tpu.dma_semaphore, #tpu.memory_space<semaphore_mem>>) src(%dma_wait3A_27 : memref<32xi32, #tpu.memory_space<vmem>>) dst(%dma_wait3A_25 : memref<32xi32, #tpu.memory_space<hbm>>)
      tpu.yield
    }) : () -> ()
    return
  }
}

#map = affine_map<(d0, d1) -> (0, 0)>
#map1 = affine_map<(d0, d1) -> (0)>
module attributes {stable_mosaic.version = 14 : i64} {
  func.func @_dot_body(%arg0: i32, %arg1: i32, %arg2: memref<50000x128xf32, #tpu.memory_space<hbm>>, %arg3: memref<4096xi32, #tpu.memory_space<hbm>>, %arg4: memref<4096xi32, #tpu.memory_space<hbm>>, %arg5: memref<4096xf32, #tpu.memory_space<hbm>>, %arg6: memref<32xi32, #tpu.memory_space<vmem>>, %arg7: memref<32xi32, #tpu.memory_space<vmem>>, %arg8: memref<32x128xf32, #tpu.memory_space<vmem>>, %arg9: memref<32x128xf32, #tpu.memory_space<vmem>>, %arg10: memref<48xf32, #tpu.memory_space<vmem>>, %arg11: memref<40xf32, #tpu.memory_space<vmem>>) attributes {dimension_semantics = [#tpu.dimension_semantics<core_parallel>, #tpu.dimension_semantics<subcore_parallel>], iteration_bounds = array<i64: 2, 16>, scalar_prefetch = 0 : i64, scratch_operands = 6 : i64, tpu.core_type = #tpu.core_type<sc_vector_subcore>, window_params = [{transform_indices = #map}, {transform_indices = #map1}, {transform_indices = #map1}, {transform_indices = #map1}]} {
    %mul3A = arith.constant 16 : i32
    %mul3A_0 = arith.muli %arg0, %mul3A : i32
    %add3A = arith.addi %mul3A_0, %arg1 : i32
    %mul3A_1 = arith.constant 128 : i32
    %mul3A_2 = arith.muli %add3A, %mul3A_1 : i32
    %broadcast_in_dim3A = arith.constant 0.000000e+00 : f32
    %broadcast_in_dim3A_3 = vector.broadcast %broadcast_in_dim3A : f32 to vector<16xf32>
    %swap3A = arith.constant 0 : index
    %swap3A_4 = tpu.vector_load %arg11[%swap3A] {strides = array<i32>} : memref<40xf32, #tpu.memory_space<vmem>>, vector<16xf32>,
    %swap3A_5 = vector.shape_cast %swap3A_4 : vector<16xf32> to vector<16xf32>
    %swap3A_6 = vector.shape_cast %broadcast_in_dim3A_3 : vector<16xf32> to vector<16xf32>
    tpu.vector_store %arg11[%swap3A], %swap3A_6 {strides = array<i32>} : memref<40xf32, #tpu.memory_space<vmem>>, vector<16xf32>,
    %swap3A_7 = arith.constant 24 : index
    %swap3A_8 = tpu.vector_load %arg11[%swap3A_7] {strides = array<i32>} : memref<40xf32, #tpu.memory_space<vmem>>, vector<16xf32>,
    %swap3A_9 = vector.shape_cast %swap3A_8 : vector<16xf32> to vector<16xf32>
    %swap3A_10 = vector.shape_cast %broadcast_in_dim3A_3 : vector<16xf32> to vector<16xf32>
    tpu.vector_store %arg11[%swap3A_7], %swap3A_10 {strides = array<i32>} : memref<40xf32, #tpu.memory_space<vmem>>, vector<16xf32>,
    %scan3A = arith.constant 0 : i32
    %scan3A_11 = arith.constant 0 : i32
    %scan3A_12 = arith.constant 4 : i32
    %scan3A_13 = arith.addi %scan3A_11, %scan3A_12 : i32
    %scan3A_14 = arith.constant 1 : i32
    scf.for %scan3A_16 = %scan3A_11 to %scan3A_13 step %scan3A_14  : i32 {
      %mul3A_17 = arith.constant 32 : i32
      %mul3A_18 = arith.muli %scan3A_16, %mul3A_17 : i32
      %add3A_19 = arith.addi %mul3A_2, %mul3A_18 : i32
      "tpu.region"() ({
        %run_scoped3A = tpu.sem_alloc : memref<!tpu.dma_semaphore, #tpu.memory_space<semaphore_mem>>
        %dma_start3A = tpu.memref_slice %arg3[%add3A_19] : memref<4096xi32, #tpu.memory_space<hbm>> -> memref<32xi32, #tpu.memory_space<hbm>>
        %dma_start3A_26 = tpu.memref_slice %arg3[%add3A_19] : memref<4096xi32, #tpu.memory_space<hbm>> -> memref<32xi32, #tpu.memory_space<hbm>>
        tpu.enqueue_dma source(%dma_start3A_26 : memref<32xi32, #tpu.memory_space<hbm>>) target(%arg6 : memref<32xi32, #tpu.memory_space<vmem>>) target_semaphore(%run_scoped3A : memref<!tpu.dma_semaphore, #tpu.memory_space<semaphore_mem>>)
        %dma_wait3A = tpu.memref_slice %arg3[%add3A_19] : memref<4096xi32, #tpu.memory_space<hbm>> -> memref<32xi32, #tpu.memory_space<hbm>>
        %dma_wait3A_27 = tpu.memref_slice %arg3[%add3A_19] : memref<4096xi32, #tpu.memory_space<hbm>> -> memref<32xi32, #tpu.memory_space<hbm>>
        tpu.wait_dma2 semaphore(%run_scoped3A : memref<!tpu.dma_semaphore, #tpu.memory_space<semaphore_mem>>) src(%dma_wait3A_27 : memref<32xi32, #tpu.memory_space<hbm>>) dst(%arg6 : memref<32xi32, #tpu.memory_space<vmem>>)
        tpu.yield
      }) : () -> ()
      "tpu.region"() ({
        %run_scoped3A = tpu.sem_alloc : memref<!tpu.dma_semaphore, #tpu.memory_space<semaphore_mem>>
        %dma_start3A = tpu.memref_slice %arg4[%add3A_19] : memref<4096xi32, #tpu.memory_space<hbm>> -> memref<32xi32, #tpu.memory_space<hbm>>
        %dma_start3A_26 = tpu.memref_slice %arg4[%add3A_19] : memref<4096xi32, #tpu.memory_space<hbm>> -> memref<32xi32, #tpu.memory_space<hbm>>
        tpu.enqueue_dma source(%dma_start3A_26 : memref<32xi32, #tpu.memory_space<hbm>>) target(%arg7 : memref<32xi32, #tpu.memory_space<vmem>>) target_semaphore(%run_scoped3A : memref<!tpu.dma_semaphore, #tpu.memory_space<semaphore_mem>>)
        %dma_wait3A = tpu.memref_slice %arg4[%add3A_19] : memref<4096xi32, #tpu.memory_space<hbm>> -> memref<32xi32, #tpu.memory_space<hbm>>
        %dma_wait3A_27 = tpu.memref_slice %arg4[%add3A_19] : memref<4096xi32, #tpu.memory_space<hbm>> -> memref<32xi32, #tpu.memory_space<hbm>>
        tpu.wait_dma2 semaphore(%run_scoped3A : memref<!tpu.dma_semaphore, #tpu.memory_space<semaphore_mem>>) src(%dma_wait3A_27 : memref<32xi32, #tpu.memory_space<hbm>>) dst(%arg7 : memref<32xi32, #tpu.memory_space<vmem>>)
        tpu.yield
      }) : () -> ()
      "tpu.region"() ({
        %run_scoped3A = tpu.sem_alloc : memref<!tpu.dma_semaphore, #tpu.memory_space<semaphore_mem>>
        %dma_start3A = arith.constant 0 : i32
        %dma_start3A_26 = arith.constant 0 : i32
        %dma_start3A_27 = tpu.memref_slice %arg2[%dma_start3A, %dma_start3A_26] : memref<50000x128xf32, #tpu.memory_space<hbm>> -> memref<50000x128xf32, #tpu.memory_space<hbm>>
        tpu.enqueue_indirect_dma source(%dma_start3A_27 : memref<50000x128xf32, #tpu.memory_space<hbm>>) target(%arg8 : memref<32x128xf32, #tpu.memory_space<vmem>>) offsets(%arg6 : memref<32xi32, #tpu.memory_space<vmem>>) semaphore(%run_scoped3A : memref<!tpu.dma_semaphore, #tpu.memory_space<semaphore_mem>>)
        %dma_wait3A = arith.constant 0 : i32
        %dma_wait3A_28 = arith.constant 0 : i32
        %dma_wait3A_29 = tpu.memref_slice %arg2[%dma_wait3A, %dma_wait3A_28] : memref<50000x128xf32, #tpu.memory_space<hbm>> -> memref<50000x128xf32, #tpu.memory_space<hbm>>
        tpu.wait_indirect_dma semaphore(%run_scoped3A : memref<!tpu.dma_semaphore, #tpu.memory_space<semaphore_mem>>) src(%dma_wait3A_29 : memref<50000x128xf32, #tpu.memory_space<hbm>>) dst(%arg8 : memref<32x128xf32, #tpu.memory_space<vmem>>)
        tpu.yield
      }) : () -> ()
      "tpu.region"() ({
        %run_scoped3A = tpu.sem_alloc : memref<!tpu.dma_semaphore, #tpu.memory_space<semaphore_mem>>
        %dma_start3A = arith.constant 0 : i32
        %dma_start3A_26 = arith.constant 0 : i32
        %dma_start3A_27 = tpu.memref_slice %arg2[%dma_start3A, %dma_start3A_26] : memref<50000x128xf32, #tpu.memory_space<hbm>> -> memref<50000x128xf32, #tpu.memory_space<hbm>>
        tpu.enqueue_indirect_dma source(%dma_start3A_27 : memref<50000x128xf32, #tpu.memory_space<hbm>>) target(%arg9 : memref<32x128xf32, #tpu.memory_space<vmem>>) offsets(%arg7 : memref<32xi32, #tpu.memory_space<vmem>>) semaphore(%run_scoped3A : memref<!tpu.dma_semaphore, #tpu.memory_space<semaphore_mem>>)
        %dma_wait3A = arith.constant 0 : i32
        %dma_wait3A_28 = arith.constant 0 : i32
        %dma_wait3A_29 = tpu.memref_slice %arg2[%dma_wait3A, %dma_wait3A_28] : memref<50000x128xf32, #tpu.memory_space<hbm>> -> memref<50000x128xf32, #tpu.memory_space<hbm>>
        tpu.wait_indirect_dma semaphore(%run_scoped3A : memref<!tpu.dma_semaphore, #tpu.memory_space<semaphore_mem>>) src(%dma_wait3A_29 : memref<50000x128xf32, #tpu.memory_space<hbm>>) dst(%arg9 : memref<32x128xf32, #tpu.memory_space<vmem>>)
        tpu.yield
      }) : () -> ()
      %scan3A_20 = arith.constant 0 : i32
      %scan3A_21 = arith.constant 0 : i32
      %scan3A_22 = arith.constant 32 : i32
      %scan3A_23 = arith.addi %scan3A_21, %scan3A_22 : i32
      %scan3A_24 = arith.constant 1 : i32
      scf.for %scan3A_26 = %scan3A_21 to %scan3A_23 step %scan3A_24  : i32 {
        %get3A = arith.index_cast %scan3A_26 : i32 to index
        %get3A_27 = arith.constant 0 : index
        %get3A_28 = tpu.vector_load %arg8[%get3A, %get3A_27] {strides = array<i32>} : memref<32x128xf32, #tpu.memory_space<vmem>>, vector<1x16xf32>,
        %get3A_29 = vector.shape_cast %get3A_28 : vector<1x16xf32> to vector<16xf32>
        %get3A_30 = arith.index_cast %scan3A_26 : i32 to index
        %get3A_31 = arith.constant 0 : index
        %get3A_32 = tpu.vector_load %arg9[%get3A_30, %get3A_31] {strides = array<i32>} : memref<32x128xf32, #tpu.memory_space<vmem>>, vector<1x16xf32>,
        %get3A_33 = vector.shape_cast %get3A_32 : vector<1x16xf32> to vector<16xf32>
        %mul3A_34 = arith.mulf %get3A_29, %get3A_33 : vector<16xf32>
        %get3A_35 = arith.index_cast %scan3A_26 : i32 to index
        %get3A_36 = arith.constant 16 : index
        %get3A_37 = tpu.vector_load %arg8[%get3A_35, %get3A_36] {strides = array<i32>} : memref<32x128xf32, #tpu.memory_space<vmem>>, vector<1x16xf32>,
        %get3A_38 = vector.shape_cast %get3A_37 : vector<1x16xf32> to vector<16xf32>
        %get3A_39 = arith.index_cast %scan3A_26 : i32 to index
        %get3A_40 = arith.constant 16 : index
        %get3A_41 = tpu.vector_load %arg9[%get3A_39, %get3A_40] {strides = array<i32>} : memref<32x128xf32, #tpu.memory_space<vmem>>, vector<1x16xf32>,
        %get3A_42 = vector.shape_cast %get3A_41 : vector<1x16xf32> to vector<16xf32>
        %mul3A_43 = arith.mulf %get3A_38, %get3A_42 : vector<16xf32>
        %add3A_44 = arith.addf %mul3A_34, %mul3A_43 : vector<16xf32>
        %get3A_45 = arith.index_cast %scan3A_26 : i32 to index
        %get3A_46 = arith.constant 32 : index
        %get3A_47 = tpu.vector_load %arg8[%get3A_45, %get3A_46] {strides = array<i32>} : memref<32x128xf32, #tpu.memory_space<vmem>>, vector<1x16xf32>,
        %get3A_48 = vector.shape_cast %get3A_47 : vector<1x16xf32> to vector<16xf32>
        %get3A_49 = arith.index_cast %scan3A_26 : i32 to index
        %get3A_50 = arith.constant 32 : index
        %get3A_51 = tpu.vector_load %arg9[%get3A_49, %get3A_50] {strides = array<i32>} : memref<32x128xf32, #tpu.memory_space<vmem>>, vector<1x16xf32>,
        %get3A_52 = vector.shape_cast %get3A_51 : vector<1x16xf32> to vector<16xf32>
        %mul3A_53 = arith.mulf %get3A_48, %get3A_52 : vector<16xf32>
        %add3A_54 = arith.addf %add3A_44, %mul3A_53 : vector<16xf32>
        %get3A_55 = arith.index_cast %scan3A_26 : i32 to index
        %get3A_56 = arith.constant 48 : index
        %get3A_57 = tpu.vector_load %arg8[%get3A_55, %get3A_56] {strides = array<i32>} : memref<32x128xf32, #tpu.memory_space<vmem>>, vector<1x16xf32>,
        %get3A_58 = vector.shape_cast %get3A_57 : vector<1x16xf32> to vector<16xf32>
        %get3A_59 = arith.index_cast %scan3A_26 : i32 to index
        %get3A_60 = arith.constant 48 : index
        %get3A_61 = tpu.vector_load %arg9[%get3A_59, %get3A_60] {strides = array<i32>} : memref<32x128xf32, #tpu.memory_space<vmem>>, vector<1x16xf32>,
        %get3A_62 = vector.shape_cast %get3A_61 : vector<1x16xf32> to vector<16xf32>
        %mul3A_63 = arith.mulf %get3A_58, %get3A_62 : vector<16xf32>
        %add3A_64 = arith.addf %add3A_54, %mul3A_63 : vector<16xf32>
        %swap3A_65 = arith.constant 8 : index
        %swap3A_66 = tpu.vector_load %arg11[%swap3A_65] {strides = array<i32>} : memref<40xf32, #tpu.memory_space<vmem>>, vector<16xf32>,
        %swap3A_67 = vector.shape_cast %swap3A_66 : vector<16xf32> to vector<16xf32>
        %swap3A_68 = vector.shape_cast %add3A_64 : vector<16xf32> to vector<16xf32>
        tpu.vector_store %arg11[%swap3A_65], %swap3A_68 {strides = array<i32>} : memref<40xf32, #tpu.memory_space<vmem>>, vector<16xf32>,
        %get3A_69 = arith.constant 7 : index
        %get3A_70 = tpu.vector_load %arg11[%get3A_69] {strides = array<i32>} : memref<40xf32, #tpu.memory_space<vmem>>, vector<16xf32>,
        %get3A_71 = vector.shape_cast %get3A_70 : vector<16xf32> to vector<16xf32>
        %add3A_72 = arith.addf %add3A_64, %get3A_71 : vector<16xf32>
        %swap3A_73 = arith.constant 8 : index
        %swap3A_74 = tpu.vector_load %arg11[%swap3A_73] {strides = array<i32>} : memref<40xf32, #tpu.memory_space<vmem>>, vector<16xf32>,
        %swap3A_75 = vector.shape_cast %swap3A_74 : vector<16xf32> to vector<16xf32>
        %swap3A_76 = vector.shape_cast %add3A_72 : vector<16xf32> to vector<16xf32>
        tpu.vector_store %arg11[%swap3A_73], %swap3A_76 {strides = array<i32>} : memref<40xf32, #tpu.memory_space<vmem>>, vector<16xf32>,
        %get3A_77 = arith.constant 6 : index
        %get3A_78 = tpu.vector_load %arg11[%get3A_77] {strides = array<i32>} : memref<40xf32, #tpu.memory_space<vmem>>, vector<16xf32>,
        %get3A_79 = vector.shape_cast %get3A_78 : vector<16xf32> to vector<16xf32>
        %add3A_80 = arith.addf %add3A_72, %get3A_79 : vector<16xf32>
        %swap3A_81 = arith.constant 8 : index
        %swap3A_82 = tpu.vector_load %arg11[%swap3A_81] {strides = array<i32>} : memref<40xf32, #tpu.memory_space<vmem>>, vector<16xf32>,
        %swap3A_83 = vector.shape_cast %swap3A_82 : vector<16xf32> to vector<16xf32>
        %swap3A_84 = vector.shape_cast %add3A_80 : vector<16xf32> to vector<16xf32>
        tpu.vector_store %arg11[%swap3A_81], %swap3A_84 {strides = array<i32>} : memref<40xf32, #tpu.memory_space<vmem>>, vector<16xf32>,
        %get3A_85 = arith.constant 4 : index
        %get3A_86 = tpu.vector_load %arg11[%get3A_85] {strides = array<i32>} : memref<40xf32, #tpu.memory_space<vmem>>, vector<16xf32>,
        %get3A_87 = vector.shape_cast %get3A_86 : vector<16xf32> to vector<16xf32>
        %add3A_88 = arith.addf %add3A_80, %get3A_87 : vector<16xf32>
        %swap3A_89 = arith.constant 8 : index
        %swap3A_90 = tpu.vector_load %arg11[%swap3A_89] {strides = array<i32>} : memref<40xf32, #tpu.memory_space<vmem>>, vector<16xf32>,
        %swap3A_91 = vector.shape_cast %swap3A_90 : vector<16xf32> to vector<16xf32>
        %swap3A_92 = vector.shape_cast %add3A_88 : vector<16xf32> to vector<16xf32>
        tpu.vector_store %arg11[%swap3A_89], %swap3A_92 {strides = array<i32>} : memref<40xf32, #tpu.memory_space<vmem>>, vector<16xf32>,
        %get3A_93 = arith.constant 0 : index
        %get3A_94 = tpu.vector_load %arg11[%get3A_93] {strides = array<i32>} : memref<40xf32, #tpu.memory_space<vmem>>, vector<16xf32>,
        %get3A_95 = vector.shape_cast %get3A_94 : vector<16xf32> to vector<16xf32>
        %add3A_96 = arith.addf %add3A_88, %get3A_95 : vector<16xf32>
        %slice3A = vector.extract_strided_slice %add3A_96 {offsets = [15], sizes = [1], strides = [1]} : vector<16xf32> to vector<1xf32>
        %squeeze3A = vector.extract %slice3A[0] : f32 from vector<1xf32>
        %broadcast_in_dim3A_97 = vector.broadcast %squeeze3A : f32 to vector<16xf32>
        %swap3A_98 = arith.index_cast %scan3A_26 : i32 to index
        %swap3A_99 = tpu.vector_load %arg10[%swap3A_98] {strides = array<i32>} : memref<48xf32, #tpu.memory_space<vmem>>, vector<16xf32>,
        %swap3A_100 = vector.shape_cast %swap3A_99 : vector<16xf32> to vector<16xf32>
        %swap3A_101 = vector.shape_cast %broadcast_in_dim3A_97 : vector<16xf32> to vector<16xf32>
        tpu.vector_store %arg10[%swap3A_98], %swap3A_101 {strides = array<i32>} : memref<48xf32, #tpu.memory_space<vmem>>, vector<16xf32>,
      }
      %scan3A_25 = arith.constant 32 : i32
      "tpu.region"() ({
        %run_scoped3A = tpu.sem_alloc : memref<!tpu.dma_semaphore, #tpu.memory_space<semaphore_mem>>
        %dma_start3A = arith.constant 0 : i32
        %dma_start3A_26 = tpu.memref_slice %arg10[%dma_start3A] : memref<48xf32, #tpu.memory_space<vmem>> -> memref<32xf32, #tpu.memory_space<vmem>>
        %dma_start3A_27 = tpu.memref_slice %arg5[%add3A_19] : memref<4096xf32, #tpu.memory_space<hbm>> -> memref<32xf32, #tpu.memory_space<hbm>>
        %dma_start3A_28 = tpu.memref_slice %arg5[%add3A_19] : memref<4096xf32, #tpu.memory_space<hbm>> -> memref<32xf32, #tpu.memory_space<hbm>>
        %dma_start3A_29 = arith.constant 0 : i32
        %dma_start3A_30 = tpu.memref_slice %arg10[%dma_start3A_29] : memref<48xf32, #tpu.memory_space<vmem>> -> memref<32xf32, #tpu.memory_space<vmem>>
        tpu.enqueue_dma source(%dma_start3A_30 : memref<32xf32, #tpu.memory_space<vmem>>) target(%dma_start3A_28 : memref<32xf32, #tpu.memory_space<hbm>>) target_semaphore(%run_scoped3A : memref<!tpu.dma_semaphore, #tpu.memory_space<semaphore_mem>>)
        %dma_wait3A = arith.constant 0 : i32
        %dma_wait3A_31 = tpu.memref_slice %arg10[%dma_wait3A] : memref<48xf32, #tpu.memory_space<vmem>> -> memref<32xf32, #tpu.memory_space<vmem>>
        %dma_wait3A_32 = tpu.memref_slice %arg5[%add3A_19] : memref<4096xf32, #tpu.memory_space<hbm>> -> memref<32xf32, #tpu.memory_space<hbm>>
        %dma_wait3A_33 = tpu.memref_slice %arg5[%add3A_19] : memref<4096xf32, #tpu.memory_space<hbm>> -> memref<32xf32, #tpu.memory_space<hbm>>
        %dma_wait3A_34 = arith.constant 0 : i32
        %dma_wait3A_35 = tpu.memref_slice %arg10[%dma_wait3A_34] : memref<48xf32, #tpu.memory_space<vmem>> -> memref<32xf32, #tpu.memory_space<vmem>>
        tpu.wait_dma2 semaphore(%run_scoped3A : memref<!tpu.dma_semaphore, #tpu.memory_space<semaphore_mem>>) src(%dma_wait3A_35 : memref<32xf32, #tpu.memory_space<vmem>>) dst(%dma_wait3A_33 : memref<32xf32, #tpu.memory_space<hbm>>)
        tpu.yield
      }) : () -> ()
    }
    %scan3A_15 = arith.constant 4 : i32
    return
  }
}

#map = affine_map<(d0, d1) -> (0, 0)>
#map1 = affine_map<(d0, d1) -> (0)>
#map2 = affine_map<(d0, d1) -> (0, 0, 0)>
module attributes {stable_mosaic.version = 14 : i64} {
  func.func @_flush2_body(%arg0: i32, %arg1: i32, %arg2: memref<50000x128xf32, #tpu.memory_space<hbm>>, %arg3: memref<204800xf32, #tpu.memory_space<hbm>>, %arg4: memref<1146880xi32, #tpu.memory_space<hbm>>, %arg5: memref<1024xi32, #tpu.memory_space<hbm>>, %arg6: memref<160x128xf32, #tpu.memory_space<hbm>>, %arg7: memref<2x51200x128xf32, #tpu.memory_space<hbm>>, %arg8: memref<2576x128xf32, #tpu.memory_space<vmem_shared>>, %arg9: memref<10256xf32, #tpu.memory_space<vmem>>, %arg10: memref<64x128xf32, #tpu.memory_space<vmem>>, %arg11: memref<1792xi32, #tpu.memory_space<vmem>>, %arg12: memref<64xi32, #tpu.memory_space<vmem>>, %arg13: memref<64xi32, #tpu.memory_space<vmem>>, %arg14: memref<80xi32, #tpu.memory_space<vmem>>, %arg15: memref<52xi32, #tpu.memory_space<vmem>>) attributes {dimension_semantics = [#tpu.dimension_semantics<core_parallel>, #tpu.dimension_semantics<subcore_parallel>], iteration_bounds = array<i64: 2, 16>, scalar_prefetch = 0 : i64, scratch_operands = 8 : i64, tpu.core_type = #tpu.core_type<sc_vector_subcore>, window_params = [{transform_indices = #map}, {transform_indices = #map1}, {transform_indices = #map1}, {transform_indices = #map1}, {transform_indices = #map}, {transform_indices = #map2}]} {
    %mul3A = arith.constant 16 : i32
    %mul3A_0 = arith.muli %arg0, %mul3A : i32
    %add3A = arith.addi %mul3A_0, %arg1 : i32
    %iota3A = tpu.iota {dimensions = array<i32: 0>} : vector<16xi32>
    %mul3A_1 = arith.constant 32 : i32
    %mul3A_2 = arith.muli %add3A, %mul3A_1 : i32
    "tpu.region"() ({
      %run_scoped3A = tpu.sem_alloc : memref<!tpu.dma_semaphore, #tpu.memory_space<semaphore_mem>>
      %dma_start3A = arith.constant 0 : i32
      %dma_start3A_8 = tpu.memref_slice %arg15[%dma_start3A] : memref<52xi32, #tpu.memory_space<vmem>> -> memref<32xi32, #tpu.memory_space<vmem>>
      %dma_start3A_9 = tpu.memref_slice %arg5[%mul3A_2] : memref<1024xi32, #tpu.memory_space<hbm>> -> memref<32xi32, #tpu.memory_space<hbm>>
      %dma_start3A_10 = arith.constant 0 : i32
      %dma_start3A_11 = tpu.memref_slice %arg15[%dma_start3A_10] : memref<52xi32, #tpu.memory_space<vmem>> -> memref<32xi32, #tpu.memory_space<vmem>>
      %dma_start3A_12 = tpu.memref_slice %arg5[%mul3A_2] : memref<1024xi32, #tpu.memory_space<hbm>> -> memref<32xi32, #tpu.memory_space<hbm>>
      tpu.enqueue_dma source(%dma_start3A_12 : memref<32xi32, #tpu.memory_space<hbm>>) target(%dma_start3A_11 : memref<32xi32, #tpu.memory_space<vmem>>) target_semaphore(%run_scoped3A : memref<!tpu.dma_semaphore, #tpu.memory_space<semaphore_mem>>)
      %dma_wait3A = arith.constant 0 : i32
      %dma_wait3A_13 = tpu.memref_slice %arg15[%dma_wait3A] : memref<52xi32, #tpu.memory_space<vmem>> -> memref<32xi32, #tpu.memory_space<vmem>>
      %dma_wait3A_14 = tpu.memref_slice %arg5[%mul3A_2] : memref<1024xi32, #tpu.memory_space<hbm>> -> memref<32xi32, #tpu.memory_space<hbm>>
      %dma_wait3A_15 = arith.constant 0 : i32
      %dma_wait3A_16 = tpu.memref_slice %arg15[%dma_wait3A_15] : memref<52xi32, #tpu.memory_space<vmem>> -> memref<32xi32, #tpu.memory_space<vmem>>
      %dma_wait3A_17 = tpu.memref_slice %arg5[%mul3A_2] : memref<1024xi32, #tpu.memory_space<hbm>> -> memref<32xi32, #tpu.memory_space<hbm>>
      tpu.wait_dma2 semaphore(%run_scoped3A : memref<!tpu.dma_semaphore, #tpu.memory_space<semaphore_mem>>) src(%dma_wait3A_17 : memref<32xi32, #tpu.memory_space<hbm>>) dst(%dma_wait3A_16 : memref<32xi32, #tpu.memory_space<vmem>>)
      tpu.yield
    }) : () -> ()
    %scan3A = arith.constant 0 : i32
    %scan3A_3 = arith.constant 0 : i32
    %scan3A_4 = arith.constant 20 : i32
    %scan3A_5 = arith.addi %scan3A_3, %scan3A_4 : i32
    %scan3A_6 = arith.constant 1 : i32
    scf.for %scan3A_8 = %scan3A_3 to %scan3A_5 step %scan3A_6  : i32 {
      %mul3A_9 = arith.constant 2560 : i32
      %mul3A_10 = arith.muli %scan3A_8, %mul3A_9 : i32
      %mul3A_11 = arith.constant 160 : i32
      %mul3A_12 = arith.muli %arg1, %mul3A_11 : i32
      "tpu.region"() ({
        %run_scoped3A = tpu.sem_alloc : memref<!tpu.dma_semaphore, #tpu.memory_space<semaphore_mem>>
        %dma_start3A = arith.constant 0 : i32
        %dma_start3A_37 = tpu.memref_slice %arg8[%mul3A_12, %dma_start3A] : memref<2576x128xf32, #tpu.memory_space<vmem_shared>> -> memref<160x128xf32, #tpu.memory_space<vmem_shared>>
        tpu.enqueue_dma source(%arg6 : memref<160x128xf32, #tpu.memory_space<hbm>>) target(%dma_start3A_37 : memref<160x128xf32, #tpu.memory_space<vmem_shared>>) target_semaphore(%run_scoped3A : memref<!tpu.dma_semaphore, #tpu.memory_space<semaphore_mem>>)
        %dma_wait3A = arith.constant 0 : i32
        %dma_wait3A_38 = tpu.memref_slice %arg8[%mul3A_12, %dma_wait3A] : memref<2576x128xf32, #tpu.memory_space<vmem_shared>> -> memref<160x128xf32, #tpu.memory_space<vmem_shared>>
        tpu.wait_dma2 semaphore(%run_scoped3A : memref<!tpu.dma_semaphore, #tpu.memory_space<semaphore_mem>>) src(%arg6 : memref<160x128xf32, #tpu.memory_space<hbm>>) dst(%dma_wait3A_38 : memref<160x128xf32, #tpu.memory_space<vmem_shared>>)
        tpu.yield
      }) : () -> ()
      %eq3A = arith.constant 15 : i32
      %eq3A_13 = arith.cmpi eq, %arg1, %eq3A : i32
      %convert_element_type3A = arith.extui %eq3A_13 : i1 to i32
      %cond3A = arith.constant 0 : i32
      %cond3A_14 = arith.cmpi ne, %convert_element_type3A, %cond3A : i32
      scf.if %cond3A_14 {
        "tpu.region"() ({
          %run_scoped3A = tpu.sem_alloc : memref<!tpu.dma_semaphore, #tpu.memory_space<semaphore_mem>>
          %dma_start3A = arith.constant 2560 : i32
          %dma_start3A_37 = arith.constant 0 : i32
          %dma_start3A_38 = tpu.memref_slice %arg8[%dma_start3A, %dma_start3A_37] : memref<2576x128xf32, #tpu.memory_space<vmem_shared>> -> memref<16x128xf32, #tpu.memory_space<vmem_shared>>
          %dma_start3A_39 = arith.constant 0 : i32
          %dma_start3A_40 = arith.constant 0 : i32
          %dma_start3A_41 = tpu.memref_slice %arg6[%dma_start3A_39, %dma_start3A_40] : memref<160x128xf32, #tpu.memory_space<hbm>> -> memref<16x128xf32, #tpu.memory_space<hbm>>
          tpu.enqueue_dma source(%dma_start3A_41 : memref<16x128xf32, #tpu.memory_space<hbm>>) target(%dma_start3A_38 : memref<16x128xf32, #tpu.memory_space<vmem_shared>>) target_semaphore(%run_scoped3A : memref<!tpu.dma_semaphore, #tpu.memory_space<semaphore_mem>>)
          %dma_wait3A = arith.constant 2560 : i32
          %dma_wait3A_42 = arith.constant 0 : i32
          %dma_wait3A_43 = tpu.memref_slice %arg8[%dma_wait3A, %dma_wait3A_42] : memref<2576x128xf32, #tpu.memory_space<vmem_shared>> -> memref<16x128xf32, #tpu.memory_space<vmem_shared>>
          %dma_wait3A_44 = arith.constant 0 : i32
          %dma_wait3A_45 = arith.constant 0 : i32
          %dma_wait3A_46 = tpu.memref_slice %arg6[%dma_wait3A_44, %dma_wait3A_45] : memref<160x128xf32, #tpu.memory_space<hbm>> -> memref<16x128xf32, #tpu.memory_space<hbm>>
          tpu.wait_dma2 semaphore(%run_scoped3A : memref<!tpu.dma_semaphore, #tpu.memory_space<semaphore_mem>>) src(%dma_wait3A_46 : memref<16x128xf32, #tpu.memory_space<hbm>>) dst(%dma_wait3A_43 : memref<16x128xf32, #tpu.memory_space<vmem_shared>>)
          tpu.yield
        }) : () -> ()
      } else {
      }
      %mul3A_15 = arith.constant 4 : i32
      %mul3A_16 = arith.muli %mul3A_10, %mul3A_15 : i32
      "tpu.region"() ({
        %run_scoped3A = tpu.sem_alloc : memref<!tpu.dma_semaphore, #tpu.memory_space<semaphore_mem>>
        %dma_start3A = arith.constant 0 : i32
        %dma_start3A_37 = tpu.memref_slice %arg9[%dma_start3A] : memref<10256xf32, #tpu.memory_space<vmem>> -> memref<10240xf32, #tpu.memory_space<vmem>>
        %dma_start3A_38 = tpu.memref_slice %arg3[%mul3A_16] : memref<204800xf32, #tpu.memory_space<hbm>> -> memref<10240xf32, #tpu.memory_space<hbm>>
        %dma_start3A_39 = arith.constant 0 : i32
        %dma_start3A_40 = tpu.memref_slice %arg9[%dma_start3A_39] : memref<10256xf32, #tpu.memory_space<vmem>> -> memref<10240xf32, #tpu.memory_space<vmem>>
        %dma_start3A_41 = tpu.memref_slice %arg3[%mul3A_16] : memref<204800xf32, #tpu.memory_space<hbm>> -> memref<10240xf32, #tpu.memory_space<hbm>>
        tpu.enqueue_dma source(%dma_start3A_41 : memref<10240xf32, #tpu.memory_space<hbm>>) target(%dma_start3A_40 : memref<10240xf32, #tpu.memory_space<vmem>>) target_semaphore(%run_scoped3A : memref<!tpu.dma_semaphore, #tpu.memory_space<semaphore_mem>>)
        %dma_wait3A = arith.constant 0 : i32
        %dma_wait3A_42 = tpu.memref_slice %arg9[%dma_wait3A] : memref<10256xf32, #tpu.memory_space<vmem>> -> memref<10240xf32, #tpu.memory_space<vmem>>
        %dma_wait3A_43 = tpu.memref_slice %arg3[%mul3A_16] : memref<204800xf32, #tpu.memory_space<hbm>> -> memref<10240xf32, #tpu.memory_space<hbm>>
        %dma_wait3A_44 = arith.constant 0 : i32
        %dma_wait3A_45 = tpu.memref_slice %arg9[%dma_wait3A_44] : memref<10256xf32, #tpu.memory_space<vmem>> -> memref<10240xf32, #tpu.memory_space<vmem>>
        %dma_wait3A_46 = tpu.memref_slice %arg3[%mul3A_16] : memref<204800xf32, #tpu.memory_space<hbm>> -> memref<10240xf32, #tpu.memory_space<hbm>>
        tpu.wait_dma2 semaphore(%run_scoped3A : memref<!tpu.dma_semaphore, #tpu.memory_space<semaphore_mem>>) src(%dma_wait3A_46 : memref<10240xf32, #tpu.memory_space<hbm>>) dst(%dma_wait3A_45 : memref<10240xf32, #tpu.memory_space<vmem>>)
        tpu.yield
      }) : () -> ()
      %mul3A_17 = arith.constant 20 : i32
      %mul3A_18 = arith.muli %add3A, %mul3A_17 : i32
      %add3A_19 = arith.addi %mul3A_18, %scan3A_8 : i32
      %mul3A_20 = arith.constant 1792 : i32
      %mul3A_21 = arith.muli %add3A_19, %mul3A_20 : i32
      "tpu.region"() ({
        %run_scoped3A = tpu.sem_alloc : memref<!tpu.dma_semaphore, #tpu.memory_space<semaphore_mem>>
        %dma_start3A = tpu.memref_slice %arg4[%mul3A_21] : memref<1146880xi32, #tpu.memory_space<hbm>> -> memref<1792xi32, #tpu.memory_space<hbm>>
        %dma_start3A_37 = tpu.memref_slice %arg4[%mul3A_21] : memref<1146880xi32, #tpu.memory_space<hbm>> -> memref<1792xi32, #tpu.memory_space<hbm>>
        tpu.enqueue_dma source(%dma_start3A_37 : memref<1792xi32, #tpu.memory_space<hbm>>) target(%arg11 : memref<1792xi32, #tpu.memory_space<vmem>>) target_semaphore(%run_scoped3A : memref<!tpu.dma_semaphore, #tpu.memory_space<semaphore_mem>>)
        %dma_wait3A = tpu.memref_slice %arg4[%mul3A_21] : memref<1146880xi32, #tpu.memory_space<hbm>> -> memref<1792xi32, #tpu.memory_space<hbm>>
        %dma_wait3A_38 = tpu.memref_slice %arg4[%mul3A_21] : memref<1146880xi32, #tpu.memory_space<hbm>> -> memref<1792xi32, #tpu.memory_space<hbm>>
        tpu.wait_dma2 semaphore(%run_scoped3A : memref<!tpu.dma_semaphore, #tpu.memory_space<semaphore_mem>>) src(%dma_wait3A_38 : memref<1792xi32, #tpu.memory_space<hbm>>) dst(%arg11 : memref<1792xi32, #tpu.memory_space<vmem>>)
        tpu.yield
      }) : () -> ()
      %barrier3A = arith.constant 0 : index
      tpu.barrier barrier_id(%barrier3A)
      %get3A = arith.index_cast %scan3A_8 : i32 to index
      %get3A_22 = tpu.vector_load %arg15[%get3A] {strides = array<i32>} : memref<52xi32, #tpu.memory_space<vmem>>, vector<16xi32>,
      %get3A_23 = vector.shape_cast %get3A_22 : vector<16xi32> to vector<16xi32>
      %slice3A = vector.extract_strided_slice %get3A_23 {offsets = [0], sizes = [1], strides = [1]} : vector<16xi32> to vector<1xi32>
      %squeeze3A = vector.extract %slice3A[0] : i32 from vector<1xi32>
      %scan3A_24 = arith.constant 0 : i32
      %scan3A_25 = arith.constant 0 : i32
      %scan3A_26 = arith.constant 28 : i32
      %scan3A_27 = arith.addi %scan3A_25, %scan3A_26 : i32
      %scan3A_28 = arith.constant 1 : i32
      scf.for %scan3A_37 = %scan3A_25 to %scan3A_27 step %scan3A_28  : i32 {
        %mul3A_38 = arith.constant 64 : i32
        %mul3A_39 = arith.muli %scan3A_37, %mul3A_38 : i32
        %lt3A = arith.cmpi slt, %mul3A_39, %squeeze3A : i32
        %convert_element_type3A_40 = arith.extui %lt3A : i1 to i32
        %cond3A_41 = arith.constant 0 : i32
        %cond3A_42 = arith.cmpi ne, %convert_element_type3A_40, %cond3A_41 : i32
        scf.if %cond3A_42 {
          %mul3A_43 = arith.constant 64 : i32
          %mul3A_44 = arith.muli %scan3A_37, %mul3A_43 : i32
          %add3A_45 = arith.constant 0 : i32
          %add3A_46 = arith.addi %mul3A_44, %add3A_45 : i32
          %get3A_47 = arith.index_cast %add3A_46 : i32 to index
          %get3A_48 = tpu.vector_load %arg11[%get3A_47] {strides = array<i32>} : memref<1792xi32, #tpu.memory_space<vmem>>, vector<16xi32>,
          %get3A_49 = vector.shape_cast %get3A_48 : vector<16xi32> to vector<16xi32>
          %add3A_50 = arith.constant 0 : i32
          %add3A_51 = arith.addi %mul3A_44, %add3A_50 : i32
          %add3A_52 = vector.broadcast %add3A_51 : i32 to vector<16xi32>
          %add3A_53 = arith.addi %iota3A, %add3A_52 : vector<16xi32>
          %lt3A_54 = vector.broadcast %squeeze3A : i32 to vector<16xi32>
          %lt3A_55 = arith.cmpi slt, %add3A_53, %lt3A_54 : vector<16xi32>
          %and3A = arith.constant 65535 : i32
          %and3A_56 = vector.broadcast %and3A : i32 to vector<16xi32>
          %and3A_57 = arith.andi %get3A_49, %and3A_56 : vector<16xi32>
          %jit3A = arith.constant 0 : i32
          %broadcast_in_dim3A = vector.broadcast %jit3A : i32 to vector<16xi32>
          %select_n3A = arith.select %lt3A_55, %and3A_57, %broadcast_in_dim3A : vector<16xi1>, vector<16xi32>
          %swap3A = arith.constant 0 : index
          %swap3A_58 = tpu.vector_load %arg12[%swap3A] {strides = array<i32>} : memref<64xi32, #tpu.memory_space<vmem>>, vector<16xi32>,
          %swap3A_59 = vector.shape_cast %swap3A_58 : vector<16xi32> to vector<16xi32>
          %swap3A_60 = vector.shape_cast %select_n3A : vector<16xi32> to vector<16xi32>
          tpu.vector_store %arg12[%swap3A], %swap3A_60 {strides = array<i32>} : memref<64xi32, #tpu.memory_space<vmem>>, vector<16xi32>,
          %shift_right_arithmetic3A = arith.constant 16 : i32
          %shift_right_arithmetic3A_61 = vector.broadcast %shift_right_arithmetic3A : i32 to vector<16xi32>
          %shift_right_arithmetic3A_62 = arith.shrsi %get3A_49, %shift_right_arithmetic3A_61 : vector<16xi32>
          %jit3A_63 = arith.constant 2560 : i32
          %broadcast_in_dim3A_64 = vector.broadcast %jit3A_63 : i32 to vector<16xi32>
          %select_n3A_65 = arith.select %lt3A_55, %shift_right_arithmetic3A_62, %broadcast_in_dim3A_64 : vector<16xi1>, vector<16xi32>
          %swap3A_66 = arith.constant 0 : index
          %swap3A_67 = tpu.vector_load %arg13[%swap3A_66] {strides = array<i32>} : memref<64xi32, #tpu.memory_space<vmem>>, vector<16xi32>,
          %swap3A_68 = vector.shape_cast %swap3A_67 : vector<16xi32> to vector<16xi32>
          %swap3A_69 = vector.shape_cast %select_n3A_65 : vector<16xi32> to vector<16xi32>
          tpu.vector_store %arg13[%swap3A_66], %swap3A_69 {strides = array<i32>} : memref<64xi32, #tpu.memory_space<vmem>>, vector<16xi32>,
          %swap3A_70 = arith.constant 0 : index
          %swap3A_71 = tpu.vector_load %arg14[%swap3A_70] {strides = array<i32>} : memref<80xi32, #tpu.memory_space<vmem>>, vector<16xi32>,
          %swap3A_72 = vector.shape_cast %swap3A_71 : vector<16xi32> to vector<16xi32>
          %swap3A_73 = vector.shape_cast %select_n3A_65 : vector<16xi32> to vector<16xi32>
          tpu.vector_store %arg14[%swap3A_70], %swap3A_73 {strides = array<i32>} : memref<80xi32, #tpu.memory_space<vmem>>, vector<16xi32>,
          %add3A_74 = arith.constant 16 : i32
          %add3A_75 = arith.addi %mul3A_44, %add3A_74 : i32
          %get3A_76 = arith.index_cast %add3A_75 : i32 to index
          %get3A_77 = tpu.vector_load %arg11[%get3A_76] {strides = array<i32>} : memref<1792xi32, #tpu.memory_space<vmem>>, vector<16xi32>,
          %get3A_78 = vector.shape_cast %get3A_77 : vector<16xi32> to vector<16xi32>
          %add3A_79 = arith.constant 16 : i32
          %add3A_80 = arith.addi %mul3A_44, %add3A_79 : i32
          %add3A_81 = vector.broadcast %add3A_80 : i32 to vector<16xi32>
          %add3A_82 = arith.addi %iota3A, %add3A_81 : vector<16xi32>
          %lt3A_83 = vector.broadcast %squeeze3A : i32 to vector<16xi32>
          %lt3A_84 = arith.cmpi slt, %add3A_82, %lt3A_83 : vector<16xi32>
          %and3A_85 = arith.constant 65535 : i32
          %and3A_86 = vector.broadcast %and3A_85 : i32 to vector<16xi32>
          %and3A_87 = arith.andi %get3A_78, %and3A_86 : vector<16xi32>
          %jit3A_88 = arith.constant 0 : i32
          %broadcast_in_dim3A_89 = vector.broadcast %jit3A_88 : i32 to vector<16xi32>
          %select_n3A_90 = arith.select %lt3A_84, %and3A_87, %broadcast_in_dim3A_89 : vector<16xi1>, vector<16xi32>
          %swap3A_91 = arith.constant 16 : index
          %swap3A_92 = tpu.vector_load %arg12[%swap3A_91] {strides = array<i32>} : memref<64xi32, #tpu.memory_space<vmem>>, vector<16xi32>,
          %swap3A_93 = vector.shape_cast %swap3A_92 : vector<16xi32> to vector<16xi32>
          %swap3A_94 = vector.shape_cast %select_n3A_90 : vector<16xi32> to vector<16xi32>
          tpu.vector_store %arg12[%swap3A_91], %swap3A_94 {strides = array<i32>} : memref<64xi32, #tpu.memory_space<vmem>>, vector<16xi32>,
          %shift_right_arithmetic3A_95 = arith.constant 16 : i32
          %shift_right_arithmetic3A_96 = vector.broadcast %shift_right_arithmetic3A_95 : i32 to vector<16xi32>
          %shift_right_arithmetic3A_97 = arith.shrsi %get3A_78, %shift_right_arithmetic3A_96 : vector<16xi32>
          %jit3A_98 = arith.constant 2560 : i32
          %broadcast_in_dim3A_99 = vector.broadcast %jit3A_98 : i32 to vector<16xi32>
          %select_n3A_100 = arith.select %lt3A_84, %shift_right_arithmetic3A_97, %broadcast_in_dim3A_99 : vector<16xi1>, vector<16xi32>
          %swap3A_101 = arith.constant 16 : index
          %swap3A_102 = tpu.vector_load %arg13[%swap3A_101] {strides = array<i32>} : memref<64xi32, #tpu.memory_space<vmem>>, vector<16xi32>,
          %swap3A_103 = vector.shape_cast %swap3A_102 : vector<16xi32> to vector<16xi32>
          %swap3A_104 = vector.shape_cast %select_n3A_100 : vector<16xi32> to vector<16xi32>
          tpu.vector_store %arg13[%swap3A_101], %swap3A_104 {strides = array<i32>} : memref<64xi32, #tpu.memory_space<vmem>>, vector<16xi32>,
          %swap3A_105 = arith.constant 16 : index
          %swap3A_106 = tpu.vector_load %arg14[%swap3A_105] {strides = array<i32>} : memref<80xi32, #tpu.memory_space<vmem>>, vector<16xi32>,
          %swap3A_107 = vector.shape_cast %swap3A_106 : vector<16xi32> to vector<16xi32>
          %swap3A_108 = vector.shape_cast %select_n3A_100 : vector<16xi32> to vector<16xi32>
          tpu.vector_store %arg14[%swap3A_105], %swap3A_108 {strides = array<i32>} : memref<80xi32, #tpu.memory_space<vmem>>, vector<16xi32>,
          %add3A_109 = arith.constant 32 : i32
          %add3A_110 = arith.addi %mul3A_44, %add3A_109 : i32
          %get3A_111 = arith.index_cast %add3A_110 : i32 to index
          %get3A_112 = tpu.vector_load %arg11[%get3A_111] {strides = array<i32>} : memref<1792xi32, #tpu.memory_space<vmem>>, vector<16xi32>,
          %get3A_113 = vector.shape_cast %get3A_112 : vector<16xi32> to vector<16xi32>
          %add3A_114 = arith.constant 32 : i32
          %add3A_115 = arith.addi %mul3A_44, %add3A_114 : i32
          %add3A_116 = vector.broadcast %add3A_115 : i32 to vector<16xi32>
          %add3A_117 = arith.addi %iota3A, %add3A_116 : vector<16xi32>
          %lt3A_118 = vector.broadcast %squeeze3A : i32 to vector<16xi32>
          %lt3A_119 = arith.cmpi slt, %add3A_117, %lt3A_118 : vector<16xi32>
          %and3A_120 = arith.constant 65535 : i32
          %and3A_121 = vector.broadcast %and3A_120 : i32 to vector<16xi32>
          %and3A_122 = arith.andi %get3A_113, %and3A_121 : vector<16xi32>
          %jit3A_123 = arith.constant 0 : i32
          %broadcast_in_dim3A_124 = vector.broadcast %jit3A_123 : i32 to vector<16xi32>
          %select_n3A_125 = arith.select %lt3A_119, %and3A_122, %broadcast_in_dim3A_124 : vector<16xi1>, vector<16xi32>
          %swap3A_126 = arith.constant 32 : index
          %swap3A_127 = tpu.vector_load %arg12[%swap3A_126] {strides = array<i32>} : memref<64xi32, #tpu.memory_space<vmem>>, vector<16xi32>,
          %swap3A_128 = vector.shape_cast %swap3A_127 : vector<16xi32> to vector<16xi32>
          %swap3A_129 = vector.shape_cast %select_n3A_125 : vector<16xi32> to vector<16xi32>
          tpu.vector_store %arg12[%swap3A_126], %swap3A_129 {strides = array<i32>} : memref<64xi32, #tpu.memory_space<vmem>>, vector<16xi32>,
          %shift_right_arithmetic3A_130 = arith.constant 16 : i32
          %shift_right_arithmetic3A_131 = vector.broadcast %shift_right_arithmetic3A_130 : i32 to vector<16xi32>
          %shift_right_arithmetic3A_132 = arith.shrsi %get3A_113, %shift_right_arithmetic3A_131 : vector<16xi32>
          %jit3A_133 = arith.constant 2560 : i32
          %broadcast_in_dim3A_134 = vector.broadcast %jit3A_133 : i32 to vector<16xi32>
          %select_n3A_135 = arith.select %lt3A_119, %shift_right_arithmetic3A_132, %broadcast_in_dim3A_134 : vector<16xi1>, vector<16xi32>
          %swap3A_136 = arith.constant 32 : index
          %swap3A_137 = tpu.vector_load %arg13[%swap3A_136] {strides = array<i32>} : memref<64xi32, #tpu.memory_space<vmem>>, vector<16xi32>,
          %swap3A_138 = vector.shape_cast %swap3A_137 : vector<16xi32> to vector<16xi32>
          %swap3A_139 = vector.shape_cast %select_n3A_135 : vector<16xi32> to vector<16xi32>
          tpu.vector_store %arg13[%swap3A_136], %swap3A_139 {strides = array<i32>} : memref<64xi32, #tpu.memory_space<vmem>>, vector<16xi32>,
          %swap3A_140 = arith.constant 32 : index
          %swap3A_141 = tpu.vector_load %arg14[%swap3A_140] {strides = array<i32>} : memref<80xi32, #tpu.memory_space<vmem>>, vector<16xi32>,
          %swap3A_142 = vector.shape_cast %swap3A_141 : vector<16xi32> to vector<16xi32>
          %swap3A_143 = vector.shape_cast %select_n3A_135 : vector<16xi32> to vector<16xi32>
          tpu.vector_store %arg14[%swap3A_140], %swap3A_143 {strides = array<i32>} : memref<80xi32, #tpu.memory_space<vmem>>, vector<16xi32>,
          %add3A_144 = arith.constant 48 : i32
          %add3A_145 = arith.addi %mul3A_44, %add3A_144 : i32
          %get3A_146 = arith.index_cast %add3A_145 : i32 to index
          %get3A_147 = tpu.vector_load %arg11[%get3A_146] {strides = array<i32>} : memref<1792xi32, #tpu.memory_space<vmem>>, vector<16xi32>,
          %get3A_148 = vector.shape_cast %get3A_147 : vector<16xi32> to vector<16xi32>
          %add3A_149 = arith.constant 48 : i32
          %add3A_150 = arith.addi %mul3A_44, %add3A_149 : i32
          %add3A_151 = vector.broadcast %add3A_150 : i32 to vector<16xi32>
          %add3A_152 = arith.addi %iota3A, %add3A_151 : vector<16xi32>
          %lt3A_153 = vector.broadcast %squeeze3A : i32 to vector<16xi32>
          %lt3A_154 = arith.cmpi slt, %add3A_152, %lt3A_153 : vector<16xi32>
          %and3A_155 = arith.constant 65535 : i32
          %and3A_156 = vector.broadcast %and3A_155 : i32 to vector<16xi32>
          %and3A_157 = arith.andi %get3A_148, %and3A_156 : vector<16xi32>
          %jit3A_158 = arith.constant 0 : i32
          %broadcast_in_dim3A_159 = vector.broadcast %jit3A_158 : i32 to vector<16xi32>
          %select_n3A_160 = arith.select %lt3A_154, %and3A_157, %broadcast_in_dim3A_159 : vector<16xi1>, vector<16xi32>
          %swap3A_161 = arith.constant 48 : index
          %swap3A_162 = tpu.vector_load %arg12[%swap3A_161] {strides = array<i32>} : memref<64xi32, #tpu.memory_space<vmem>>, vector<16xi32>,
          %swap3A_163 = vector.shape_cast %swap3A_162 : vector<16xi32> to vector<16xi32>
          %swap3A_164 = vector.shape_cast %select_n3A_160 : vector<16xi32> to vector<16xi32>
          tpu.vector_store %arg12[%swap3A_161], %swap3A_164 {strides = array<i32>} : memref<64xi32, #tpu.memory_space<vmem>>, vector<16xi32>,
          %shift_right_arithmetic3A_165 = arith.constant 16 : i32
          %shift_right_arithmetic3A_166 = vector.broadcast %shift_right_arithmetic3A_165 : i32 to vector<16xi32>
          %shift_right_arithmetic3A_167 = arith.shrsi %get3A_148, %shift_right_arithmetic3A_166 : vector<16xi32>
          %jit3A_168 = arith.constant 2560 : i32
          %broadcast_in_dim3A_169 = vector.broadcast %jit3A_168 : i32 to vector<16xi32>
          %select_n3A_170 = arith.select %lt3A_154, %shift_right_arithmetic3A_167, %broadcast_in_dim3A_169 : vector<16xi1>, vector<16xi32>
          %swap3A_171 = arith.constant 48 : index
          %swap3A_172 = tpu.vector_load %arg13[%swap3A_171] {strides = array<i32>} : memref<64xi32, #tpu.memory_space<vmem>>, vector<16xi32>,
          %swap3A_173 = vector.shape_cast %swap3A_172 : vector<16xi32> to vector<16xi32>
          %swap3A_174 = vector.shape_cast %select_n3A_170 : vector<16xi32> to vector<16xi32>
          tpu.vector_store %arg13[%swap3A_171], %swap3A_174 {strides = array<i32>} : memref<64xi32, #tpu.memory_space<vmem>>, vector<16xi32>,
          %swap3A_175 = arith.constant 48 : index
          %swap3A_176 = tpu.vector_load %arg14[%swap3A_175] {strides = array<i32>} : memref<80xi32, #tpu.memory_space<vmem>>, vector<16xi32>,
          %swap3A_177 = vector.shape_cast %swap3A_176 : vector<16xi32> to vector<16xi32>
          %swap3A_178 = vector.shape_cast %select_n3A_170 : vector<16xi32> to vector<16xi32>
          tpu.vector_store %arg14[%swap3A_175], %swap3A_178 {strides = array<i32>} : memref<80xi32, #tpu.memory_space<vmem>>, vector<16xi32>,
          "tpu.region"() ({
            %run_scoped3A = tpu.sem_alloc : memref<!tpu.dma_semaphore, #tpu.memory_space<semaphore_mem>>
            %dma_start3A = arith.constant 0 : i32
            %dma_start3A_185 = arith.constant 0 : i32
            %dma_start3A_186 = tpu.memref_slice %arg2[%dma_start3A, %dma_start3A_185] : memref<50000x128xf32, #tpu.memory_space<hbm>> -> memref<50000x128xf32, #tpu.memory_space<hbm>>
            tpu.enqueue_indirect_dma source(%dma_start3A_186 : memref<50000x128xf32, #tpu.memory_space<hbm>>) target(%arg10 : memref<64x128xf32, #tpu.memory_space<vmem>>) offsets(%arg12 : memref<64xi32, #tpu.memory_space<vmem>>) semaphore(%run_scoped3A : memref<!tpu.dma_semaphore, #tpu.memory_space<semaphore_mem>>)
            %dma_wait3A = arith.constant 0 : i32
            %dma_wait3A_187 = arith.constant 0 : i32
            %dma_wait3A_188 = tpu.memref_slice %arg2[%dma_wait3A, %dma_wait3A_187] : memref<50000x128xf32, #tpu.memory_space<hbm>> -> memref<50000x128xf32, #tpu.memory_space<hbm>>
            tpu.wait_indirect_dma semaphore(%run_scoped3A : memref<!tpu.dma_semaphore, #tpu.memory_space<semaphore_mem>>) src(%dma_wait3A_188 : memref<50000x128xf32, #tpu.memory_space<hbm>>) dst(%arg10 : memref<64x128xf32, #tpu.memory_space<vmem>>)
            tpu.yield
          }) : () -> ()
          %scan3A_179 = arith.constant 0 : i32
          %scan3A_180 = arith.constant 0 : i32
          %scan3A_181 = arith.constant 64 : i32
          %scan3A_182 = arith.addi %scan3A_180, %scan3A_181 : i32
          %scan3A_183 = arith.constant 1 : i32
          scf.for %scan3A_185 = %scan3A_180 to %scan3A_182 step %scan3A_183  : i32 {
            %get3A_186 = arith.index_cast %scan3A_185 : i32 to index
            %get3A_187 = tpu.vector_load %arg14[%get3A_186] {strides = array<i32>} : memref<80xi32, #tpu.memory_space<vmem>>, vector<16xi32>,
            %get3A_188 = vector.shape_cast %get3A_187 : vector<16xi32> to vector<16xi32>
            %slice3A_189 = vector.extract_strided_slice %get3A_188 {offsets = [0], sizes = [1], strides = [1]} : vector<16xi32> to vector<1xi32>
            %squeeze3A_190 = vector.extract %slice3A_189[0] : i32 from vector<1xi32>
            %get3A_191 = arith.index_cast %scan3A_185 : i32 to index
            %get3A_192 = arith.constant 64 : index
            %get3A_193 = tpu.vector_load %arg10[%get3A_191, %get3A_192] {strides = array<i32>} : memref<64x128xf32, #tpu.memory_space<vmem>>, vector<1x16xf32>,
            %get3A_194 = vector.shape_cast %get3A_193 : vector<1x16xf32> to vector<16xf32>
            %mul3A_195 = arith.constant 4 : i32
            %mul3A_196 = arith.muli %mul3A_195, %squeeze3A_190 : i32
            %get3A_197 = arith.index_cast %mul3A_196 : i32 to index
            %get3A_198 = tpu.vector_load %arg9[%get3A_197] {strides = array<i32>} : memref<10256xf32, #tpu.memory_space<vmem>>, vector<16xf32>,
            %get3A_199 = vector.shape_cast %get3A_198 : vector<16xf32> to vector<16xf32>
            %add3A_200 = arith.addf %get3A_194, %get3A_199 : vector<16xf32>
            %gt3A = arith.constant 0.000000e+00 : f32
            %gt3A_201 = vector.broadcast %gt3A : f32 to vector<16xf32>
            %gt3A_202 = arith.cmpf ogt, %add3A_200, %gt3A_201 : vector<16xf32>
            %mul3A_203 = arith.constant 2.000000e-01 : f32
            %mul3A_204 = vector.broadcast %mul3A_203 : f32 to vector<16xf32>
            %mul3A_205 = arith.mulf %mul3A_204, %add3A_200 : vector<16xf32>
            %select_n3A_206 = arith.select %gt3A_202, %add3A_200, %mul3A_205 : vector<16xi1>, vector<16xf32>
            %exp3A = math.exp %select_n3A_206 : vector<16xf32>
            %swap3A_207 = arith.index_cast %scan3A_185 : i32 to index
            %swap3A_208 = arith.constant 64 : index
            %swap3A_209 = tpu.vector_load %arg10[%swap3A_207, %swap3A_208] {strides = array<i32>} : memref<64x128xf32, #tpu.memory_space<vmem>>, vector<1x16xf32>,
            %swap3A_210 = vector.shape_cast %swap3A_209 : vector<1x16xf32> to vector<16xf32>
            %swap3A_211 = vector.shape_cast %exp3A : vector<16xf32> to vector<1x16xf32>
            tpu.vector_store %arg10[%swap3A_207, %swap3A_208], %swap3A_211 {strides = array<i32>} : memref<64x128xf32, #tpu.memory_space<vmem>>, vector<1x16xf32>,
            %slice3A_212 = vector.extract_strided_slice %exp3A {offsets = [0], sizes = [1], strides = [1]} : vector<16xf32> to vector<1xf32>
            %squeeze3A_213 = vector.extract %slice3A_212[0] : f32 from vector<1xf32>
            %get3A_214 = arith.index_cast %scan3A_185 : i32 to index
            %get3A_215 = arith.constant 0 : index
            %get3A_216 = tpu.vector_load %arg10[%get3A_214, %get3A_215] {strides = array<i32>} : memref<64x128xf32, #tpu.memory_space<vmem>>, vector<1x16xf32>,
            %get3A_217 = vector.shape_cast %get3A_216 : vector<1x16xf32> to vector<16xf32>
            %mul3A_218 = vector.broadcast %squeeze3A_213 : f32 to vector<16xf32>
            %mul3A_219 = arith.mulf %get3A_217, %mul3A_218 : vector<16xf32>
            %swap3A_220 = arith.index_cast %scan3A_185 : i32 to index
            %swap3A_221 = arith.constant 0 : index
            %swap3A_222 = tpu.vector_load %arg10[%swap3A_220, %swap3A_221] {strides = array<i32>} : memref<64x128xf32, #tpu.memory_space<vmem>>, vector<1x16xf32>,
            %swap3A_223 = vector.shape_cast %swap3A_222 : vector<1x16xf32> to vector<16xf32>
            %swap3A_224 = vector.shape_cast %mul3A_219 : vector<16xf32> to vector<1x16xf32>
            tpu.vector_store %arg10[%swap3A_220, %swap3A_221], %swap3A_224 {strides = array<i32>} : memref<64x128xf32, #tpu.memory_space<vmem>>, vector<1x16xf32>,
            %get3A_225 = arith.index_cast %scan3A_185 : i32 to index
            %get3A_226 = arith.constant 16 : index
            %get3A_227 = tpu.vector_load %arg10[%get3A_225, %get3A_226] {strides = array<i32>} : memref<64x128xf32, #tpu.memory_space<vmem>>, vector<1x16xf32>,
            %get3A_228 = vector.shape_cast %get3A_227 : vector<1x16xf32> to vector<16xf32>
            %mul3A_229 = vector.broadcast %squeeze3A_213 : f32 to vector<16xf32>
            %mul3A_230 = arith.mulf %get3A_228, %mul3A_229 : vector<16xf32>
            %swap3A_231 = arith.index_cast %scan3A_185 : i32 to index
            %swap3A_232 = arith.constant 16 : index
            %swap3A_233 = tpu.vector_load %arg10[%swap3A_231, %swap3A_232] {strides = array<i32>} : memref<64x128xf32, #tpu.memory_space<vmem>>, vector<1x16xf32>,
            %swap3A_234 = vector.shape_cast %swap3A_233 : vector<1x16xf32> to vector<16xf32>
            %swap3A_235 = vector.shape_cast %mul3A_230 : vector<16xf32> to vector<1x16xf32>
            tpu.vector_store %arg10[%swap3A_231, %swap3A_232], %swap3A_235 {strides = array<i32>} : memref<64x128xf32, #tpu.memory_space<vmem>>, vector<1x16xf32>,
            %get3A_236 = arith.index_cast %scan3A_185 : i32 to index
            %get3A_237 = arith.constant 32 : index
            %get3A_238 = tpu.vector_load %arg10[%get3A_236, %get3A_237] {strides = array<i32>} : memref<64x128xf32, #tpu.memory_space<vmem>>, vector<1x16xf32>,
            %get3A_239 = vector.shape_cast %get3A_238 : vector<1x16xf32> to vector<16xf32>
            %mul3A_240 = vector.broadcast %squeeze3A_213 : f32 to vector<16xf32>
            %mul3A_241 = arith.mulf %get3A_239, %mul3A_240 : vector<16xf32>
            %swap3A_242 = arith.index_cast %scan3A_185 : i32 to index
            %swap3A_243 = arith.constant 32 : index
            %swap3A_244 = tpu.vector_load %arg10[%swap3A_242, %swap3A_243] {strides = array<i32>} : memref<64x128xf32, #tpu.memory_space<vmem>>, vector<1x16xf32>,
            %swap3A_245 = vector.shape_cast %swap3A_244 : vector<1x16xf32> to vector<16xf32>
            %swap3A_246 = vector.shape_cast %mul3A_241 : vector<16xf32> to vector<1x16xf32>
            tpu.vector_store %arg10[%swap3A_242, %swap3A_243], %swap3A_246 {strides = array<i32>} : memref<64x128xf32, #tpu.memory_space<vmem>>, vector<1x16xf32>,
            %get3A_247 = arith.index_cast %scan3A_185 : i32 to index
            %get3A_248 = arith.constant 48 : index
            %get3A_249 = tpu.vector_load %arg10[%get3A_247, %get3A_248] {strides = array<i32>} : memref<64x128xf32, #tpu.memory_space<vmem>>, vector<1x16xf32>,
            %get3A_250 = vector.shape_cast %get3A_249 : vector<1x16xf32> to vector<16xf32>
            %mul3A_251 = vector.broadcast %squeeze3A_213 : f32 to vector<16xf32>
            %mul3A_252 = arith.mulf %get3A_250, %mul3A_251 : vector<16xf32>
            %swap3A_253 = arith.index_cast %scan3A_185 : i32 to index
            %swap3A_254 = arith.constant 48 : index
            %swap3A_255 = tpu.vector_load %arg10[%swap3A_253, %swap3A_254] {strides = array<i32>} : memref<64x128xf32, #tpu.memory_space<vmem>>, vector<1x16xf32>,
            %swap3A_256 = vector.shape_cast %swap3A_255 : vector<1x16xf32> to vector<16xf32>
            %swap3A_257 = vector.shape_cast %mul3A_252 : vector<16xf32> to vector<1x16xf32>
            tpu.vector_store %arg10[%swap3A_253, %swap3A_254], %swap3A_257 {strides = array<i32>} : memref<64x128xf32, #tpu.memory_space<vmem>>, vector<1x16xf32>,
          }
          %scan3A_184 = arith.constant 64 : i32
          "tpu.region"() ({
            %run_scoped3A = tpu.sem_alloc : memref<!tpu.dma_semaphore, #tpu.memory_space<semaphore_mem>>
            %dma_start3A = arith.constant 0 : i32
            %dma_start3A_185 = arith.constant 0 : i32
            %dma_start3A_186 = tpu.memref_slice %arg8[%dma_start3A, %dma_start3A_185] : memref<2576x128xf32, #tpu.memory_space<vmem_shared>> -> memref<2576x128xf32, #tpu.memory_space<vmem_shared>>
            tpu.enqueue_indirect_dma source(%arg10 : memref<64x128xf32, #tpu.memory_space<vmem>>) target(%dma_start3A_186 : memref<2576x128xf32, #tpu.memory_space<vmem_shared>>) offsets(%arg13 : memref<64xi32, #tpu.memory_space<vmem>>) semaphore(%run_scoped3A : memref<!tpu.dma_semaphore, #tpu.memory_space<semaphore_mem>>) {add = true}
            %dma_wait3A = arith.constant 0 : i32
            %dma_wait3A_187 = arith.constant 0 : i32
            %dma_wait3A_188 = tpu.memref_slice %arg8[%dma_wait3A, %dma_wait3A_187] : memref<2576x128xf32, #tpu.memory_space<vmem_shared>> -> memref<2576x128xf32, #tpu.memory_space<vmem_shared>>
            tpu.wait_indirect_dma semaphore(%run_scoped3A : memref<!tpu.dma_semaphore, #tpu.memory_space<semaphore_mem>>) src(%arg10 : memref<64x128xf32, #tpu.memory_space<vmem>>) dst(%dma_wait3A_188 : memref<2576x128xf32, #tpu.memory_space<vmem_shared>>)
            tpu.yield
          }) : () -> ()
        } else {
        }
      }
      %scan3A_29 = arith.constant 28 : i32
      %barrier3A_30 = arith.constant 0 : index
      tpu.barrier barrier_id(%barrier3A_30)
      %mul3A_31 = arith.constant 160 : i32
      %mul3A_32 = arith.muli %arg1, %mul3A_31 : i32
      %mul3A_33 = arith.constant 160 : i32
      %mul3A_34 = arith.muli %arg1, %mul3A_33 : i32
      %add3A_35 = arith.addi %mul3A_10, %mul3A_34 : i32
      "tpu.region"() ({
        %run_scoped3A = tpu.sem_alloc : memref<!tpu.dma_semaphore, #tpu.memory_space<semaphore_mem>>
        %dma_start3A = arith.constant 0 : i32
        %dma_start3A_37 = tpu.memref_slice %arg7[%arg0, %add3A_35, %dma_start3A] : memref<2x51200x128xf32, #tpu.memory_space<hbm>> -> memref<1x160x128xf32, #tpu.memory_space<hbm>>
        %dma_start3A_38 = tpu.memref_squeeze %dma_start3A_37 : memref<1x160x128xf32, #tpu.memory_space<hbm>> -> memref<160x128xf32, #tpu.memory_space<hbm>>
        %dma_start3A_39 = arith.constant 0 : i32
        %dma_start3A_40 = tpu.memref_slice %arg8[%mul3A_32, %dma_start3A_39] : memref<2576x128xf32, #tpu.memory_space<vmem_shared>> -> memref<160x128xf32, #tpu.memory_space<vmem_shared>>
        tpu.enqueue_dma source(%dma_start3A_40 : memref<160x128xf32, #tpu.memory_space<vmem_shared>>) target(%dma_start3A_38 : memref<160x128xf32, #tpu.memory_space<hbm>>) target_semaphore(%run_scoped3A : memref<!tpu.dma_semaphore, #tpu.memory_space<semaphore_mem>>)
        %dma_wait3A = arith.constant 0 : i32
        %dma_wait3A_41 = tpu.memref_slice %arg7[%arg0, %add3A_35, %dma_wait3A] : memref<2x51200x128xf32, #tpu.memory_space<hbm>> -> memref<1x160x128xf32, #tpu.memory_space<hbm>>
        %dma_wait3A_42 = tpu.memref_squeeze %dma_wait3A_41 : memref<1x160x128xf32, #tpu.memory_space<hbm>> -> memref<160x128xf32, #tpu.memory_space<hbm>>
        %dma_wait3A_43 = arith.constant 0 : i32
        %dma_wait3A_44 = tpu.memref_slice %arg8[%mul3A_32, %dma_wait3A_43] : memref<2576x128xf32, #tpu.memory_space<vmem_shared>> -> memref<160x128xf32, #tpu.memory_space<vmem_shared>>
        tpu.wait_dma2 semaphore(%run_scoped3A : memref<!tpu.dma_semaphore, #tpu.memory_space<semaphore_mem>>) src(%dma_wait3A_44 : memref<160x128xf32, #tpu.memory_space<vmem_shared>>) dst(%dma_wait3A_42 : memref<160x128xf32, #tpu.memory_space<hbm>>)
        tpu.yield
      }) : () -> ()
      %barrier3A_36 = arith.constant 0 : index
      tpu.barrier barrier_id(%barrier3A_36)
    }
    %scan3A_7 = arith.constant 20 : i32
    return
  }
}

module attributes {stable_mosaic.version = 14 : i64} {
  func.func @_tc1_body(%arg0: i32, %arg1: memref<400x64xf32, #tpu.memory_space<vmem>>, %arg2: memref<64x256xf32, #tpu.memory_space<vmem>>, %arg3: memref<4x128xf32, #tpu.memory_space<vmem>>, %arg4: memref<400x128xf32, #tpu.memory_space<vmem>>, %arg5: memref<400x128xf32, #tpu.memory_space<vmem>>, %arg6: memref<400x128xf32, #tpu.memory_space<vmem>>) attributes {dimension_semantics = [#tpu.dimension_semantics<arbitrary>], iteration_bounds = array<i64: 125>, scalar_prefetch = 0 : i64, scratch_operands = 0 : i64, tpu.core_type = #tpu.core_type<tc>, window_params = [{transform_indices = @transform_0, window_bounds = array<i64: 400, 64>}, {pipeline_mode = #tpu.pipeline_mode<synchronous>, transform_indices = @transform_1, window_bounds = array<i64: 64, 256>}, {pipeline_mode = #tpu.pipeline_mode<synchronous>, transform_indices = @transform_2, window_bounds = array<i64: 4, 128>}, {transform_indices = @transform_3, window_bounds = array<i64: 400, 128>}, {transform_indices = @transform_4, window_bounds = array<i64: 400, 128>}, {transform_indices = @transform_5, window_bounds = array<i64: 400, 128>}]} {
    %get3A = arith.constant 0 : index
    %get3A_0 = arith.constant 0 : index
    %get3A_1 = vector.load %arg1[%get3A, %get3A_0] : memref<400x64xf32, #tpu.memory_space<vmem>>, vector<400x64xf32>
    %get3A_2 = arith.constant 0 : index
    %get3A_3 = arith.constant 0 : index
    %get3A_4 = vector.load %arg2[%get3A_2, %get3A_3] : memref<64x256xf32, #tpu.memory_space<vmem>>, vector<64x256xf32>
    %dot_general3A = arith.constant dense<0.000000e+00> : vector<400x256xf32>
    %dot_general3A_5 = tpu.matmul %get3A_1, %get3A_4, %dot_general3A {dimension_numbers = #tpu.dot_dimension_numbers<[1], [0], [0], [1], [0, 0, 1, 1], [], []>, transpose_lhs_hint = false} : vector<400x64xf32>, vector<64x256xf32>, vector<400x256xf32> -> vector<400x256xf32>
    %reshape3A = vector.shape_cast %dot_general3A_5 : vector<400x256xf32> to vector<400x4x64xf32>
    %get3A_6 = arith.constant 0 : index
    %get3A_7 = arith.constant 0 : index
    %get3A_8 = vector.load %arg3[%get3A_6, %get3A_7] : memref<4x128xf32, #tpu.memory_space<vmem>>, vector<4x64xf32>
    %broadcast_in_dim3A = vector.shape_cast %get3A_8 : vector<4x64xf32> to vector<1x4x64xf32>
    %mul3A = vector.broadcast %broadcast_in_dim3A : vector<1x4x64xf32> to vector<400x4x64xf32>
    %mul3A_9 = arith.mulf %reshape3A, %mul3A : vector<400x4x64xf32>
    %reduce_sum3A = arith.constant dense<0.000000e+00> : vector<400x4xf32>
    %reduce_sum3A_10 = vector.multi_reduction <add>, %mul3A_9, %reduce_sum3A [2] : vector<400x4x64xf32> to vector<400x4xf32>
    %get3A_11 = arith.constant 0 : index
    %get3A_12 = arith.constant 64 : index
    %get3A_13 = vector.load %arg3[%get3A_11, %get3A_12] : memref<4x128xf32, #tpu.memory_space<vmem>>, vector<4x64xf32>
    %broadcast_in_dim3A_14 = vector.shape_cast %get3A_13 : vector<4x64xf32> to vector<1x4x64xf32>
    %mul3A_15 = vector.broadcast %broadcast_in_dim3A_14 : vector<1x4x64xf32> to vector<400x4x64xf32>
    %mul3A_16 = arith.mulf %reshape3A, %mul3A_15 : vector<400x4x64xf32>
    %reduce_sum3A_17 = arith.constant dense<0.000000e+00> : vector<400x4xf32>
    %reduce_sum3A_18 = vector.multi_reduction <add>, %mul3A_16, %reduce_sum3A_17 [2] : vector<400x4x64xf32> to vector<400x4xf32>
    %slice3A = vector.extract_strided_slice %dot_general3A_5 {offsets = [0, 0], sizes = [400, 128], strides = [1, 1]} : vector<400x256xf32> to vector<400x128xf32>
    %swap3A = arith.constant 0 : index
    %swap3A_19 = arith.constant 0 : index
    %swap3A_20 = vector.load %arg4[%swap3A, %swap3A_19] : memref<400x128xf32, #tpu.memory_space<vmem>>, vector<400x128xf32>
    tpu.vector_store %arg4[%swap3A, %swap3A_19], %slice3A {strides = array<i32>} : memref<400x128xf32, #tpu.memory_space<vmem>>, vector<400x128xf32>,
    %slice3A_21 = vector.extract_strided_slice %dot_general3A_5 {offsets = [0, 128], sizes = [400, 128], strides = [1, 1]} : vector<400x256xf32> to vector<400x128xf32>
    %swap3A_22 = arith.constant 0 : index
    %swap3A_23 = arith.constant 0 : index
    %swap3A_24 = vector.load %arg5[%swap3A_22, %swap3A_23] : memref<400x128xf32, #tpu.memory_space<vmem>>, vector<400x128xf32>
    tpu.vector_store %arg5[%swap3A_22, %swap3A_23], %slice3A_21 {strides = array<i32>} : memref<400x128xf32, #tpu.memory_space<vmem>>, vector<400x128xf32>,
    %broadcast_in_dim3A_25 = arith.constant 0.000000e+00 : f32
    %broadcast_in_dim3A_26 = vector.broadcast %broadcast_in_dim3A_25 : f32 to vector<400x120xf32>
    %concatenate3A = tpu.concatenate %reduce_sum3A_10, %reduce_sum3A_18, %broadcast_in_dim3A_26 in 1 : vector<400x4xf32>, vector<400x4xf32>, vector<400x120xf32> -> vector<400x128xf32>
    %swap3A_27 = arith.constant 0 : index
    %swap3A_28 = arith.constant 0 : index
    %swap3A_29 = vector.load %arg6[%swap3A_27, %swap3A_28] : memref<400x128xf32, #tpu.memory_space<vmem>>, vector<400x128xf32>
    tpu.vector_store %arg6[%swap3A_27, %swap3A_28], %concatenate3A {strides = array<i32>} : memref<400x128xf32, #tpu.memory_space<vmem>>, vector<400x128xf32>,
    return
  }
  func.func @transform_0(%arg0: i32) -> (i32, i32) {
    %c0_i32 = arith.constant 0 : i32
    %c0_i32_0 = arith.constant 0 : i32
    return %arg0, %c0_i32 : i32, i32
  }
  func.func @transform_1(%arg0: i32) -> (i32, i32) {
    %c0_i32 = arith.constant 0 : i32
    %c0_i32_0 = arith.constant 0 : i32
    %c0_i32_1 = arith.constant 0 : i32
    return %c0_i32, %c0_i32_0 : i32, i32
  }
  func.func @transform_2(%arg0: i32) -> (i32, i32) {
    %c0_i32 = arith.constant 0 : i32
    %c0_i32_0 = arith.constant 0 : i32
    %c0_i32_1 = arith.constant 0 : i32
    return %c0_i32, %c0_i32_0 : i32, i32
  }
  func.func @transform_3(%arg0: i32) -> (i32, i32) {
    %c0_i32 = arith.constant 0 : i32
    %c0_i32_0 = arith.constant 0 : i32
    return %arg0, %c0_i32 : i32, i32
  }
  func.func @transform_4(%arg0: i32) -> (i32, i32) {
    %c0_i32 = arith.constant 0 : i32
    %c0_i32_0 = arith.constant 0 : i32
    return %arg0, %c0_i32 : i32, i32
  }
  func.func @transform_5(%arg0: i32) -> (i32, i32) {
    %c0_i32 = arith.constant 0 : i32
    %c0_i32_0 = arith.constant 0 : i32
    return %arg0, %c0_i32 : i32, i32
  }
}

module attributes {stable_mosaic.version = 14 : i64} {
  func.func @_tc2_body(%arg0: i32, %arg1: memref<2x400x128xf32, #tpu.memory_space<vmem>>, %arg2: memref<2x400x128xf32, #tpu.memory_space<vmem>>, %arg3: memref<2x400x16xf32, #tpu.memory_space<vmem>>, %arg4: memref<256x64xf32, #tpu.memory_space<vmem>>, %arg5: memref<1x128xf32, #tpu.memory_space<vmem>>, %arg6: memref<400x128xf32, #tpu.memory_space<vmem>>) attributes {dimension_semantics = [#tpu.dimension_semantics<arbitrary>], iteration_bounds = array<i64: 125>, scalar_prefetch = 0 : i64, scratch_operands = 0 : i64, tpu.core_type = #tpu.core_type<tc>, window_params = [{transform_indices = @transform_0, window_bounds = array<i64: 2, 400, 128>}, {transform_indices = @transform_1, window_bounds = array<i64: 2, 400, 128>}, {transform_indices = @transform_2, window_bounds = array<i64: 2, 400, 16>}, {pipeline_mode = #tpu.pipeline_mode<synchronous>, transform_indices = @transform_3, window_bounds = array<i64: 256, 64>}, {pipeline_mode = #tpu.pipeline_mode<synchronous>, transform_indices = @transform_4, window_bounds = array<i64: 1, 128>}, {transform_indices = @transform_5, window_bounds = array<i64: 400, 128>}]} {
    %get3A = arith.constant 0 : index
    %get3A_0 = arith.constant 0 : index
    %get3A_1 = arith.constant 0 : index
    %get3A_2 = vector.load %arg1[%get3A, %get3A_0, %get3A_1] : memref<2x400x128xf32, #tpu.memory_space<vmem>>, vector<1x400x128xf32>
    %get3A_3 = vector.shape_cast %get3A_2 : vector<1x400x128xf32> to vector<400x128xf32>
    %get3A_4 = arith.constant 1 : index
    %get3A_5 = arith.constant 0 : index
    %get3A_6 = arith.constant 0 : index
    %get3A_7 = vector.load %arg1[%get3A_4, %get3A_5, %get3A_6] : memref<2x400x128xf32, #tpu.memory_space<vmem>>, vector<1x400x128xf32>
    %get3A_8 = vector.shape_cast %get3A_7 : vector<1x400x128xf32> to vector<400x128xf32>
    %add3A = arith.addf %get3A_3, %get3A_8 : vector<400x128xf32>
    %get3A_9 = arith.constant 0 : index
    %get3A_10 = arith.constant 0 : index
    %get3A_11 = arith.constant 0 : index
    %get3A_12 = vector.load %arg2[%get3A_9, %get3A_10, %get3A_11] : memref<2x400x128xf32, #tpu.memory_space<vmem>>, vector<1x400x128xf32>
    %get3A_13 = vector.shape_cast %get3A_12 : vector<1x400x128xf32> to vector<400x128xf32>
    %get3A_14 = arith.constant 1 : index
    %get3A_15 = arith.constant 0 : index
    %get3A_16 = arith.constant 0 : index
    %get3A_17 = vector.load %arg2[%get3A_14, %get3A_15, %get3A_16] : memref<2x400x128xf32, #tpu.memory_space<vmem>>, vector<1x400x128xf32>
    %get3A_18 = vector.shape_cast %get3A_17 : vector<1x400x128xf32> to vector<400x128xf32>
    %add3A_19 = arith.addf %get3A_13, %get3A_18 : vector<400x128xf32>
    %get3A_20 = arith.constant 0 : index
    %get3A_21 = arith.constant 0 : index
    %get3A_22 = arith.constant 0 : index
    %get3A_23 = vector.load %arg3[%get3A_20, %get3A_21, %get3A_22] : memref<2x400x16xf32, #tpu.memory_space<vmem>>, vector<1x400x16xf32>
    %get3A_24 = vector.shape_cast %get3A_23 : vector<1x400x16xf32> to vector<400x16xf32>
    %get3A_25 = arith.constant 1 : index
    %get3A_26 = arith.constant 0 : index
    %get3A_27 = arith.constant 0 : index
    %get3A_28 = vector.load %arg3[%get3A_25, %get3A_26, %get3A_27] : memref<2x400x16xf32, #tpu.memory_space<vmem>>, vector<1x400x16xf32>
    %get3A_29 = vector.shape_cast %get3A_28 : vector<1x400x16xf32> to vector<400x16xf32>
    %add3A_30 = arith.addf %get3A_24, %get3A_29 : vector<400x16xf32>
    %slice3A = vector.extract_strided_slice %add3A_30 {offsets = [0, 0], sizes = [400, 4], strides = [1, 1]} : vector<400x16xf32> to vector<400x4xf32>
    %add3A_31 = arith.constant 9.99999993E-9 : f32
    %add3A_32 = vector.broadcast %add3A_31 : f32 to vector<400x4xf32>
    %add3A_33 = arith.addf %slice3A, %add3A_32 : vector<400x4xf32>
    %reshape3A = vector.shape_cast %add3A : vector<400x128xf32> to vector<400x2x64xf32>
    %slice3A_34 = vector.extract_strided_slice %add3A_33 {offsets = [0, 0], sizes = [400, 2], strides = [1, 1]} : vector<400x4xf32> to vector<400x2xf32>
    %broadcast_in_dim3A = vector.shape_cast %slice3A_34 : vector<400x2xf32> to vector<400x2x1xf32>
    %div3A = vector.broadcast %broadcast_in_dim3A : vector<400x2x1xf32> to vector<400x2x64xf32>
    %div3A_35 = arith.divf %reshape3A, %div3A : vector<400x2x64xf32>
    %reshape3A_36 = vector.shape_cast %add3A_19 : vector<400x128xf32> to vector<400x2x64xf32>
    %slice3A_37 = vector.extract_strided_slice %add3A_33 {offsets = [0, 2], sizes = [400, 2], strides = [1, 1]} : vector<400x4xf32> to vector<400x2xf32>
    %broadcast_in_dim3A_38 = vector.shape_cast %slice3A_37 : vector<400x2xf32> to vector<400x2x1xf32>
    %div3A_39 = vector.broadcast %broadcast_in_dim3A_38 : vector<400x2x1xf32> to vector<400x2x64xf32>
    %div3A_40 = arith.divf %reshape3A_36, %div3A_39 : vector<400x2x64xf32>
    %reshape3A_41 = vector.shape_cast %div3A_35 : vector<400x2x64xf32> to vector<400x128xf32>
    %reshape3A_42 = vector.shape_cast %div3A_40 : vector<400x2x64xf32> to vector<400x128xf32>
    %concatenate3A = tpu.concatenate %reshape3A_41, %reshape3A_42 in 1 : vector<400x128xf32>, vector<400x128xf32> -> vector<400x256xf32>
    %gt3A = arith.constant 0.000000e+00 : f32
    %gt3A_43 = vector.broadcast %gt3A : f32 to vector<400x256xf32>
    %gt3A_44 = arith.cmpf ogt, %concatenate3A, %gt3A_43 : vector<400x256xf32>
    %min3A = arith.constant 0.000000e+00 : f32
    %min3A_45 = vector.broadcast %min3A : f32 to vector<400x256xf32>
    %min3A_46 = arith.minimumf %concatenate3A, %min3A_45 : vector<400x256xf32>
    %exp3A = math.exp %min3A_46 : vector<400x256xf32>
    %sub3A = arith.constant 1.000000e+00 : f32
    %sub3A_47 = vector.broadcast %sub3A : f32 to vector<400x256xf32>
    %sub3A_48 = arith.subf %exp3A, %sub3A_47 : vector<400x256xf32>
    %select_n3A = arith.select %gt3A_44, %concatenate3A, %sub3A_48 : vector<400x256xi1>, vector<400x256xf32>
    %get3A_49 = arith.constant 0 : index
    %get3A_50 = arith.constant 0 : index
    %get3A_51 = vector.load %arg4[%get3A_49, %get3A_50] : memref<256x64xf32, #tpu.memory_space<vmem>>, vector<256x64xf32>
    %dot_general3A = arith.constant dense<0.000000e+00> : vector<400x64xf32>
    %dot_general3A_52 = tpu.matmul %select_n3A, %get3A_51, %dot_general3A {dimension_numbers = #tpu.dot_dimension_numbers<[1], [0], [0], [1], [0, 0, 1, 1], [], []>, transpose_lhs_hint = false} : vector<400x256xf32>, vector<256x64xf32>, vector<400x64xf32> -> vector<400x64xf32>
    %get3A_53 = arith.constant 0 : index
    %get3A_54 = arith.constant 0 : index
    %get3A_55 = vector.load %arg5[%get3A_53, %get3A_54] : memref<1x128xf32, #tpu.memory_space<vmem>>, vector<1x64xf32>
    %get3A_56 = vector.shape_cast %get3A_55 : vector<1x64xf32> to vector<64xf32>
    %broadcast_in_dim3A_57 = vector.shape_cast %get3A_56 : vector<64xf32> to vector<1x64xf32>
    %mul3A = vector.broadcast %broadcast_in_dim3A_57 : vector<1x64xf32> to vector<400x64xf32>
    %mul3A_58 = arith.mulf %dot_general3A_52, %mul3A : vector<400x64xf32>
    %reduce_sum3A = arith.constant dense<0.000000e+00> : vector<400xf32>
    %reduce_sum3A_59 = vector.multi_reduction <add>, %mul3A_58, %reduce_sum3A [1] : vector<400x64xf32> to vector<400xf32>
    %broadcast_in_dim3A_60 = vector.shape_cast %reduce_sum3A_59 : vector<400xf32> to vector<400x1xf32>
    %get3A_61 = arith.constant 0 : index
    %get3A_62 = arith.constant 64 : index
    %get3A_63 = vector.load %arg5[%get3A_61, %get3A_62] : memref<1x128xf32, #tpu.memory_space<vmem>>, vector<1x64xf32>
    %get3A_64 = vector.shape_cast %get3A_63 : vector<1x64xf32> to vector<64xf32>
    %broadcast_in_dim3A_65 = vector.shape_cast %get3A_64 : vector<64xf32> to vector<1x64xf32>
    %mul3A_66 = vector.broadcast %broadcast_in_dim3A_65 : vector<1x64xf32> to vector<400x64xf32>
    %mul3A_67 = arith.mulf %dot_general3A_52, %mul3A_66 : vector<400x64xf32>
    %reduce_sum3A_68 = arith.constant dense<0.000000e+00> : vector<400xf32>
    %reduce_sum3A_69 = vector.multi_reduction <add>, %mul3A_67, %reduce_sum3A_68 [1] : vector<400x64xf32> to vector<400xf32>
    %broadcast_in_dim3A_70 = vector.shape_cast %reduce_sum3A_69 : vector<400xf32> to vector<400x1xf32>
    %broadcast_in_dim3A_71 = arith.constant 0.000000e+00 : f32
    %broadcast_in_dim3A_72 = vector.broadcast %broadcast_in_dim3A_71 : f32 to vector<400x62xf32>
    %concatenate3A_73 = tpu.concatenate %dot_general3A_52, %broadcast_in_dim3A_60, %broadcast_in_dim3A_70, %broadcast_in_dim3A_72 in 1 : vector<400x64xf32>, vector<400x1xf32>, vector<400x1xf32>, vector<400x62xf32> -> vector<400x128xf32>
    %swap3A = arith.constant 0 : index
    %swap3A_74 = arith.constant 0 : index
    %swap3A_75 = vector.load %arg6[%swap3A, %swap3A_74] : memref<400x128xf32, #tpu.memory_space<vmem>>, vector<400x128xf32>
    tpu.vector_store %arg6[%swap3A, %swap3A_74], %concatenate3A_73 {strides = array<i32>} : memref<400x128xf32, #tpu.memory_space<vmem>>, vector<400x128xf32>,
    return
  }
  func.func @transform_0(%arg0: i32) -> (i32, i32, i32) {
    %c0_i32 = arith.constant 0 : i32
    %c0_i32_0 = arith.constant 0 : i32
    %c0_i32_1 = arith.constant 0 : i32
    return %c0_i32, %arg0, %c0_i32_0 : i32, i32, i32
  }
  func.func @transform_1(%arg0: i32) -> (i32, i32, i32) {
    %c0_i32 = arith.constant 0 : i32
    %c0_i32_0 = arith.constant 0 : i32
    %c0_i32_1 = arith.constant 0 : i32
    return %c0_i32, %arg0, %c0_i32_0 : i32, i32, i32
  }
  func.func @transform_2(%arg0: i32) -> (i32, i32, i32) {
    %c0_i32 = arith.constant 0 : i32
    %c0_i32_0 = arith.constant 0 : i32
    %c0_i32_1 = arith.constant 0 : i32
    return %c0_i32, %arg0, %c0_i32_0 : i32, i32, i32
  }
  func.func @transform_3(%arg0: i32) -> (i32, i32) {
    %c0_i32 = arith.constant 0 : i32
    %c0_i32_0 = arith.constant 0 : i32
    %c0_i32_1 = arith.constant 0 : i32
    return %c0_i32, %c0_i32_0 : i32, i32
  }
  func.func @transform_4(%arg0: i32) -> (i32, i32) {
    %c0_i32 = arith.constant 0 : i32
    %c0_i32_0 = arith.constant 0 : i32
    %c0_i32_1 = arith.constant 0 : i32
    return %c0_i32, %c0_i32_0 : i32, i32
  }
  func.func @transform_5(%arg0: i32) -> (i32, i32) {
    %c0_i32 = arith.constant 0 : i32
    %c0_i32_0 = arith.constant 0 : i32
    return %arg0, %c0_i32 : i32, i32
  }
}

module attributes {stable_mosaic.version = 14 : i64} {
  func.func @_tc3_body(%arg0: i32, %arg1: memref<2x400x128xf32, #tpu.memory_space<vmem>>, %arg2: memref<400x64xf32, #tpu.memory_space<vmem>>, %arg3: memref<400x128xf32, #tpu.memory_space<vmem>>) attributes {dimension_semantics = [#tpu.dimension_semantics<arbitrary>], iteration_bounds = array<i64: 125>, scalar_prefetch = 0 : i64, scratch_operands = 0 : i64, tpu.core_type = #tpu.core_type<tc>, window_params = [{transform_indices = @transform_0, window_bounds = array<i64: 2, 400, 128>}, {transform_indices = @transform_1, window_bounds = array<i64: 400, 64>}, {transform_indices = @transform_2, window_bounds = array<i64: 400, 128>}]} {
    %get3A = arith.constant 0 : index
    %get3A_0 = arith.constant 0 : index
    %get3A_1 = arith.constant 0 : index
    %get3A_2 = vector.load %arg1[%get3A, %get3A_0, %get3A_1] : memref<2x400x128xf32, #tpu.memory_space<vmem>>, vector<1x400x128xf32>
    %get3A_3 = vector.shape_cast %get3A_2 : vector<1x400x128xf32> to vector<400x128xf32>
    %get3A_4 = arith.constant 1 : index
    %get3A_5 = arith.constant 0 : index
    %get3A_6 = arith.constant 0 : index
    %get3A_7 = vector.load %arg1[%get3A_4, %get3A_5, %get3A_6] : memref<2x400x128xf32, #tpu.memory_space<vmem>>, vector<1x400x128xf32>
    %get3A_8 = vector.shape_cast %get3A_7 : vector<1x400x128xf32> to vector<400x128xf32>
    %add3A = arith.addf %get3A_3, %get3A_8 : vector<400x128xf32>
    %slice3A = vector.extract_strided_slice %add3A {offsets = [0, 0], sizes = [400, 64], strides = [1, 1]} : vector<400x128xf32> to vector<400x64xf32>
    %slice3A_9 = vector.extract_strided_slice %add3A {offsets = [0, 64], sizes = [400, 1], strides = [1, 1]} : vector<400x128xf32> to vector<400x1xf32>
    %add3A_10 = arith.constant 9.99999993E-9 : f32
    %add3A_11 = vector.broadcast %add3A_10 : f32 to vector<400x1xf32>
    %add3A_12 = arith.addf %slice3A_9, %add3A_11 : vector<400x1xf32>
    %div3A = vector.broadcast %add3A_12 : vector<400x1xf32> to vector<400x64xf32>
    %div3A_13 = arith.divf %slice3A, %div3A : vector<400x64xf32>
    %get3A_14 = arith.constant 0 : index
    %get3A_15 = arith.constant 0 : index
    %get3A_16 = vector.load %arg2[%get3A_14, %get3A_15] : memref<400x64xf32, #tpu.memory_space<vmem>>, vector<400x64xf32>
    %add3A_17 = arith.addf %div3A_13, %get3A_16 : vector<400x64xf32>
    %broadcast_in_dim3A = arith.constant 0.000000e+00 : f32
    %broadcast_in_dim3A_18 = vector.broadcast %broadcast_in_dim3A : f32 to vector<400x64xf32>
    %concatenate3A = tpu.concatenate %add3A_17, %broadcast_in_dim3A_18 in 1 : vector<400x64xf32>, vector<400x64xf32> -> vector<400x128xf32>
    %swap3A = arith.constant 0 : index
    %swap3A_19 = arith.constant 0 : index
    %swap3A_20 = vector.load %arg3[%swap3A, %swap3A_19] : memref<400x128xf32, #tpu.memory_space<vmem>>, vector<400x128xf32>
    tpu.vector_store %arg3[%swap3A, %swap3A_19], %concatenate3A {strides = array<i32>} : memref<400x128xf32, #tpu.memory_space<vmem>>, vector<400x128xf32>,
    return
  }
  func.func @transform_0(%arg0: i32) -> (i32, i32, i32) {
    %c0_i32 = arith.constant 0 : i32
    %c0_i32_0 = arith.constant 0 : i32
    %c0_i32_1 = arith.constant 0 : i32
    return %c0_i32, %arg0, %c0_i32_0 : i32, i32, i32
  }
  func.func @transform_1(%arg0: i32) -> (i32, i32) {
    %c0_i32 = arith.constant 0 : i32
    %c0_i32_0 = arith.constant 0 : i32
    return %arg0, %c0_i32 : i32, i32
  }
  func.func @transform_2(%arg0: i32) -> (i32, i32) {
    %c0_i32 = arith.constant 0 : i32
    %c0_i32_0 = arith.constant 0 : i32
    return %arg0, %c0_i32 : i32, i32
  }
}

</mosaic_0001>

<sc_bundles>
// kernel: kernel.12.cloned.1.call-start
scs
__scs_entry_jumppad:
0x0: {  	(pc) =	sbr.rel $0x88, $3  }
0x1: {  	(tag) =	ssettag $0x0;
	lr =	simm.s32 $0x1  }
0x2: {  	[smem:$0x3F98] =	sst lr;
	_ =	strace $0xD0000000  }
0x3: {  	_ = 	snop  }
0x4: {  	_ = 	snop  }
0x5: {  	_ = 	snop  }
0x6: {  	_ = 	snop  }
0x7: {  	_ = 	snop  }
__scs_overlays_trampoline_lowered:
0x8: {  	[smem:$0x3FA7] =	sst s0  }
0x9: {  	[smem:$0x3FA8] =	sst s1  }
0xa: {  	[smem:$0x3FA9] =	sst s2  }
0xb: {  	[smem:$0x3FAA] =	sst s3  }
0xc: {  	[smem:$0x3FAB] =	sst s4  }
0xd: {  	[smem:$0x3FAC] =	sst s5  }
0xe: {  	[smem:$0x3FAD] =	sst s6  }
0xf: {  	[smem:$0x3FAE] =	sst s7  }
0x10: {  	[smem:$0x3FAF] =	sst s8  }
0x11: {  	[smem:$0x3FB0] =	sst s9;
	s0 =	simm.s32 @!p0 $0x0  }
0x12: {  	s1 =	sld [smem:$0x3F96];
	s0 =	simm.s32 @p0 $0x1  }
0x13: {  	[smem:$0x3FB1] =	sst s0;
	s0 =	simm.s32 @!p1 $0x0  }
0x14: {  	s2 =	sld [smem:$0x3F95];
	s0 =	simm.s32 @p1 $0x1  }
0x15: {  	[smem:$0x3FB2] =	sst s0;
	s0 =	simm.s32 @!p2 $0x0  }
0x16: {  	s3 =	sld [smem:$0x3FDB];
	s0 =	simm.s32 @p2 $0x1  }
0x17: {  	s4 =	simm.s32 $0x1BF5;
	[smem:$0x3FB4] =	sst s0  }
0x18: {  	s0 =	sld [smem:$0x3F97];
	_ =	swait.ge [sflag:s4], $0x0  }
0x19: {  	s7 =	sld [smem:$0x3F98]  }
0x1a: {  	s8 =	sadd.s32 $0xFFFFE003, lr  }
0x1b: {  	s9 =	sadd.s32 $0xFFFFFEF7, lr;
	s5 =	simm.s32 $0xFFFFFFFF;
	p2 =	slt.u32 s8, $0xFFFFF086  }
0x1c: {  	p1 =	slt.u32 s9, $0xF7A;
	s5 =	simm.s32 @!p2 $0x0  }
0x1d: {  	s5 =	simm.s32 @p1 $0x1;
	p0 =	seq.s32 s7, s2  }
0x1e: {  	s7 =	smul.u32 @!p0 $0xF7A, s2;
	p2 =	seq.s32 @!p0 s5, $0x0  }
0x1f: {  	s9 =	smul.u32 $0xF7A, s1;
	s8 =	simm.s32 @!p0 $0x1BF5;
	p2 =	por !p2, p0  }
0x20: {  	[sflag:s8] =	ssyncset.s32 @!p0 $0xFFFFF086;
	s6 =	sadd.s32 @!p0 s3, s7;
	s7 =	simm.s32 @!p0 $0x108  }
0x21: {  	s3 =	sadd.s32 s3, s9;
	s6 =	sadd.s32 @!p0 $0x88, s6;
	s7 =	simm.s32 @p2 $0x1082  }
0x22: {  	[simem:s7], [sflag:s8] =	dma.local @!p0 [hbm:s6], $0xF7A  }
0x23: {  	s9 =	sor.u32 $0xD0000000, s2;
	s6 =	simm.s32 $0x108;
	_ =	swait.ge @!p0 [sflag:s8], $0x0  }
0x24: {  	s3 =	sadd.s32 $0x88, s3;
	s6 =	simm.s32 @!p1 $0x1082;
	[sflag:s4] =	ssyncset.s32 $0xFFFFF086  }
0x25: {  	[simem:s6], [sflag:s4] =	dma.local [hbm:s3], $0xF7A  }
0x26: {  	[smem:$0x3F98] =	sst s1;
	(tag) =	ssettag s2;
	_ =	strace s9  }
0x27: {  	s1 =	sld [smem:$0x3FA8]  }
0x28: {  	s2 =	sld [smem:$0x3FA9]  }
0x29: {  	s4 =	sld [smem:$0x3FAB]  }
0x2a: {  	p0 =	seq.s32 s5, $0x0;
	s5 =	sld [smem:$0x3FAC]  }
0x2b: {  	s6 =	sld [smem:$0x3FAD]  }
0x2c: {  	s7 =	sld [smem:$0x3FAE]  }
0x2d: {  	s3 =	simm.s32 $0x108;
	s8 =	sld [smem:$0x3FAF]  }
0x2e: {  	s3 =	simm.s32 @!p0 $0x1082;
	s9 =	sld [smem:$0x3FB0]  }
0x2f: {  	lr =	sadd.s32 s0, s3;
	s0 =	sld [smem:$0x3FA7]  }
0x30: {  	s3 =	sld [smem:$0x3FAA]  }
0x31: {  	[smem:$0x3FB3] =	sst s10  }
0x32: {  	s10 =	sld [smem:$0x3FB1];
	_ =	sdelay $0x3  }
0x33: {  	p0 =	seq.s32 s10, $0x1;
	s10 =	sld [smem:$0x3FB3];
	_ =	sdelay $0x3  }
0x34: {  	[smem:$0x3FB3] =	sst s10  }
0x35: {  	s10 =	sld [smem:$0x3FB2];
	_ =	sdelay $0x3  }
0x36: {  	p1 =	seq.s32 s10, $0x1;
	s10 =	sld [smem:$0x3FB3];
	_ =	sdelay $0x3  }
0x37: {  	[smem:$0x3FB3] =	sst s10  }
0x38: {  	s10 =	sld [smem:$0x3FB4]  }
0x39: {  	_ = 	snop;
	(pc) =	sbr.ind lr, $3  }
0x3a: {  	_ = 	snop  }
0x3b: {  	_ = 	snop  }
0x3c: {  	p2 =	seq.s32 s10, $0x1;
	s10 =	sld [smem:$0x3FB3]  }
0x3d: {  	_ =	shalt  }
0x3e: {  	_ =	shalt  }
0x3f: {  	_ =	shalt  }
0x40: {  	_ =	shalt  }
0x41: {  	_ =	shalt  }
0x42: {  	_ =	shalt  }
0x43: {  	_ =	shalt  }
0x44: {  	_ =	shalt  }
0x45: {  	_ =	shalt  }
0x46: {  	_ =	shalt  }
0x47: {  	_ =	shalt  }
0x48: {  	_ =	shalt  }
0x49: {  	_ =	shalt  }
0x4a: {  	_ =	shalt  }
0x4b: {  	_ =	shalt  }
0x4c: {  	_ =	shalt  }
0x4d: {  	_ =	shalt  }
0x4e: {  	_ =	shalt  }
0x4f: {  	_ =	shalt  }
0x50: {  	_ =	shalt  }
0x51: {  	_ =	shalt  }
0x52: {  	_ =	shalt  }
0x53: {  	_ =	shalt  }
0x54: {  	_ =	shalt  }
0x55: {  	_ =	shalt  }
0x56: {  	_ =	shalt  }
0x57: {  	_ =	shalt  }
0x58: {  	_ =	shalt  }
0x59: {  	_ =	shalt  }
0x5a: {  	_ =	shalt  }
0x5b: {  	_ =	shalt  }
0x5c: {  	_ =	shalt  }
0x5d: {  	_ =	shalt  }
0x5e: {  	_ =	shalt  }
0x5f: {  	_ =	shalt  }
0x60: {  	_ =	shalt  }
0x61: {  	_ =	shalt  }
0x62: {  	_ =	shalt  }
0x63: {  	_ =	shalt  }
0x64: {  	_ =	shalt  }
0x65: {  	_ =	shalt  }
0x66: {  	_ =	shalt  }
0x67: {  	_ =	shalt  }
0x68: {  	_ =	shalt  }
0x69: {  	_ =	shalt  }
0x6a: {  	_ =	shalt  }
0x6b: {  	_ =	shalt  }
0x6c: {  	_ =	shalt  }
0x6d: {  	_ =	shalt  }
0x6e: {  	_ =	shalt  }
0x6f: {  	_ =	shalt  }
0x70: {  	_ =	shalt  }
0x71: {  	_ =	shalt  }
0x72: {  	_ =	shalt  }
0x73: {  	_ =	shalt  }
0x74: {  	_ =	shalt  }
0x75: {  	_ =	shalt  }
0x76: {  	_ =	shalt  }
0x77: {  	_ =	shalt  }
0x78: {  	_ =	shalt  }
0x79: {  	_ =	shalt  }
0x7a: {  	_ =	shalt  }
0x7b: {  	_ =	shalt  }
0x7c: {  	_ =	shalt  }
0x7d: {  	_ =	shalt  }
0x7e: {  	_ =	shalt  }
0x7f: {  	_ =	shalt  }
0x80: {  	_ =	shalt  }
0x81: {  	_ =	shalt  }
0x82: {  	_ =	shalt  }
0x83: {  	_ =	shalt  }
0x84: {  	_ =	shalt  }
0x85: {  	_ =	shalt  }
0x86: {  	_ =	shalt  }
0x87: {  	_ =	shalt  }
.Lfunc_end0:
.L_simem_size_0:
called_computation.1_lowered:
.L_overlay_start_0:
0x88: {  	s2 =	sld [smem:$0x3FD9]  }
0x89: {  	s3 =	sld [smem:$0x3FFE];
	_ =	sdelay $0x1  }
0x8a: {  	s1 =	srdreg.scid  }
0x8b: {  	s0 =	sand.u32 $0x1, s1  }
0x8c: {  	s17 =	sshll.u32 s0, $0xA;
	s2 =	sadd.s32 s3, s2  }
0x8d: {  	s2 =	sadd.s32 s2, s17  }
0x8e: {  	[smem:$0x3FBF] =	sst s2  }
0x8f: {  	_ = 	snop  }
0x90: {  	s2 =	sld [smem:$0x3FD0];
	(tm) =	ssettm $0x1  }
0x91: {  	s18 =	sld [smem:$0x3FFB];
	_ =	sdelay $0x3  }
0x92: {  	_ =	strace s18  }
0x93: {  	s3 =	sld [smem:$0x3FFC];
	_ =	sdelay $0x3  }
0x94: {  	_ =	strace s3  }
0x95: {  	s3 =	sld [smem:$0x3FFD];
	_ =	sdelay $0x3  }
0x96: {  	_ =	strace s3  }
0x97: {  	_ =	strace $0x8FFFFFFF  }
0x98: {  	s19 =	sld [smem:$0x3FDB];
	_ =	sdelay $0x1  }
0x99: {  	s4 =	simm.s32 $_scs_section_size  }
0x9a: {  	s5 =	simm.s32 $_size__tile_overlayer_lowered;
	s6 =	simm.s32 $_tile_overlayer_lowered  }
0x9b: {  	s22 =	simm.s32 $0x1BFF;
	s21 =	sshll.u32 s6, $0x1;
	s3 =	sadd.s32 s4, s19  }
0x9c: {  	s7 =	simm.s32 $0x0;
	s20 =	sshll.u32 s5, $0x1;
	s5 =	sadd.s32 s21, s3  }
0x9d: {  	[timem:s7], [sflag:s22] =	dma.local [hbm:s5], s20  }
0x9e: {  	_ =	swait.ge [sflag:s22], s20  }
0x9f: {  	s4 =	ssub.s32 $0x0, s20;
	[sflag:s22] =	ssyncset.done $0x0  }
0xa0: {  	[sflag:s22] =	ssyncadd.s32 s4;
	_ =	sdelay $0x1  }
0xa1: {  	s23 =	simm.s32 $0x1B8B  }
0xa2: {  	_ =	swait.ge [sflag:s23], $0x1  }
0xa3: {  	[sflag:s23] =	ssyncset.done $0x0  }
0xa4: {  	s25 =	simm.s32 $0x1B8E;
	s24 =	sld [smem:$0x3FFE];
	[sflag:s23] =	ssyncadd.s32 $0xFFFFFFFF  }
0xa5: {  	s26 =	simm.s32 $execute0_lowered;
	[smem:$0x3FD2] =	sst s25  }
0xa6: {  	s5 =	sshll.u32 s26, $0x1;
	_ =	strace $0x80000049;
	[dreg:$0x1] =	wrdreg $0xFFFFFFFF  }
0xa7: {  	s28 =	simm.s32 $_size_execute0_lowered;
	s3 =	sadd.s32 s3, s5;
	[dreg:$0x0] =	wrdreg $0x0  }
0xa8: {  	s5 =	sshll.u32 s28, $0x1;
	[dreg:$0x2] =	wrdreg s3  }
0xa9: {  	[dreg:$0x3] =	wrdreg s5  }
0xaa: {  	[dreg:$0x4] =	wrdreg $0xC0  }
0xab: {  	_ =	task [dreg:s7], $0x5FFFF  }
0xac: {  	[dreg:$0x1] =	wrdreg $0xFFFFFFFF  }
0xad: {  	[dreg:$0x0] =	wrdreg $0x60  }
0xae: {  	[dreg:$0x2] =	wrdreg s24  }
0xaf: {  	[dreg:$0x3] =	wrdreg s2  }
0xb0: {  	[dreg:$0x4] =	wrdreg $0x0  }
0xb1: {  	[dreg:$0x5] =	wrdreg $0x50800  }
0xb2: {  	[dreg:$0x6] =	wrdreg $0xA1000  }
0xb3: {  	[dreg:$0x7] =	wrdreg $0x9  }
0xb4: {  	_ =	task.clear_ibuf [dreg:s7], $0x8FFFF;
	_ =	strace $0x90000049  }
0xb5: {  	s29 =	simm.s32 $0x9;
	_ =	strace $0x8000004B  }
0xb6: {  	_ =	swait.ge [sflag:s29], $0x1  }
0xb7: {  	[sflag:s29] =	ssyncadd.s32 $0xFFFFFFFF  }
0xb8: {  	_ =	strace $0x9000004B  }
0xb9: {  	_ =	sfence  }
0xba: {  	s30 =	sld [smem:$0x0];
	_ =	sdelay $0x2  }
0xbb: {  	s31 =	sshll.u32 s1, $0xD;
	s1 =	sshrl.u32 s1, $0x2  }
0xbc: {  	s3 =	sand.u32 $0x4000, s31;
	s1 =	sadd.s32 s1, s30  }
0xbd: {  	s0 =	sor.u32 s3, s0;
	s1 =	sshll.u32 s1, $0x11  }
0xbe: {  	s0 =	sor.u32 s1, s0  }
0xbf: {  	s0 =	sadd.s32 $0x8F2B, s0  }
0xc0: {  	[sflag:s0] =	ssyncadd.remote.s32 $0x1  }
0xc1: {  	_ =	sfence.sel $0xFFFF  }
0xc2: {  	[dreg:$0x0] =	wrdreg $0xFFFFFFFF;
	(pc) =	sbr.abs _section_cstart, $3  }
0xc3: {  	[dreg:$0x1] =	wrdreg $0xFFFFFFFF  }
0xc4: {  	_ =	task.clear_ibuf [dreg:s7], $0x2FFFF;
	_ =	strace $0x9FFFFFFF  }
0xc5: {  	(tm) =	ssettm $0x7FFFFFFF  }
tec
execute0_lowered:
.L_overlay_start_1:
0x0: {  	(tag) =	ssettag $0x1  }
0x1: {  	s0 =	rddreg [dreg:$0x0]  }
0x2: {  	s4 =	rddreg [dreg:$0x1]  }
0x3: {  	s1 =	rddreg [dreg:$0x2]  }
0x4: {  	s2 =	rddreg [dreg:$0x3]  }
0x5: {  	s3 =	rddreg [dreg:$0x4];
	s5 =	simm.s32 $0x0  }
0x6: {  	s20 =	srdreg.scid;
	s16 =	stileid.u32;
	s28 =	simm.s32 $0xD390  }
0x7: {  	s30 =	simm.s32 $0x15B10;
	[smem:$0x7FF] =	sst s5;
	s5 =	sadd.s32 $0x11D200, s0  }
0x8: {  	s29 =	simm.s32 $0x1;
	s6 =	sadd.s32 $0x1E0800, s0;
	s7 =	sadd.s32 $0x2A3E00, s0  }
0x9: {  	s31 =	simm.s32 $0x13390;
	s8 =	sadd.s32 $0x367400, s0;
	s19 =	sadd.s32 $0x36C00, s0  }
0xa: {  	s11 =	sadd.s32 $0x2C00, s0;
	_ =	strace $0x8000004A;
	[dreg:$0x6] =	wrdreg s8  }
0xb: {  	s12 =	sadd.s32 $0x3600, s0;
	s9 =	sadd.s32 $0x36D800, s0;
	[dreg:$0x7] =	wrdreg s19  }
0xc: {  	s10 =	sadd.s32 $0x4FD800, s0;
	s15 =	smul.u32 $0x5000, s16;
	[dreg:$0x8] =	wrdreg s9  }
0xd: {  	s0 =	sadd.s32 $0x68D800, s0;
	p0 =	sne.s32 s16, $0xF;
	[dreg:$0x9] =	wrdreg s10  }
0xe: {  	s8 =	sand.u32 $0x1, s20;
	[dreg:$0xa] =	wrdreg s0;
	s10 =	sadd.s32 $0x50000, s2  }
0xf: {  	s21 =	sshll.u32 s8, $0x4;
	s22 =	ssub.s32 $0x2, s8;
	s24 =	sadd.s32 s15, s1  }
0x10: {  	s25 =	sadd.s32 s15, s2;
	s26 =	sadd.s32 s15, s3;
	[dreg:$0xc] =	wrdreg s24  }
0x11: {  	s8 =	smul.u32 $0x640000, s8;
	s9 =	sor.u32 s16, s21;
	[dreg:$0xd] =	wrdreg s25  }
0x12: {  	s13 =	sshrl.u32 s22, $0x1;
	[dreg:$0xe] =	wrdreg s26;
	s26 =	smul.u32 $0xA0, s16  }
0x13: {  	s16 =	simm.s32 $0xF390;
	s14 =	sshll.u32 s9, $0x2;
	s23 =	ssub.s32 s22, s13  }
0x14: {  	s9 =	smul.u32 $0x14, s9;
	[dreg:$0x10] =	wrdreg s8;
	s4 =	sadd.s32 s4, s14  }
0x15: {  	s22 =	simm.s32 $0x11390;
	s0 =	smax.u32 s23, $0x1;
	[dreg:$0xb] =	wrdreg s4  }
.Ltmp0:
0x16: {  	s4 =	sadd.s32 $0x50000, s1;
	[dreg:$0xf] =	wrdreg s9;
	(pc) =	sbr.rel .LBB2_1-.Ltmp0, $4  }
0x17: {  	s9 =	sadd.s32 $0x50000, s3;
	[dreg:$0x11] =	wrdreg s0;
	s0 =	sshrl.u32 @!p0 s4, $0x3  }
0x18: {  	s4 =	simm.s32 $0x15A90;
	[dreg:$0x12] =	wrdreg s0;
	s0 =	sshrl.u32 @!p0 s10, $0x3  }
0x19: {  	s10 =	simm.s32 $0x2;
	[dreg:$0x13] =	wrdreg s0;
	s0 =	sshrl.u32 @!p0 s9, $0x3  }
0x1a: {  	v0 =	vlaneseq.u32;
	s9 =	simm.s32 $0x0;
	[dreg:$0x14] =	wrdreg s0;
	s0 =	simm.s32 $0x40  }
.LBB2_9:
0x1b: {  	s9 =	rddreg [dreg:$0x15]  }
0x1c: {  	s8 =	rddreg [dreg:$0x11];
	s9 =	sadd.s32 $0x1, s9  }
0x1d: {  	p1 =	sne.s32 s9, s8  }
.Ltmp1:
0x1e: {  	_ = 	snop;
	(pc) =	sbr.rel @!p1 .LBB2_10-.Ltmp1, $1  }
0x1f: {  	_ =	sdelay $0x3  }
.LBB2_1:
0x20: {  	[dreg:$0x15] =	wrdreg s9;
	s8 =	simm.s32 $0x0  }
.Ltmp2:
0x21: {  	s24 =	rddreg [dreg:$0xb];
	s13 =	simm.s32 $0x15C10;
	(pc) =	sbr.rel .LBB2_2-.Ltmp2, $4  }
0x22: {  	[tilespmem:s13], [sflag:$0x1] =	stream.linear.gather [hbm4b:s24+s8], $0x20, $0x38;
	[tilespmem:$0x15C90] =	vst v63  }
0x23: {  	s25 =	stileid.u32;
	_ =	swait.ge [sflag:s29], $0x20  }
0x24: {  	s8 =	sshll.u32 s25, $0x6;
	[sflag:s29] =	ssyncset.done $0x0  }
0x25: {  	s9 =	simm.s32 $0x0;
	s8 =	sor.u32 $0x1C01, s8;
	[sflag:s29] =	ssyncadd.s32 $0xFFFFFFE0  }
.LBB2_8:
0x26: {  	s17 =	sadd.s32 s26, s18  }
0x27: {  	s21 =	rddreg [dreg:$0x10];
	s17 =	sshll.u32 s17, $0x7  }
0x28: {  	[bflag:$0x0] =	sbarrier.arrive $0xFFFF;
	s17 =	sadd.s32 s21, s17  }
0x29: {  	s23 =	rddreg [dreg:$0x8];
	s17 =	sshrl.u32 s17, $0x3  }
0x2a: {  	s18 =	sadd.s32 s23, s17  }
0x2b: {  	[hbm:s18], [sflag:s8] =	dma.local [spmem:s13], $0xA00  }
0x2c: {  	_ =	swait.ge [sflag:s29], $0xA00  }
0x2d: {  	[sflag:s29] =	ssyncset.done $0x0;
	s24 =	rddreg [dreg:$0x9]  }
0x2e: {  	[sflag:s29] =	ssyncadd.s32 $0xFFFFF600;
	s13 =	sadd.s32 s24, s17  }
0x2f: {  	[hbm:s13], [sflag:s8] =	dma.local [spmem:s14], $0xA00  }
0x30: {  	_ =	swait.ge [sflag:s29], $0xA00  }
0x31: {  	s9 =	sadd.s32 $0x1, s9;
	[sflag:s29] =	ssyncset.done $0x0;
	s25 =	rddreg [dreg:$0xa]  }
0x32: {  	p1 =	sne.s32 s9, $0x14;
	[sflag:s29] =	ssyncadd.s32 $0xFFFFF600;
	s13 =	sadd.s32 s25, s17  }
0x33: {  	[hbm:s13], [sflag:s8] =	dma.local [spmem:s15], $0xA00  }
.Ltmp3:
0x34: {  	_ =	swait.ge [sflag:s29], $0xA00;
	(pc) =	sbr.rel @!p1 .LBB2_9-.Ltmp3, $3  }
0x35: {  	[sflag:s29] =	ssyncset.done $0x0  }
0x36: {  	[sflag:s29] =	ssyncadd.s32 $0xFFFFF600  }
0x37: {  	[bflag:$0x0] =	sbarrier.arrive $0xFFFF;
	_ =	sdelay $0x1  }
.LBB2_2:
0x38: {  	s13 =	rddreg [dreg:$0xc]  }
0x39: {  	s13 =	sshrl.u32 s13, $0x3  }
0x3a: {  	[spmem:s13], [sflag:s8] =	dma.local [hbm:s11], $0xA00  }
0x3b: {  	_ =	swait.ge [sflag:s29], $0xA00  }
0x3c: {  	[sflag:s29] =	ssyncset.done $0x0;
	s14 =	rddreg [dreg:$0xd]  }
0x3d: {  	[sflag:s29] =	ssyncadd.s32 $0xFFFFF600;
	s14 =	sshrl.u32 s14, $0x3  }
0x3e: {  	[spmem:s14], [sflag:s8] =	dma.local [hbm:s11], $0xA00  }
0x3f: {  	_ =	swait.ge [sflag:s29], $0xA00  }
0x40: {  	[sflag:s29] =	ssyncset.done $0x0;
	s15 =	rddreg [dreg:$0xe]  }
0x41: {  	[sflag:s29] =	ssyncadd.s32 $0xFFFFF600;
	s15 =	sshrl.u32 s15, $0x3  }
0x42: {  	[spmem:s15], [sflag:s8] =	dma.local [hbm:s12], $0xA00  }
0x43: {  	_ =	swait.ge [sflag:s29], $0xA00  }
0x44: {  	[sflag:s29] =	ssyncset.done $0x0  }
0x45: {  	s17 =	rddreg [dreg:$0x12];
	[sflag:s29] =	ssyncadd.s32 $0xFFFFF600  }
0x46: {  	[spmem:s17], [sflag:s8] =	dma.local @!p0 [hbm:s11], $0x100  }
0x47: {  	s17 =	simm.s32 @!p0 $0x1  }
0x48: {  	_ =	swait.ge @!p0 [sflag:s17], $0x100  }
0x49: {  	[sflag:s17] =	ssyncset.done @!p0 $0x0  }
0x4a: {  	s18 =	rddreg [dreg:$0x13];
	[sflag:s17] =	ssyncadd.s32 @!p0 $0xFFFFFF00  }
0x4b: {  	[spmem:s18], [sflag:s8] =	dma.local @!p0 [hbm:s11], $0x100  }
0x4c: {  	_ =	swait.ge @!p0 [sflag:s17], $0x100  }
0x4d: {  	[sflag:s17] =	ssyncset.done @!p0 $0x0  }
0x4e: {  	s18 =	rddreg [dreg:$0x14];
	[sflag:s17] =	ssyncadd.s32 @!p0 $0xFFFFFF00  }
0x4f: {  	[spmem:s18], [sflag:s8] =	dma.local @!p0 [hbm:s12], $0x100  }
0x50: {  	_ =	swait.ge @!p0 [sflag:s17], $0x100  }
0x51: {  	s20 =	smul.u32 $0x500, s9;
	s21 =	rddreg [dreg:$0x6]  }
0x52: {  	s19 =	simm.s32 $0xAB10;
	[sflag:s17] =	ssyncset.done @!p0 $0x0;
	s23 =	rddreg [dreg:$0xf]  }
0x53: {  	[sflag:s17] =	ssyncadd.s32 @!p0 $0xFFFFFF00;
	s18 =	sadd.s32 s21, s20;
	s17 =	simm.s32 $0x0  }
0x54: {  	[tilespmem:s19], [sflag:$0x1] =	stream.linear.gather [hbm4b:s18+s17], $0x2800, $0x38;
	[tilespmem:$0x15C90] =	vst v63  }
0x55: {  	s18 =	sadd.s32 s23, s9  }
0x56: {  	_ =	swait.ge [sflag:s29], $0x2800;
	s18 =	smul.u32 $0xE0, s18  }
0x57: {  	[sflag:s29] =	ssyncset.done $0x0;
	s24 =	rddreg [dreg:$0x7]  }
0x58: {  	s25 =	simm.s32 $0x15390;
	[sflag:s29] =	ssyncadd.s32 $0xFFFFD800;
	s18 =	sadd.s32 s24, s18  }
0x59: {  	[tilespmem:s25], [sflag:$0x1] =	stream.linear.gather [hbm4b:s18+s17], $0x700, $0x38;
	[tilespmem:$0x15C90] =	vst v63  }
0x5a: {  	_ =	swait.ge [sflag:s29], $0x700  }
0x5b: {  	[sflag:s29] =	ssyncset.done $0x0  }
0x5c: {  	[sflag:s29] =	ssyncadd.s32 $0xFFFFF900  }
0x5d: {  	[bflag:$0x0] =	sbarrier.arrive $0xFFFF  }
0x5e: {  	v1 =	vld [tilespmem:s9+$0x15C10];
	_ =	sdelay $0x4  }
0x5f: {  	(v2sf) =	vpush v1, $0x0;
	_ =	sdelay $0xa  }
.Ltmp4:
0x60: {  	_ = 	snop;
	(pc) =	sbr.rel .LBB2_3-.Ltmp4, $3  }
0x61: {  	_ =	sdelay $0x1  }
0x62: {  	s18 =	smul.u32 $0xA00, s9  }
0x63: {  	v1 =	vbroadcast v1, $0x0;
	s19 =	spop (v2sf)  }
.LBB2_6:
0x64: {  	(v2sf) =	vpush v2, $0x0;
	_ =	sdelay $0xe  }
0x65: {  	s21 =	spop (v2sf)  }
0x66: {  	s20 =	sshra.s32 s20, $0x2;
	s21 =	sshll.u32 s21, $0x4  }
0x67: {  	v2 =	vld [tilespmem:s20+$0x11390];
	s21 =	sshra.s32 s21, $0x2  }
0x68: {  	v3 =	vld [tilespmem:s21+$0xAB10];
	_ =	sdelay $0x4  }
0x69: {  	v2 =	vadd.f32 v3, v2;
	_ =	sdelay $0x1  }
0x6a: {  	v3 =	vmul.f32 $2.000000030e-01, v2  }
0x6b: {  	vm0 =	vgt.f32 v2, $0.0e+00  }
0x6c: {  	v2 =	vsel vm0, v2, v3  }
0x6d: {  	v2 =	vmul.f32 $1.442695020e+00, v2;
	_ =	sdelay $0x1  }
0x6e: {  	(erf) = vpow2.f32 v2;
	_ =	sdelay $0x6  }
0x6f: {  	v2 =	vld [tilespmem:s20+$0xD390]  }
0x70: {  	v3 =	vld [tilespmem:s20+$0xD3A0]  }
0x71: {  	v4 =	vld [tilespmem:s20+$0xD3B0];
	v5 =	vpop (erf)  }
0x72: {  	v6 =	vld [tilespmem:s20+$0xD3C0];
	v7 =	vbroadcast v5, $0x0  }
0x73: {  	v8 =	vld [tilespmem:s20+$0xD3D0]  }
0x74: {  	v9 =	vld [tilespmem:s20+$0xD3E0];
	v2 =	vmul.f32 v7, v2  }
0x75: {  	v10 =	vld [tilespmem:s20+$0xD3F0];
	[tilespmem:s20+$0x13390] =	vst v5;
	v3 =	vmul.f32 v7, v3  }
0x76: {  	v11 =	vld [tilespmem:s20+$0xD400];
	v12 =	vbroadcast v5, $0x1;
	v4 =	vmul.f32 v7, v4;
	[tilespmem:s20+$0xD390] =	vst v2  }
0x77: {  	v60 =	vld [tilespmem:s20+$0xF3E0];
	v6 =	vmul.f32 v6, v7;
	[tilespmem:s20+$0xD3A0] =	vst v3  }
0x78: {  	v55 =	vld [tilespmem:s20+$0xF3B0];
	v54 =	vmul.f32 v8, v12;
	[tilespmem:s20+$0xD3B0] =	vst v4  }
0x79: {  	v58 =	vbroadcast v5, $0x2;
	v56 =	vmul.f32 v9, v12;
	v2 =	vld [tilespmem:s20+$0xF390];
	[tilespmem:s20+$0xD3C0] =	vst v6  }
0x7a: {  	v5 =	vbroadcast v5, $0x3;
	v10 =	vmul.f32 v10, v12;
	v3 =	vld [tilespmem:s20+$0xF3A0];
	[tilespmem:s20+$0xD3D0] =	vst v54  }
0x7b: {  	v57 =	vld [tilespmem:s20+$0xF3C0];
	v11 =	vmul.f32 v11, v12;
	[tilespmem:s20+$0xD3E0] =	vst v56  }
0x7c: {  	v59 =	vld [tilespmem:s20+$0xF3D0];
	v63 =	vmul.f32 v60, v5;
	[tilespmem:s20+$0xD3F0] =	vst v10  }
0x7d: {  	v61 =	vld [tilespmem:s20+$0xF3F0];
	[tilespmem:s20+$0xD400] =	vst v11;
	v4 =	vmul.f32 v55, v58  }
0x7e: {  	v62 =	vld [tilespmem:s20+$0xF400];
	[tilespmem:s20+$0xF3E0] =	vst v63;
	v2 =	vmul.f32 v2, v58  }
0x7f: {  	[tilespmem:s20+$0xF3B0] =	vst v4;
	v3 =	vmul.f32 v3, v58  }
0x80: {  	[tilespmem:s20+$0xF390] =	vst v2;
	v2 =	vmul.f32 v57, v58  }
0x81: {  	[tilespmem:s20+$0xF3A0] =	vst v3;
	v3 =	vmul.f32 v59, v5  }
0x82: {  	[tilespmem:s20+$0xF3C0] =	vst v2;
	v2 =	vmul.f32 v61, v5  }
0x83: {  	[tilespmem:s20+$0xF3D0] =	vst v3;
	v3 =	vmul.f32 v62, v5  }
0x84: {  	[tilespmem:s20+$0xF3F0] =	vst v2  }
0x85: {  	[tilespmem:s20+$0xF400] =	vst v3  }
0x86: {  	[spmem:s1] =	stream.indirect.scatter.add.f32 [tilespmem:s28], [sflag:$0x2], $0x80, s30, s0, $0xb8;
	[tilespmem:$0x15C90] =	vst v63  }
0x87: {  	_ =	swait.ge [sflag:s10], $0x2000  }
0x88: {  	[sflag:s10] =	ssyncset.done $0x0  }
0x89: {  	[sflag:s10] =	ssyncadd.s32 $0xFFFFE000  }
0x8a: {  	[spmem:s2] =	stream.indirect.scatter.add.f32 [tilespmem:s16], [sflag:$0x2], $0x80, s30, s0, $0xb8;
	[tilespmem:$0x15C90] =	vst v63  }
0x8b: {  	_ =	swait.ge [sflag:s10], $0x2000  }
0x8c: {  	[sflag:s10] =	ssyncset.done $0x0  }
0x8d: {  	[sflag:s10] =	ssyncadd.s32 $0xFFFFE000  }
0x8e: {  	[spmem:s3] =	stream.indirect.scatter.add.f32 [tilespmem:s31], [sflag:$0x1], $0x10, s30, s0, $0xb8;
	[tilespmem:$0x15C90] =	vst v63  }
0x8f: {  	_ =	swait.ge [sflag:s29], $0x400  }
0x90: {  	[sflag:s29] =	ssyncset.done $0x0  }
0x91: {  	[sflag:s29] =	ssyncadd.s32 $0xFFFFFC00  }
.LBB2_7:
0x92: {  	s17 =	sadd.s32 $0x1, s17  }
0x93: {  	p1 =	sne.s32 s17, $0x1C  }
.Ltmp5:
0x94: {  	_ = 	snop;
	(pc) =	sbr.rel @!p1 .LBB2_8-.Ltmp5, $1  }
0x95: {  	_ =	sdelay $0x3  }
.LBB2_3:
0x96: {  	s20 =	sshll.u32 s17, $0x6  }
0x97: {  	p1 =	sge.s32 s20, s19  }
.Ltmp6:
0x98: {  	_ = 	snop;
	(pc) =	sbr.rel @p1 .LBB2_7-.Ltmp6, $1  }
0x99: {  	_ =	sdelay $0x3  }
0x9a: {  	v2 =	vld [tilespmem:s20+$0x15390];
	_ =	sdelay $0x3  }
0x9b: {  	v3 =	vor.u32 s20, v0  }
0x9c: {  	vm0 =	vlt.s32 v3, v1;
	v3 =	vand.u32 $0xFFFF, v2  }
0x9d: {  	v2 =	vshra.s32 v2, $0x10;
	v3 =	vnsel vm0, $0x0, v3  }
0x9e: {  	v2 =	vnsel vm0, $0xA00, v2;
	[tilespmem:$0x15A90] =	vst v3  }
0x9f: {  	[tilespmem:$0x15B10] =	vst v2  }
0xa0: {  	[tilespmem:$0x15B90] =	vst v2  }
0xa1: {  	v2 =	vld [tilespmem:s20+$0x153A0];
	_ =	sdelay $0x2  }
0xa2: {  	s21 =	sor.u32 $0x10, s20  }
0xa3: {  	v3 =	vor.u32 s21, v0  }
0xa4: {  	vm13 =	vlt.s32 v3, v1;
	v3 =	vand.u32 $0xFFFF, v2  }
0xa5: {  	v2 =	vshra.s32 v2, $0x10;
	v3 =	vnsel vm13, $0x0, v3  }
0xa6: {  	v2 =	vnsel vm13, $0xA00, v2;
	[tilespmem:$0x15AA0] =	vst v3  }
0xa7: {  	[tilespmem:$0x15B20] =	vst v2  }
0xa8: {  	[tilespmem:$0x15BA0] =	vst v2  }
0xa9: {  	v2 =	vld [tilespmem:s20+$0x153B0];
	_ =	sdelay $0x2  }
0xaa: {  	s24 =	sor.u32 $0x20, s20  }
0xab: {  	v3 =	vor.u32 s24, v0  }
0xac: {  	vm14 =	vlt.s32 v3, v1;
	v3 =	vand.u32 $0xFFFF, v2  }
0xad: {  	v2 =	vshra.s32 v2, $0x10;
	v3 =	vnsel vm14, $0x0, v3  }
0xae: {  	v2 =	vnsel vm14, $0xA00, v2;
	[tilespmem:$0x15AB0] =	vst v3  }
0xaf: {  	[tilespmem:$0x15B30] =	vst v2  }
0xb0: {  	[tilespmem:$0x15BB0] =	vst v2  }
0xb1: {  	v2 =	vld [tilespmem:s20+$0x153C0];
	_ =	sdelay $0x2  }
0xb2: {  	s25 =	sor.u32 $0x30, s20  }
0xb3: {  	v3 =	vor.u32 s25, v0  }
0xb4: {  	vm15 =	vlt.s32 v3, v1;
	v3 =	vand.u32 $0xFFFF, v2  }
0xb5: {  	v2 =	vshra.s32 v2, $0x10;
	v3 =	vnsel vm15, $0x0, v3  }
0xb6: {  	v2 =	vnsel vm15, $0xA00, v2;
	[tilespmem:$0x15AC0] =	vst v3  }
0xb7: {  	[tilespmem:$0x15B40] =	vst v2  }
0xb8: {  	[tilespmem:$0x15BC0] =	vst v2  }
0xb9: {  	[tilespmem:s28], [sflag:$0x2] =	stream.indirect.gather [hbm4b:s5+s0], $0x80, s4, s0, $0xb8;
	[tilespmem:$0x15C90] =	vst v63  }
0xba: {  	_ =	swait.ge [sflag:s10], $0x2000  }
0xbb: {  	[sflag:s10] =	ssyncset.done $0x0  }
0xbc: {  	[sflag:s10] =	ssyncadd.s32 $0xFFFFE000  }
0xbd: {  	[tilespmem:s16], [sflag:$0x2] =	stream.indirect.gather [hbm4b:s6+s0], $0x80, s4, s0, $0xb8;
	[tilespmem:$0x15C90] =	vst v63  }
0xbe: {  	_ =	swait.ge [sflag:s10], $0x2000  }
0xbf: {  	[sflag:s10] =	ssyncset.done $0x0  }
0xc0: {  	[sflag:s10] =	ssyncadd.s32 $0xFFFFE000  }
0xc1: {  	[tilespmem:s22], [sflag:$0x2] =	stream.indirect.gather [hbm4b:s7+s0], $0x80, s4, s0, $0xb8;
	[tilespmem:$0x15C90] =	vst v63  }
0xc2: {  	_ =	swait.ge [sflag:s10], $0x2000  }
0xc3: {  	[sflag:s10] =	ssyncset.done $0x0  }
0xc4: {  	s21 =	simm.s32 $0x15B90;
	[sflag:s10] =	ssyncadd.s32 $0xFFFFE000  }
0xc5: {  	s23 =	simm.s32 $0x200;
	s20 =	simm.s32 $0x0;
	v2 =	vld [tilespmem:s21+$0x0]  }
.LBB2_5:
0xc6: {  	p1 =	sne.s32 s23, $0x7E00;
	_ =	sdelay $0x3  }
0xc7: {  	(v2sf) =	vpush v2, $0x0;
	_ =	sdelay $0xe  }
0xc8: {  	s25 =	spop (v2sf)  }
0xc9: {  	s24 =	sshra.s32 s20, $0x2;
	s20 =	smov.u32 s23;
	s25 =	sshll.u32 s25, $0x4  }
0xca: {  	v2 =	vld [tilespmem:s24+$0x11390];
	s25 =	sshra.s32 s25, $0x2  }
0xcb: {  	v3 =	vld [tilespmem:s25+$0xAB10];
	_ =	sdelay $0x4  }
0xcc: {  	v2 =	vadd.f32 v3, v2;
	_ =	sdelay $0x1  }
0xcd: {  	v3 =	vmul.f32 $2.000000030e-01, v2  }
0xce: {  	vm0 =	vgt.f32 v2, $0.0e+00  }
0xcf: {  	v2 =	vsel vm0, v2, v3  }
0xd0: {  	v2 =	vmul.f32 $1.442695020e+00, v2  }
0xd1: {  	v3 =	vld [tilespmem:s24+$0xF400]  }
0xd2: {  	v4 =	vld [tilespmem:s24+$0xF3E0];
	(erf) = vpow2.f32 v2  }
0xd3: {  	v2 =	vld [tilespmem:s24+$0xF3C0]  }
0xd4: {  	v5 =	vld [tilespmem:s24+$0xF3A0]  }
0xd5: {  	v6 =	vld [tilespmem:s24+$0xD400]  }
0xd6: {  	v7 =	vld [tilespmem:s24+$0xD3E0]  }
0xd7: {  	v8 =	vld [tilespmem:s24+$0xD3C0]  }
0xd8: {  	v9 =	vld [tilespmem:s24+$0xD3A0]  }
0xd9: {  	v10 =	vld [tilespmem:s24+$0xD390]  }
0xda: {  	v11 =	vld [tilespmem:s24+$0xD3B0]  }
0xdb: {  	v12 =	vld [tilespmem:s24+$0xD3D0];
	v13 =	vpop (erf)  }
0xdc: {  	[tilespmem:s24+$0x13390] =	vst v13;
	v14 =	vbroadcast v13, $0x0;
	v15 =	vbroadcast v13, $0x1;
	v16 =	vld [tilespmem:s24+$0xD3F0]  }
0xdd: {  	v18 =	vbroadcast v13, $0x2;
	v13 =	vbroadcast v13, $0x3;
	v17 =	vld [tilespmem:s24+$0xF390]  }
0xde: {  	v10 =	vmul.f32 v14, v10;
	v9 =	vmul.f32 v14, v9;
	v19 =	vld [tilespmem:s24+$0xF3B0]  }
0xdf: {  	v8 =	vmul.f32 v8, v14;
	v11 =	vmul.f32 v14, v11;
	v14 =	vld [tilespmem:s24+$0xF3D0]  }
0xe0: {  	v7 =	vmul.f32 v7, v15;
	[tilespmem:s24+$0xD390] =	vst v10;
	v10 =	vmul.f32 v12, v15;
	v12 =	vld [tilespmem:s24+$0xF3F0]  }
0xe1: {  	v6 =	vmul.f32 v6, v15;
	[tilespmem:s24+$0xD3A0] =	vst v9;
	v9 =	vmul.f32 v16, v15  }
0xe2: {  	v5 =	vmul.f32 v5, v18;
	[tilespmem:s24+$0xD3B0] =	vst v11;
	v11 =	vmul.f32 v17, v18  }
0xe3: {  	v2 =	vmul.f32 v2, v18;
	[tilespmem:s24+$0xD3C0] =	vst v8;
	v8 =	vmul.f32 v19, v18  }
0xe4: {  	v4 =	vmul.f32 v4, v13;
	[tilespmem:s24+$0xD3D0] =	vst v10;
	v10 =	vmul.f32 v14, v13  }
0xe5: {  	v3 =	vmul.f32 v3, v13;
	[tilespmem:s24+$0xD3E0] =	vst v7;
	v7 =	vmul.f32 v12, v13  }
0xe6: {  	[tilespmem:s24+$0xD3F0] =	vst v9  }
0xe7: {  	[tilespmem:s24+$0xD400] =	vst v6  }
0xe8: {  	[tilespmem:s24+$0xF390] =	vst v11  }
0xe9: {  	[tilespmem:s24+$0xF3A0] =	vst v5  }
0xea: {  	[tilespmem:s24+$0xF3B0] =	vst v8  }
0xeb: {  	[tilespmem:s24+$0xF3C0] =	vst v2  }
.Ltmp7:
0xec: {  	[tilespmem:s24+$0xF3D0] =	vst v10;
	(pc) =	sbr.rel @p1 .LBB2_5-.Ltmp7, $4  }
0xed: {  	[tilespmem:s24+$0xF3E0] =	vst v4  }
0xee: {  	[tilespmem:s24+$0xF3F0] =	vst v7  }
0xef: {  	s21 =	sadd.s32 $0x1, s21;
	[tilespmem:s24+$0xF400] =	vst v3  }
0xf0: {  	s23 =	sadd.s32 $0x200, s23;
	v2 =	vld [tilespmem:s21+$0x0]  }
.Ltmp8:
0xf1: {  	_ = 	snop;
	(pc) =	sbr.rel .LBB2_6-.Ltmp8, $1  }
0xf2: {  	_ =	sdelay $0x3  }
.LBB2_10:
0xf3: {  	_ =	sfence.sel $0x180000  }
0xf4: {  	[bflag:$0x0] =	sbarrier.arrive $0xFFFF  }
0xf5: {  	_ =	strace $0x9000004A  }
0xf6: {  	s0 =	stileid.u32;
	[bflag:$0x2] =	sbarrier.arrive $0xFFFF  }
0xf7: {  	p0 =	sne.s32 s0, $0x0;
	s0 =	rddreg [dreg:$0x5]  }
0xf8: {  	s0 =	sadd.s32 @!p0 $0x100000, s0  }
0xf9: {  	[sflag:s0] =	ssyncadd.tile.s32 @!p0 $0x1;
	_ =	shalt  }
.Lfunc_end2:
_tile_overlayer_lowered:
.L_overlay_start_2:
0xfa: {  	(tag) =	ssettag $0x2  }
0xfb: {  	s0 =	rddreg [dreg:$0x0];
	s2 =	stileid.u32  }
0xfc: {  	s1 =	rddreg [dreg:$0x1];
	p0 =	sne.s32 s2, $0x0  }
0xfd: {  	s3 =	rddreg [dreg:$0x2];
	[bflag:$0x3] =	sbarrier.arrive $0xFFFF;
	s2 =	simm.s32 @!p0 $0x1C01  }
0xfe: {  	[timem:s3], [sflag:s2] =	dma.local @!p0 [hbm:s0], s1  }
0xff: {  	s0 =	simm.s32 @!p0 $0x1  }
0x100: {  	_ =	swait.ge @!p0 [sflag:s0], s1  }
0x101: {  	s1 =	ssub.s32 @!p0 $0x0, s1;
	[sflag:s0] =	ssyncset.done @!p0 $0x0  }
0x102: {  	[sflag:s0] =	ssyncadd.s32 @!p0 s1  }
0x103: {  	[bflag:$0x3] =	sbarrier.arrive $0xFFFF  }
0x104: {  	_ =	shalt  }

// kernel: kernel.15.cloned.1.call-start
scs
__scs_entry_jumppad:
0x0: {  	(pc) =	sbr.rel $0x88, $3  }
0x1: {  	(tag) =	ssettag $0x0;
	lr =	simm.s32 $0x1  }
0x2: {  	[smem:$0x3F98] =	sst lr;
	_ =	strace $0xD0000000  }
0x3: {  	_ = 	snop  }
0x4: {  	_ = 	snop  }
0x5: {  	_ = 	snop  }
0x6: {  	_ = 	snop  }
0x7: {  	_ = 	snop  }
__scs_overlays_trampoline_lowered:
0x8: {  	[smem:$0x3FA7] =	sst s0  }
0x9: {  	[smem:$0x3FA8] =	sst s1  }
0xa: {  	[smem:$0x3FA9] =	sst s2  }
0xb: {  	[smem:$0x3FAA] =	sst s3  }
0xc: {  	[smem:$0x3FAB] =	sst s4  }
0xd: {  	[smem:$0x3FAC] =	sst s5  }
0xe: {  	[smem:$0x3FAD] =	sst s6  }
0xf: {  	[smem:$0x3FAE] =	sst s7  }
0x10: {  	[smem:$0x3FAF] =	sst s8  }
0x11: {  	[smem:$0x3FB0] =	sst s9;
	s0 =	simm.s32 @!p0 $0x0  }
0x12: {  	s1 =	sld [smem:$0x3F96];
	s0 =	simm.s32 @p0 $0x1  }
0x13: {  	[smem:$0x3FB1] =	sst s0;
	s0 =	simm.s32 @!p1 $0x0  }
0x14: {  	s2 =	sld [smem:$0x3F95];
	s0 =	simm.s32 @p1 $0x1  }
0x15: {  	[smem:$0x3FB2] =	sst s0;
	s0 =	simm.s32 @!p2 $0x0  }
0x16: {  	s3 =	sld [smem:$0x3FDB];
	s0 =	simm.s32 @p2 $0x1  }
0x17: {  	s4 =	simm.s32 $0x1BF5;
	[smem:$0x3FB4] =	sst s0  }
0x18: {  	s0 =	sld [smem:$0x3F97];
	_ =	swait.ge [sflag:s4], $0x0  }
0x19: {  	s7 =	sld [smem:$0x3F98]  }
0x1a: {  	s8 =	sadd.s32 $0xFFFFE003, lr  }
0x1b: {  	s9 =	sadd.s32 $0xFFFFFEF7, lr;
	s5 =	simm.s32 $0xFFFFFFFF;
	p2 =	slt.u32 s8, $0xFFFFF086  }
0x1c: {  	p1 =	slt.u32 s9, $0xF7A;
	s5 =	simm.s32 @!p2 $0x0  }
0x1d: {  	s5 =	simm.s32 @p1 $0x1;
	p0 =	seq.s32 s7, s2  }
0x1e: {  	s7 =	smul.u32 @!p0 $0xF7A, s2;
	p2 =	seq.s32 @!p0 s5, $0x0  }
0x1f: {  	s9 =	smul.u32 $0xF7A, s1;
	s8 =	simm.s32 @!p0 $0x1BF5;
	p2 =	por !p2, p0  }
0x20: {  	[sflag:s8] =	ssyncset.s32 @!p0 $0xFFFFF086;
	s6 =	sadd.s32 @!p0 s3, s7;
	s7 =	simm.s32 @!p0 $0x108  }
0x21: {  	s3 =	sadd.s32 s3, s9;
	s6 =	sadd.s32 @!p0 $0x88, s6;
	s7 =	simm.s32 @p2 $0x1082  }
0x22: {  	[simem:s7], [sflag:s8] =	dma.local @!p0 [hbm:s6], $0xF7A  }
0x23: {  	s9 =	sor.u32 $0xD0000000, s2;
	s6 =	simm.s32 $0x108;
	_ =	swait.ge @!p0 [sflag:s8], $0x0  }
0x24: {  	s3 =	sadd.s32 $0x88, s3;
	s6 =	simm.s32 @!p1 $0x1082;
	[sflag:s4] =	ssyncset.s32 $0xFFFFF086  }
0x25: {  	[simem:s6], [sflag:s4] =	dma.local [hbm:s3], $0xF7A  }
0x26: {  	[smem:$0x3F98] =	sst s1;
	(tag) =	ssettag s2;
	_ =	strace s9  }
0x27: {  	s1 =	sld [smem:$0x3FA8]  }
0x28: {  	s2 =	sld [smem:$0x3FA9]  }
0x29: {  	s4 =	sld [smem:$0x3FAB]  }
0x2a: {  	p0 =	seq.s32 s5, $0x0;
	s5 =	sld [smem:$0x3FAC]  }
0x2b: {  	s6 =	sld [smem:$0x3FAD]  }
0x2c: {  	s7 =	sld [smem:$0x3FAE]  }
0x2d: {  	s3 =	simm.s32 $0x108;
	s8 =	sld [smem:$0x3FAF]  }
0x2e: {  	s3 =	simm.s32 @!p0 $0x1082;
	s9 =	sld [smem:$0x3FB0]  }
0x2f: {  	lr =	sadd.s32 s0, s3;
	s0 =	sld [smem:$0x3FA7]  }
0x30: {  	s3 =	sld [smem:$0x3FAA]  }
0x31: {  	[smem:$0x3FB3] =	sst s10  }
0x32: {  	s10 =	sld [smem:$0x3FB1];
	_ =	sdelay $0x3  }
0x33: {  	p0 =	seq.s32 s10, $0x1;
	s10 =	sld [smem:$0x3FB3];
	_ =	sdelay $0x3  }
0x34: {  	[smem:$0x3FB3] =	sst s10  }
0x35: {  	s10 =	sld [smem:$0x3FB2];
	_ =	sdelay $0x3  }
0x36: {  	p1 =	seq.s32 s10, $0x1;
	s10 =	sld [smem:$0x3FB3];
	_ =	sdelay $0x3  }
0x37: {  	[smem:$0x3FB3] =	sst s10  }
0x38: {  	s10 =	sld [smem:$0x3FB4]  }
0x39: {  	_ = 	snop;
	(pc) =	sbr.ind lr, $3  }
0x3a: {  	_ = 	snop  }
0x3b: {  	_ = 	snop  }
0x3c: {  	p2 =	seq.s32 s10, $0x1;
	s10 =	sld [smem:$0x3FB3]  }
0x3d: {  	_ =	shalt  }
0x3e: {  	_ =	shalt  }
0x3f: {  	_ =	shalt  }
0x40: {  	_ =	shalt  }
0x41: {  	_ =	shalt  }
0x42: {  	_ =	shalt  }
0x43: {  	_ =	shalt  }
0x44: {  	_ =	shalt  }
0x45: {  	_ =	shalt  }
0x46: {  	_ =	shalt  }
0x47: {  	_ =	shalt  }
0x48: {  	_ =	shalt  }
0x49: {  	_ =	shalt  }
0x4a: {  	_ =	shalt  }
0x4b: {  	_ =	shalt  }
0x4c: {  	_ =	shalt  }
0x4d: {  	_ =	shalt  }
0x4e: {  	_ =	shalt  }
0x4f: {  	_ =	shalt  }
0x50: {  	_ =	shalt  }
0x51: {  	_ =	shalt  }
0x52: {  	_ =	shalt  }
0x53: {  	_ =	shalt  }
0x54: {  	_ =	shalt  }
0x55: {  	_ =	shalt  }
0x56: {  	_ =	shalt  }
0x57: {  	_ =	shalt  }
0x58: {  	_ =	shalt  }
0x59: {  	_ =	shalt  }
0x5a: {  	_ =	shalt  }
0x5b: {  	_ =	shalt  }
0x5c: {  	_ =	shalt  }
0x5d: {  	_ =	shalt  }
0x5e: {  	_ =	shalt  }
0x5f: {  	_ =	shalt  }
0x60: {  	_ =	shalt  }
0x61: {  	_ =	shalt  }
0x62: {  	_ =	shalt  }
0x63: {  	_ =	shalt  }
0x64: {  	_ =	shalt  }
0x65: {  	_ =	shalt  }
0x66: {  	_ =	shalt  }
0x67: {  	_ =	shalt  }
0x68: {  	_ =	shalt  }
0x69: {  	_ =	shalt  }
0x6a: {  	_ =	shalt  }
0x6b: {  	_ =	shalt  }
0x6c: {  	_ =	shalt  }
0x6d: {  	_ =	shalt  }
0x6e: {  	_ =	shalt  }
0x6f: {  	_ =	shalt  }
0x70: {  	_ =	shalt  }
0x71: {  	_ =	shalt  }
0x72: {  	_ =	shalt  }
0x73: {  	_ =	shalt  }
0x74: {  	_ =	shalt  }
0x75: {  	_ =	shalt  }
0x76: {  	_ =	shalt  }
0x77: {  	_ =	shalt  }
0x78: {  	_ =	shalt  }
0x79: {  	_ =	shalt  }
0x7a: {  	_ =	shalt  }
0x7b: {  	_ =	shalt  }
0x7c: {  	_ =	shalt  }
0x7d: {  	_ =	shalt  }
0x7e: {  	_ =	shalt  }
0x7f: {  	_ =	shalt  }
0x80: {  	_ =	shalt  }
0x81: {  	_ =	shalt  }
0x82: {  	_ =	shalt  }
0x83: {  	_ =	shalt  }
0x84: {  	_ =	shalt  }
0x85: {  	_ =	shalt  }
0x86: {  	_ =	shalt  }
0x87: {  	_ =	shalt  }
.Lfunc_end0:
.L_simem_size_0:
called_computation.2_lowered:
.L_overlay_start_0:
0x88: {  	s2 =	sld [smem:$0x3FD9]  }
0x89: {  	s3 =	sld [smem:$0x3FFE];
	_ =	sdelay $0x1  }
0x8a: {  	s1 =	srdreg.scid  }
0x8b: {  	s0 =	sand.u32 $0x1, s1  }
0x8c: {  	s17 =	sshll.u32 s0, $0xA;
	s2 =	sadd.s32 s3, s2  }
0x8d: {  	s2 =	sadd.s32 s2, s17  }
0x8e: {  	[smem:$0x3FBF] =	sst s2  }
0x8f: {  	_ = 	snop  }
0x90: {  	s2 =	sld [smem:$0x3FD0];
	(tm) =	ssettm $0x1  }
0x91: {  	s18 =	sld [smem:$0x3FFB];
	_ =	sdelay $0x3  }
0x92: {  	_ =	strace s18  }
0x93: {  	s3 =	sld [smem:$0x3FFC];
	_ =	sdelay $0x3  }
0x94: {  	_ =	strace s3  }
0x95: {  	s3 =	sld [smem:$0x3FFD];
	_ =	sdelay $0x3  }
0x96: {  	_ =	strace s3  }
0x97: {  	_ =	strace $0x8FFFFFFF  }
0x98: {  	s19 =	sld [smem:$0x3FDB];
	_ =	sdelay $0x1  }
0x99: {  	s4 =	simm.s32 $_scs_section_size  }
0x9a: {  	s5 =	simm.s32 $_size__tile_overlayer_lowered;
	s6 =	simm.s32 $_tile_overlayer_lowered  }
0x9b: {  	s22 =	simm.s32 $0x1BFF;
	s21 =	sshll.u32 s6, $0x1;
	s3 =	sadd.s32 s4, s19  }
0x9c: {  	s7 =	simm.s32 $0x0;
	s20 =	sshll.u32 s5, $0x1;
	s5 =	sadd.s32 s21, s3  }
0x9d: {  	[timem:s7], [sflag:s22] =	dma.local [hbm:s5], s20  }
0x9e: {  	_ =	swait.ge [sflag:s22], s20  }
0x9f: {  	s4 =	ssub.s32 $0x0, s20;
	[sflag:s22] =	ssyncset.done $0x0  }
0xa0: {  	[sflag:s22] =	ssyncadd.s32 s4;
	_ =	sdelay $0x1  }
0xa1: {  	s23 =	simm.s32 $0x1B8B  }
0xa2: {  	_ =	swait.ge [sflag:s23], $0x1  }
0xa3: {  	[sflag:s23] =	ssyncset.done $0x0  }
0xa4: {  	s25 =	simm.s32 $0x1B8E;
	s24 =	sld [smem:$0x3FFE];
	[sflag:s23] =	ssyncadd.s32 $0xFFFFFFFF  }
0xa5: {  	s26 =	simm.s32 $execute0_lowered;
	[smem:$0x3FD2] =	sst s25  }
0xa6: {  	s5 =	sshll.u32 s26, $0x1;
	_ =	strace $0x8000004C;
	[dreg:$0x1] =	wrdreg $0xFFFFFFFF  }
0xa7: {  	s28 =	simm.s32 $_size_execute0_lowered;
	s3 =	sadd.s32 s3, s5;
	[dreg:$0x0] =	wrdreg $0x0  }
0xa8: {  	s5 =	sshll.u32 s28, $0x1;
	[dreg:$0x2] =	wrdreg s3  }
0xa9: {  	[dreg:$0x3] =	wrdreg s5  }
0xaa: {  	[dreg:$0x4] =	wrdreg $0xC0  }
0xab: {  	_ =	task [dreg:s7], $0x5FFFF  }
0xac: {  	[dreg:$0x1] =	wrdreg $0xFFFFFFFF  }
0xad: {  	[dreg:$0x0] =	wrdreg $0x60  }
0xae: {  	[dreg:$0x2] =	wrdreg s24  }
0xaf: {  	[dreg:$0x3] =	wrdreg s2  }
0xb0: {  	[dreg:$0x4] =	wrdreg $0x0  }
0xb1: {  	[dreg:$0x5] =	wrdreg $0x9  }
0xb2: {  	_ =	task.clear_ibuf [dreg:s7], $0x6FFFF;
	_ =	strace $0x9000004C  }
0xb3: {  	s29 =	simm.s32 $0x9;
	_ =	strace $0x8000004E  }
0xb4: {  	_ =	swait.ge [sflag:s29], $0x1  }
0xb5: {  	[sflag:s29] =	ssyncadd.s32 $0xFFFFFFFF  }
0xb6: {  	_ =	strace $0x9000004E  }
0xb7: {  	_ =	sfence  }
0xb8: {  	s30 =	sld [smem:$0x0];
	_ =	sdelay $0x2  }
0xb9: {  	s31 =	sshll.u32 s1, $0xD;
	s1 =	sshrl.u32 s1, $0x2  }
0xba: {  	s3 =	sand.u32 $0x4000, s31;
	s1 =	sadd.s32 s1, s30  }
0xbb: {  	s0 =	sor.u32 s3, s0;
	s1 =	sshll.u32 s1, $0x11  }
0xbc: {  	s0 =	sor.u32 s1, s0  }
0xbd: {  	s0 =	sadd.s32 $0x8F2B, s0  }
0xbe: {  	[sflag:s0] =	ssyncadd.remote.s32 $0x1  }
0xbf: {  	_ =	sfence.sel $0xFFFF  }
0xc0: {  	[dreg:$0x0] =	wrdreg $0xFFFFFFFF;
	(pc) =	sbr.abs _section_cstart, $3  }
0xc1: {  	[dreg:$0x1] =	wrdreg $0xFFFFFFFF  }
0xc2: {  	_ =	task.clear_ibuf [dreg:s7], $0x2FFFF;
	_ =	strace $0x9FFFFFFF  }
0xc3: {  	(tm) =	ssettm $0x7FFFFFFF  }
tec
execute0_lowered:
.L_overlay_start_1:
0x0: {  	(tag) =	ssettag $0x1  }
0x1: {  	s0 =	rddreg [dreg:$0x0]  }
0x2: {  	s2 =	rddreg [dreg:$0x1]  }
0x3: {  	s1 =	rddreg [dreg:$0x2]  }
0x4: {  	s3 =	simm.s32 $0x0;
	s4 =	srdreg.scid;
	s17 =	stileid.u32  }
0x5: {  	s14 =	simm.s32 $0xA180;
	s15 =	simm.s32 $0x1;
	s19 =	simm.s32 $0x5080  }
0x6: {  	s20 =	simm.s32 $0x9900;
	s21 =	simm.s32 $0x40;
	s22 =	simm.s32 $0xA000  }
0x7: {  	s23 =	simm.s32 $0x7900;
	s24 =	simm.s32 $0x2;
	s25 =	simm.s32 $0xA080  }
0x8: {  	s26 =	simm.s32 $0x0;
	[smem:$0x7FF] =	sst s3;
	s3 =	sadd.s32 $0x11D200, s0  }
0x9: {  	s5 =	sadd.s32 $0x3600, s0;
	s6 =	sadd.s32 $0x36C00, s0;
	s4 =	sand.u32 $0x1, s4  }
0xa: {  	s7 =	sadd.s32 $0x2C00, s0;
	s12 =	smul.u32 $0x14000, s17;
	s8 =	sadd.s32 $0x1E0800, s0  }
0xb: {  	s18 =	sadd.s32 $0x50000, s1;
	s31 =	sshll.u32 s17, $0x6;
	p0 =	sne.s32 s17, $0xF  }
0xc: {  	_ =	strace $0x8000004D;
	s9 =	ssub.s32 $0x2, s4;
	s11 =	sshll.u32 s4, $0x4  }
.Ltmp0:
0xd: {  	s16 =	sor.u32 $0x1C01, s31;
	s10 =	sshrl.u32 s9, $0x1;
	(pc) =	sbr.rel .LBB2_1-.Ltmp0, $4  }
0xe: {  	s11 =	sor.u32 s17, s11;
	s28 =	ssub.s32 s9, s10;
	s9 =	smul.u32 $0xA0, s17  }
0xf: {  	s12 =	sshrl.u32 s12, $0x2;
	s29 =	sshll.u32 s11, $0x2;
	s11 =	smul.u32 $0x14, s11  }
0x10: {  	s18 =	sshrl.u32 @!p0 s18, $0x3;
	s30 =	sadd.s32 s12, s1;
	s12 =	smul.u32 $0x640000, s4  }
0x11: {  	v0 =	vlaneseq.u32;
	s10 =	sadd.s32 s2, s29;
	s13 =	smax.u32 s28, $0x1;
	s17 =	sshrl.u32 s30, $0x3  }
.LBB2_9:
0x12: {  	s26 =	sadd.s32 $0x1, s26  }
0x13: {  	p1 =	sne.s32 s26, s13  }
.Ltmp1:
0x14: {  	_ = 	snop;
	(pc) =	sbr.rel @!p1 .LBB2_10-.Ltmp1, $1  }
0x15: {  	_ =	sdelay $0x3  }
.LBB2_1:
.Ltmp2:
0x16: {  	s0 =	simm.s32 $0x0;
	(pc) =	sbr.rel .LBB2_2-.Ltmp2, $4  }
0x17: {  	[tilespmem:s14], [sflag:$0x1] =	stream.linear.gather [hbm4b:s10+s0], $0x20, $0x38;
	[tilespmem:$0xA200] =	vst v63  }
0x18: {  	_ =	swait.ge [sflag:s15], $0x20  }
0x19: {  	[sflag:s15] =	ssyncset.done $0x0  }
0x1a: {  	s28 =	simm.s32 $0x0;
	[sflag:s15] =	ssyncadd.s32 $0xFFFFFFE0  }
.LBB2_8:
0x1b: {  	s0 =	sadd.s32 s9, s30  }
0x1c: {  	s0 =	sshll.u32 s0, $0x7  }
0x1d: {  	s0 =	sadd.s32 s12, s0  }
0x1e: {  	s28 =	sadd.s32 $0x1, s28;
	s0 =	sshrl.u32 s0, $0x3  }
0x1f: {  	[bflag:$0x0] =	sbarrier.arrive $0xFFFF;
	p1 =	sne.s32 s28, $0x14;
	s0 =	sadd.s32 s8, s0  }
0x20: {  	[hbm:s0], [sflag:s16] =	dma.local [spmem:s17], $0xA00  }
.Ltmp3:
0x21: {  	_ =	swait.ge [sflag:s15], $0xA00;
	(pc) =	sbr.rel @!p1 .LBB2_9-.Ltmp3, $3  }
0x22: {  	[sflag:s15] =	ssyncset.done $0x0  }
0x23: {  	[sflag:s15] =	ssyncadd.s32 $0xFFFFF600  }
0x24: {  	[bflag:$0x0] =	sbarrier.arrive $0xFFFF;
	_ =	sdelay $0x1  }
.LBB2_2:
0x25: {  	[spmem:s17], [sflag:s16] =	dma.local [hbm:s7], $0xA00  }
0x26: {  	_ =	swait.ge [sflag:s15], $0xA00  }
0x27: {  	[sflag:s15] =	ssyncset.done $0x0  }
0x28: {  	s0 =	simm.s32 @!p0 $0x1;
	[sflag:s15] =	ssyncadd.s32 $0xFFFFF600  }
0x29: {  	[spmem:s18], [sflag:s16] =	dma.local @!p0 [hbm:s7], $0x100  }
0x2a: {  	s2 =	smul.u32 $0x500, s28;
	_ =	swait.ge @!p0 [sflag:s0], $0x100  }
0x2b: {  	s29 =	simm.s32 $0x0;
	[sflag:s0] =	ssyncset.done @!p0 $0x0  }
0x2c: {  	s4 =	sadd.s32 s11, s28;
	s2 =	sadd.s32 s5, s2;
	[sflag:s0] =	ssyncadd.s32 @!p0 $0xFFFFFF00  }
0x2d: {  	[tilespmem:s19], [sflag:$0x1] =	stream.linear.gather [hbm4b:s2+s29], $0x2800, $0x38;
	[tilespmem:$0xA200] =	vst v63  }
0x2e: {  	s0 =	smul.u32 $0xE0, s4;
	_ =	swait.ge [sflag:s15], $0x2800  }
0x2f: {  	[sflag:s15] =	ssyncset.done $0x0  }
0x30: {  	s0 =	sadd.s32 s6, s0;
	[sflag:s15] =	ssyncadd.s32 $0xFFFFD800  }
0x31: {  	[tilespmem:s20], [sflag:$0x1] =	stream.linear.gather [hbm4b:s0+s29], $0x700, $0x38;
	[tilespmem:$0xA200] =	vst v63  }
0x32: {  	_ =	swait.ge [sflag:s15], $0x700  }
0x33: {  	[sflag:s15] =	ssyncset.done $0x0  }
0x34: {  	[sflag:s15] =	ssyncadd.s32 $0xFFFFF900  }
0x35: {  	[bflag:$0x0] =	sbarrier.arrive $0xFFFF  }
0x36: {  	v1 =	vld [tilespmem:s28+$0xA180];
	_ =	sdelay $0x4  }
0x37: {  	(v2sf) =	vpush v1, $0x0;
	_ =	sdelay $0xa  }
.Ltmp4:
0x38: {  	_ = 	snop;
	(pc) =	sbr.rel .LBB2_3-.Ltmp4, $3  }
0x39: {  	_ =	sdelay $0x1  }
0x3a: {  	s30 =	smul.u32 $0xA00, s28  }
0x3b: {  	v1 =	vbroadcast v1, $0x0;
	s31 =	spop (v2sf)  }
.LBB2_6:
0x3c: {  	v2 =	vld [tilespmem:s2+$0xA100];
	_ =	sdelay $0x4  }
0x3d: {  	(v2sf) =	vpush v2, $0x0;
	_ =	sdelay $0xe  }
0x3e: {  	s4 =	spop (v2sf)  }
0x3f: {  	s0 =	sadd.s32 $0x80, s0;
	s2 =	sshll.u32 s4, $0x4  }
0x40: {  	v2 =	vld [tilespmem:s0+$0x20];
	s2 =	sshra.s32 s2, $0x2  }
0x41: {  	v3 =	vld [tilespmem:s2+$0x5080];
	_ =	sdelay $0x4  }
0x42: {  	v2 =	vadd.f32 v3, v2;
	_ =	sdelay $0x1  }
0x43: {  	v3 =	vmul.f32 $2.000000030e-01, v2  }
0x44: {  	vm0 =	vgt.f32 v2, $0.0e+00  }
0x45: {  	v2 =	vsel vm0, v2, v3  }
0x46: {  	v2 =	vmul.f32 $1.442695020e+00, v2;
	_ =	sdelay $0x1  }
0x47: {  	(erf) = vpow2.f32 v2;
	_ =	sdelay $0x6  }
0x48: {  	v2 =	vld [tilespmem:s0+$0xFFFFFFE0]  }
0x49: {  	v3 =	vld [tilespmem:s0+$0xFFFFFFF0]  }
0x4a: {  	v4 =	vld [tilespmem:s0+$0x0];
	v5 =	vpop (erf)  }
0x4b: {  	v6 =	vld [tilespmem:s0+$0x10];
	v7 =	vbroadcast v5, $0x0;
	_ =	sdelay $0x1  }
0x4c: {  	v2 =	vmul.f32 v7, v2  }
0x4d: {  	[tilespmem:s0+$0x20] =	vst v5;
	v3 =	vmul.f32 v7, v3  }
0x4e: {  	v4 =	vmul.f32 v7, v4;
	[tilespmem:s0+$0xFFFFFFE0] =	vst v2  }
0x4f: {  	v2 =	vmul.f32 v6, v7;
	[tilespmem:s0+$0xFFFFFFF0] =	vst v3  }
0x50: {  	[tilespmem:s0+$0x0] =	vst v4  }
0x51: {  	[tilespmem:s0+$0x10] =	vst v2  }
0x52: {  	[spmem:s1] =	stream.indirect.scatter.add.f32 [tilespmem:s23], [sflag:$0x1], $0x80, s25, s21, $0xb8;
	[tilespmem:$0xA200] =	vst v63  }
0x53: {  	_ =	swait.ge [sflag:s15], $0x2000  }
0x54: {  	[sflag:s15] =	ssyncset.done $0x0  }
0x55: {  	[sflag:s15] =	ssyncadd.s32 $0xFFFFE000  }
.LBB2_7:
0x56: {  	s29 =	sadd.s32 $0x1, s29  }
0x57: {  	p1 =	sne.s32 s29, $0x1C  }
.Ltmp5:
0x58: {  	_ = 	snop;
	(pc) =	sbr.rel @!p1 .LBB2_8-.Ltmp5, $1  }
0x59: {  	_ =	sdelay $0x3  }
.LBB2_3:
0x5a: {  	s0 =	sshll.u32 s29, $0x6  }
0x5b: {  	p1 =	sge.s32 s0, s31  }
.Ltmp6:
0x5c: {  	_ = 	snop;
	(pc) =	sbr.rel @p1 .LBB2_7-.Ltmp6, $1  }
0x5d: {  	_ =	sdelay $0x3  }
0x5e: {  	v2 =	vld [tilespmem:s0+$0x9900];
	_ =	sdelay $0x3  }
0x5f: {  	v3 =	vor.u32 s0, v0  }
0x60: {  	vm0 =	vlt.s32 v3, v1;
	v3 =	vand.u32 $0xFFFF, v2  }
0x61: {  	v2 =	vshra.s32 v2, $0x10;
	v3 =	vnsel vm0, $0x0, v3  }
0x62: {  	v2 =	vnsel vm0, $0xA00, v2;
	[tilespmem:$0xA000] =	vst v3  }
0x63: {  	[tilespmem:$0xA080] =	vst v2  }
0x64: {  	[tilespmem:$0xA100] =	vst v2  }
0x65: {  	v2 =	vld [tilespmem:s0+$0x9910];
	_ =	sdelay $0x2  }
0x66: {  	s2 =	sor.u32 $0x10, s0  }
0x67: {  	v3 =	vor.u32 s2, v0  }
0x68: {  	vm12 =	vlt.s32 v3, v1;
	v3 =	vand.u32 $0xFFFF, v2  }
0x69: {  	v2 =	vshra.s32 v2, $0x10;
	v3 =	vnsel vm12, $0x0, v3  }
0x6a: {  	v2 =	vnsel vm12, $0xA00, v2;
	[tilespmem:$0xA010] =	vst v3  }
0x6b: {  	[tilespmem:$0xA090] =	vst v2  }
0x6c: {  	[tilespmem:$0xA110] =	vst v2  }
0x6d: {  	v2 =	vld [tilespmem:s0+$0x9920];
	_ =	sdelay $0x2  }
0x6e: {  	s4 =	sor.u32 $0x20, s0  }
0x6f: {  	v3 =	vor.u32 s4, v0  }
0x70: {  	vm13 =	vlt.s32 v3, v1;
	v3 =	vand.u32 $0xFFFF, v2  }
0x71: {  	v2 =	vshra.s32 v2, $0x10;
	v3 =	vnsel vm13, $0x0, v3  }
0x72: {  	v2 =	vnsel vm13, $0xA00, v2;
	[tilespmem:$0xA020] =	vst v3  }
0x73: {  	[tilespmem:$0xA0A0] =	vst v2  }
0x74: {  	[tilespmem:$0xA120] =	vst v2  }
0x75: {  	v2 =	vld [tilespmem:s0+$0x9930];
	_ =	sdelay $0x2  }
0x76: {  	s4 =	sor.u32 $0x30, s0  }
0x77: {  	v3 =	vor.u32 s4, v0  }
0x78: {  	vm14 =	vlt.s32 v3, v1;
	v3 =	vand.u32 $0xFFFF, v2  }
0x79: {  	v2 =	vshra.s32 v2, $0x10;
	v3 =	vnsel vm14, $0x0, v3  }
0x7a: {  	v2 =	vnsel vm14, $0xA00, v2;
	[tilespmem:$0xA030] =	vst v3  }
0x7b: {  	[tilespmem:$0xA0B0] =	vst v2  }
0x7c: {  	[tilespmem:$0xA130] =	vst v2  }
0x7d: {  	[tilespmem:s23], [sflag:$0x2] =	stream.indirect.gather [hbm4b:s3+s21], $0x80, s22, s21, $0xb8;
	[tilespmem:$0xA200] =	vst v63  }
0x7e: {  	_ =	swait.ge [sflag:s24], $0x2000  }
0x7f: {  	[sflag:s24] =	ssyncset.done $0x0  }
0x80: {  	s2 =	simm.s32 $0x0;
	[sflag:s24] =	ssyncadd.s32 $0xFFFFE000  }
0x81: {  	v2 =	vld [tilespmem:s2+$0xA100];
	_ =	sdelay $0x4  }
0x82: {  	(v2sf) =	vpush v2, $0x0;
	_ =	sdelay $0xe  }
0x83: {  	s4 =	spop (v2sf)  }
0x84: {  	s0 =	simm.s32 $0x7920;
	s2 =	sshll.u32 s4, $0x4  }
0x85: {  	v2 =	vld [tilespmem:s0+$0x20];
	s2 =	sshra.s32 s2, $0x2  }
0x86: {  	v3 =	vld [tilespmem:s2+$0x5080];
	_ =	sdelay $0x4  }
0x87: {  	v2 =	vadd.f32 v3, v2;
	_ =	sdelay $0x1  }
0x88: {  	v3 =	vmul.f32 $2.000000030e-01, v2  }
0x89: {  	vm15 =	vgt.f32 v2, $0.0e+00  }
0x8a: {  	v2 =	vsel vm15, v2, v3  }
0x8b: {  	v2 =	vmul.f32 $1.442695020e+00, v2;
	_ =	sdelay $0x1  }
0x8c: {  	(erf) = vpow2.f32 v2;
	_ =	sdelay $0x6  }
0x8d: {  	v2 =	vld [tilespmem:s0+$0xFFFFFFE0]  }
0x8e: {  	v3 =	vld [tilespmem:s0+$0xFFFFFFF0]  }
0x8f: {  	v4 =	vld [tilespmem:s0+$0x0];
	v5 =	vpop (erf)  }
0x90: {  	v6 =	vld [tilespmem:s0+$0x10];
	v7 =	vbroadcast v5, $0x0;
	_ =	sdelay $0x1  }
0x91: {  	v2 =	vmul.f32 v7, v2  }
0x92: {  	[tilespmem:s0+$0x20] =	vst v5;
	v3 =	vmul.f32 v7, v3  }
0x93: {  	v4 =	vmul.f32 v7, v4;
	[tilespmem:s0+$0xFFFFFFE0] =	vst v2  }
0x94: {  	v2 =	vmul.f32 v6, v7;
	[tilespmem:s0+$0xFFFFFFF0] =	vst v3  }
0x95: {  	[tilespmem:s0+$0x0] =	vst v4  }
0x96: {  	s4 =	simm.s32 $0x8;
	s2 =	simm.s32 $0x1;
	[tilespmem:s0+$0x10] =	vst v2  }
.LBB2_5:
0x97: {  	p1 =	sne.s32 s4, $0xFC;
	v2 =	vld [tilespmem:s2+$0xA100];
	_ =	sdelay $0x4  }
0x98: {  	(v2sf) =	vpush v2, $0x0;
	_ =	sdelay $0xe  }
0x99: {  	s2 =	spop (v2sf)  }
0x9a: {  	s0 =	sadd.s32 $0x80, s0;
	s2 =	sshll.u32 s2, $0x4  }
0x9b: {  	v2 =	vld [tilespmem:s0+$0x20];
	s2 =	sshra.s32 s2, $0x2  }
0x9c: {  	v3 =	vld [tilespmem:s2+$0x5080];
	_ =	sdelay $0x4  }
0x9d: {  	v2 =	vadd.f32 v3, v2;
	_ =	sdelay $0x1  }
0x9e: {  	v3 =	vmul.f32 $2.000000030e-01, v2  }
0x9f: {  	vm0 =	vgt.f32 v2, $0.0e+00  }
0xa0: {  	v2 =	vsel vm0, v2, v3  }
0xa1: {  	v2 =	vmul.f32 $1.442695020e+00, v2;
	_ =	sdelay $0x1  }
0xa2: {  	(erf) = vpow2.f32 v2;
	_ =	sdelay $0x4  }
0xa3: {  	v2 =	vld [tilespmem:s0+$0xFFFFFFF0]  }
0xa4: {  	v3 =	vld [tilespmem:s0+$0x10]  }
0xa5: {  	v4 =	vld [tilespmem:s0+$0xFFFFFFE0]  }
0xa6: {  	v5 =	vld [tilespmem:s0+$0x0]  }
0xa7: {  	v6 =	vpop (erf)  }
0xa8: {  	[tilespmem:s0+$0x20] =	vst v6;
	v6 =	vbroadcast v6, $0x0;
	_ =	sdelay $0x1  }
0xa9: {  	v4 =	vmul.f32 v6, v4;
	v2 =	vmul.f32 v6, v2  }
.Ltmp7:
0xaa: {  	v3 =	vmul.f32 v3, v6;
	v5 =	vmul.f32 v6, v5;
	(pc) =	sbr.rel @p1 .LBB2_5-.Ltmp7, $4  }
0xab: {  	[tilespmem:s0+$0xFFFFFFE0] =	vst v4  }
0xac: {  	[tilespmem:s0+$0xFFFFFFF0] =	vst v2  }
0xad: {  	[tilespmem:s0+$0x0] =	vst v5  }
0xae: {  	s2 =	sshra.s32 s4, $0x2;
	s4 =	sadd.s32 $0x4, s4;
	[tilespmem:s0+$0x10] =	vst v3  }
.Ltmp8:
0xaf: {  	_ = 	snop;
	(pc) =	sbr.rel .LBB2_6-.Ltmp8, $1  }
0xb0: {  	_ =	sdelay $0x3  }
.LBB2_10:
0xb1: {  	_ =	sfence.sel $0x180000  }
0xb2: {  	[bflag:$0x0] =	sbarrier.arrive $0xFFFF  }
0xb3: {  	_ =	strace $0x9000004D  }
0xb4: {  	s0 =	stileid.u32;
	[bflag:$0x2] =	sbarrier.arrive $0xFFFF  }
0xb5: {  	p0 =	sne.s32 s0, $0x0;
	s0 =	rddreg [dreg:$0x3]  }
0xb6: {  	s0 =	sadd.s32 @!p0 $0x100000, s0  }
0xb7: {  	[sflag:s0] =	ssyncadd.tile.s32 @!p0 $0x1;
	_ =	shalt  }
.Lfunc_end2:
_tile_overlayer_lowered:
.L_overlay_start_2:
0xb8: {  	(tag) =	ssettag $0x2  }
0xb9: {  	s0 =	rddreg [dreg:$0x0];
	s2 =	stileid.u32  }
0xba: {  	s1 =	rddreg [dreg:$0x1];
	p0 =	sne.s32 s2, $0x0  }
0xbb: {  	s3 =	rddreg [dreg:$0x2];
	[bflag:$0x3] =	sbarrier.arrive $0xFFFF;
	s2 =	simm.s32 @!p0 $0x1C01  }
0xbc: {  	[timem:s3], [sflag:s2] =	dma.local @!p0 [hbm:s0], s1  }
0xbd: {  	s0 =	simm.s32 @!p0 $0x1  }
0xbe: {  	_ =	swait.ge @!p0 [sflag:s0], s1  }
0xbf: {  	s1 =	ssub.s32 @!p0 $0x0, s1;
	[sflag:s0] =	ssyncset.done @!p0 $0x0  }
0xc0: {  	[sflag:s0] =	ssyncadd.s32 @!p0 s1  }
0xc1: {  	[bflag:$0x3] =	sbarrier.arrive $0xFFFF  }
0xc2: {  	_ =	shalt  }

// kernel: kernel.18.cloned.1.call-start
scs
__scs_entry_jumppad:
0x0: {  	(pc) =	sbr.rel $0x88, $3  }
0x1: {  	(tag) =	ssettag $0x0;
	lr =	simm.s32 $0x1  }
0x2: {  	[smem:$0x3F98] =	sst lr;
	_ =	strace $0xD0000000  }
0x3: {  	_ = 	snop  }
0x4: {  	_ = 	snop  }
0x5: {  	_ = 	snop  }
0x6: {  	_ = 	snop  }
0x7: {  	_ = 	snop  }
__scs_overlays_trampoline_lowered:
0x8: {  	[smem:$0x3FA7] =	sst s0  }
0x9: {  	[smem:$0x3FA8] =	sst s1  }
0xa: {  	[smem:$0x3FA9] =	sst s2  }
0xb: {  	[smem:$0x3FAA] =	sst s3  }
0xc: {  	[smem:$0x3FAB] =	sst s4  }
0xd: {  	[smem:$0x3FAC] =	sst s5  }
0xe: {  	[smem:$0x3FAD] =	sst s6  }
0xf: {  	[smem:$0x3FAE] =	sst s7  }
0x10: {  	[smem:$0x3FAF] =	sst s8  }
0x11: {  	[smem:$0x3FB0] =	sst s9;
	s0 =	simm.s32 @!p0 $0x0  }
0x12: {  	s1 =	sld [smem:$0x3F96];
	s0 =	simm.s32 @p0 $0x1  }
0x13: {  	[smem:$0x3FB1] =	sst s0;
	s0 =	simm.s32 @!p1 $0x0  }
0x14: {  	s2 =	sld [smem:$0x3F95];
	s0 =	simm.s32 @p1 $0x1  }
0x15: {  	[smem:$0x3FB2] =	sst s0;
	s0 =	simm.s32 @!p2 $0x0  }
0x16: {  	s3 =	sld [smem:$0x3FDB];
	s0 =	simm.s32 @p2 $0x1  }
0x17: {  	s4 =	simm.s32 $0x1BF5;
	[smem:$0x3FB4] =	sst s0  }
0x18: {  	s0 =	sld [smem:$0x3F97];
	_ =	swait.ge [sflag:s4], $0x0  }
0x19: {  	s7 =	sld [smem:$0x3F98]  }
0x1a: {  	s8 =	sadd.s32 $0xFFFFE003, lr  }
0x1b: {  	s9 =	sadd.s32 $0xFFFFFEF7, lr;
	s5 =	simm.s32 $0xFFFFFFFF;
	p2 =	slt.u32 s8, $0xFFFFF086  }
0x1c: {  	p1 =	slt.u32 s9, $0xF7A;
	s5 =	simm.s32 @!p2 $0x0  }
0x1d: {  	s5 =	simm.s32 @p1 $0x1;
	p0 =	seq.s32 s7, s2  }
0x1e: {  	s7 =	smul.u32 @!p0 $0xF7A, s2;
	p2 =	seq.s32 @!p0 s5, $0x0  }
0x1f: {  	s9 =	smul.u32 $0xF7A, s1;
	s8 =	simm.s32 @!p0 $0x1BF5;
	p2 =	por !p2, p0  }
0x20: {  	[sflag:s8] =	ssyncset.s32 @!p0 $0xFFFFF086;
	s6 =	sadd.s32 @!p0 s3, s7;
	s7 =	simm.s32 @!p0 $0x108  }
0x21: {  	s3 =	sadd.s32 s3, s9;
	s6 =	sadd.s32 @!p0 $0x88, s6;
	s7 =	simm.s32 @p2 $0x1082  }
0x22: {  	[simem:s7], [sflag:s8] =	dma.local @!p0 [hbm:s6], $0xF7A  }
0x23: {  	s9 =	sor.u32 $0xD0000000, s2;
	s6 =	simm.s32 $0x108;
	_ =	swait.ge @!p0 [sflag:s8], $0x0  }
0x24: {  	s3 =	sadd.s32 $0x88, s3;
	s6 =	simm.s32 @!p1 $0x1082;
	[sflag:s4] =	ssyncset.s32 $0xFFFFF086  }
0x25: {  	[simem:s6], [sflag:s4] =	dma.local [hbm:s3], $0xF7A  }
0x26: {  	[smem:$0x3F98] =	sst s1;
	(tag) =	ssettag s2;
	_ =	strace s9  }
0x27: {  	s1 =	sld [smem:$0x3FA8]  }
0x28: {  	s2 =	sld [smem:$0x3FA9]  }
0x29: {  	s4 =	sld [smem:$0x3FAB]  }
0x2a: {  	p0 =	seq.s32 s5, $0x0;
	s5 =	sld [smem:$0x3FAC]  }
0x2b: {  	s6 =	sld [smem:$0x3FAD]  }
0x2c: {  	s7 =	sld [smem:$0x3FAE]  }
0x2d: {  	s3 =	simm.s32 $0x108;
	s8 =	sld [smem:$0x3FAF]  }
0x2e: {  	s3 =	simm.s32 @!p0 $0x1082;
	s9 =	sld [smem:$0x3FB0]  }
0x2f: {  	lr =	sadd.s32 s0, s3;
	s0 =	sld [smem:$0x3FA7]  }
0x30: {  	s3 =	sld [smem:$0x3FAA]  }
0x31: {  	[smem:$0x3FB3] =	sst s10  }
0x32: {  	s10 =	sld [smem:$0x3FB1];
	_ =	sdelay $0x3  }
0x33: {  	p0 =	seq.s32 s10, $0x1;
	s10 =	sld [smem:$0x3FB3];
	_ =	sdelay $0x3  }
0x34: {  	[smem:$0x3FB3] =	sst s10  }
0x35: {  	s10 =	sld [smem:$0x3FB2];
	_ =	sdelay $0x3  }
0x36: {  	p1 =	seq.s32 s10, $0x1;
	s10 =	sld [smem:$0x3FB3];
	_ =	sdelay $0x3  }
0x37: {  	[smem:$0x3FB3] =	sst s10  }
0x38: {  	s10 =	sld [smem:$0x3FB4]  }
0x39: {  	_ = 	snop;
	(pc) =	sbr.ind lr, $3  }
0x3a: {  	_ = 	snop  }
0x3b: {  	_ = 	snop  }
0x3c: {  	p2 =	seq.s32 s10, $0x1;
	s10 =	sld [smem:$0x3FB3]  }
0x3d: {  	_ =	shalt  }
0x3e: {  	_ =	shalt  }
0x3f: {  	_ =	shalt  }
0x40: {  	_ =	shalt  }
0x41: {  	_ =	shalt  }
0x42: {  	_ =	shalt  }
0x43: {  	_ =	shalt  }
0x44: {  	_ =	shalt  }
0x45: {  	_ =	shalt  }
0x46: {  	_ =	shalt  }
0x47: {  	_ =	shalt  }
0x48: {  	_ =	shalt  }
0x49: {  	_ =	shalt  }
0x4a: {  	_ =	shalt  }
0x4b: {  	_ =	shalt  }
0x4c: {  	_ =	shalt  }
0x4d: {  	_ =	shalt  }
0x4e: {  	_ =	shalt  }
0x4f: {  	_ =	shalt  }
0x50: {  	_ =	shalt  }
0x51: {  	_ =	shalt  }
0x52: {  	_ =	shalt  }
0x53: {  	_ =	shalt  }
0x54: {  	_ =	shalt  }
0x55: {  	_ =	shalt  }
0x56: {  	_ =	shalt  }
0x57: {  	_ =	shalt  }
0x58: {  	_ =	shalt  }
0x59: {  	_ =	shalt  }
0x5a: {  	_ =	shalt  }
0x5b: {  	_ =	shalt  }
0x5c: {  	_ =	shalt  }
0x5d: {  	_ =	shalt  }
0x5e: {  	_ =	shalt  }
0x5f: {  	_ =	shalt  }
0x60: {  	_ =	shalt  }
0x61: {  	_ =	shalt  }
0x62: {  	_ =	shalt  }
0x63: {  	_ =	shalt  }
0x64: {  	_ =	shalt  }
0x65: {  	_ =	shalt  }
0x66: {  	_ =	shalt  }
0x67: {  	_ =	shalt  }
0x68: {  	_ =	shalt  }
0x69: {  	_ =	shalt  }
0x6a: {  	_ =	shalt  }
0x6b: {  	_ =	shalt  }
0x6c: {  	_ =	shalt  }
0x6d: {  	_ =	shalt  }
0x6e: {  	_ =	shalt  }
0x6f: {  	_ =	shalt  }
0x70: {  	_ =	shalt  }
0x71: {  	_ =	shalt  }
0x72: {  	_ =	shalt  }
0x73: {  	_ =	shalt  }
0x74: {  	_ =	shalt  }
0x75: {  	_ =	shalt  }
0x76: {  	_ =	shalt  }
0x77: {  	_ =	shalt  }
0x78: {  	_ =	shalt  }
0x79: {  	_ =	shalt  }
0x7a: {  	_ =	shalt  }
0x7b: {  	_ =	shalt  }
0x7c: {  	_ =	shalt  }
0x7d: {  	_ =	shalt  }
0x7e: {  	_ =	shalt  }
0x7f: {  	_ =	shalt  }
0x80: {  	_ =	shalt  }
0x81: {  	_ =	shalt  }
0x82: {  	_ =	shalt  }
0x83: {  	_ =	shalt  }
0x84: {  	_ =	shalt  }
0x85: {  	_ =	shalt  }
0x86: {  	_ =	shalt  }
0x87: {  	_ =	shalt  }
.Lfunc_end0:
.L_simem_size_0:
called_computation.3_lowered:
.L_overlay_start_0:
0x88: {  	s2 =	sld [smem:$0x3FD9]  }
0x89: {  	s3 =	sld [smem:$0x3FFE];
	_ =	sdelay $0x1  }
0x8a: {  	s1 =	srdreg.scid  }
0x8b: {  	s0 =	sand.u32 $0x1, s1  }
0x8c: {  	s17 =	sshll.u32 s0, $0xA;
	s2 =	sadd.s32 s3, s2  }
0x8d: {  	s2 =	sadd.s32 s2, s17  }
0x8e: {  	[smem:$0x3FBF] =	sst s2  }
0x8f: {  	_ = 	snop  }
0x90: {  	s2 =	sld [smem:$0x3FC2]  }
0x91: {  	s18 =	sld [smem:$0x3FD0];
	(tm) =	ssettm $0x1  }
0x92: {  	s4 =	sld [smem:$0x3FFB];
	_ =	sdelay $0x3  }
0x93: {  	_ =	strace s4  }
0x94: {  	s4 =	sld [smem:$0x3FFC];
	_ =	sdelay $0x3  }
0x95: {  	_ =	strace s4  }
0x96: {  	s4 =	sld [smem:$0x3FFD];
	_ =	sdelay $0x3  }
0x97: {  	_ =	strace s4  }
0x98: {  	_ =	strace $0x8FFFFFFF  }
0x99: {  	s19 =	sld [smem:$0x3FDB];
	_ =	sdelay $0x1  }
0x9a: {  	s5 =	simm.s32 $_scs_section_size  }
0x9b: {  	s6 =	simm.s32 $_size__tile_overlayer_lowered;
	s7 =	simm.s32 $_tile_overlayer_lowered  }
0x9c: {  	s22 =	simm.s32 $0x1BFF;
	s21 =	sshll.u32 s7, $0x1;
	s4 =	sadd.s32 s5, s19  }
0x9d: {  	s8 =	simm.s32 $0x0;
	s20 =	sshll.u32 s6, $0x1;
	s6 =	sadd.s32 s21, s4  }
0x9e: {  	[timem:s8], [sflag:s22] =	dma.local [hbm:s6], s20  }
0x9f: {  	_ =	swait.ge [sflag:s22], s20  }
0xa0: {  	s5 =	ssub.s32 $0x0, s20;
	[sflag:s22] =	ssyncset.done $0x0  }
0xa1: {  	[sflag:s22] =	ssyncadd.s32 s5;
	_ =	sdelay $0x1  }
0xa2: {  	s23 =	simm.s32 $0x1B8B  }
0xa3: {  	_ =	swait.ge [sflag:s23], $0x1  }
0xa4: {  	[sflag:s23] =	ssyncset.done $0x0  }
0xa5: {  	s25 =	simm.s32 $0x1B8E;
	s24 =	sld [smem:$0x3FFE];
	[sflag:s23] =	ssyncadd.s32 $0xFFFFFFFF  }
0xa6: {  	s26 =	simm.s32 $execute0_lowered;
	[smem:$0x3FD2] =	sst s25  }
0xa7: {  	s6 =	sshll.u32 s26, $0x1;
	_ =	strace $0x8000004F;
	[dreg:$0x1] =	wrdreg $0xFFFFFFFF  }
0xa8: {  	s28 =	simm.s32 $_size_execute0_lowered;
	s4 =	sadd.s32 s4, s6;
	[dreg:$0x0] =	wrdreg $0x0  }
0xa9: {  	s6 =	sshll.u32 s28, $0x1;
	[dreg:$0x2] =	wrdreg s4  }
0xaa: {  	[dreg:$0x3] =	wrdreg s6  }
0xab: {  	[dreg:$0x4] =	wrdreg $0xC0  }
0xac: {  	_ =	task [dreg:s8], $0x5FFFF  }
0xad: {  	[dreg:$0x1] =	wrdreg $0xFFFFFFFF  }
0xae: {  	[dreg:$0x0] =	wrdreg $0x60  }
0xaf: {  	[dreg:$0x2] =	wrdreg s24  }
0xb0: {  	[dreg:$0x3] =	wrdreg s2  }
0xb1: {  	[dreg:$0x4] =	wrdreg s18  }
0xb2: {  	[dreg:$0x5] =	wrdreg $0x9  }
0xb3: {  	_ =	task.clear_ibuf [dreg:s8], $0x6FFFF;
	_ =	strace $0x9000004F  }
0xb4: {  	s29 =	simm.s32 $0x9;
	_ =	strace $0x80000051  }
0xb5: {  	_ =	swait.ge [sflag:s29], $0x1  }
0xb6: {  	[sflag:s29] =	ssyncadd.s32 $0xFFFFFFFF  }
0xb7: {  	_ =	strace $0x90000051  }
0xb8: {  	_ =	sfence  }
0xb9: {  	s30 =	sld [smem:$0x0];
	_ =	sdelay $0x2  }
0xba: {  	s31 =	sshll.u32 s1, $0xD;
	s1 =	sshrl.u32 s1, $0x2  }
0xbb: {  	s3 =	sand.u32 $0x4000, s31;
	s1 =	sadd.s32 s1, s30  }
0xbc: {  	s0 =	sor.u32 s3, s0;
	s1 =	sshll.u32 s1, $0x11  }
0xbd: {  	s0 =	sor.u32 s1, s0  }
0xbe: {  	s0 =	sadd.s32 $0x8F2B, s0  }
0xbf: {  	[sflag:s0] =	ssyncadd.remote.s32 $0x1  }
0xc0: {  	_ =	sfence.sel $0xFFFF  }
0xc1: {  	[dreg:$0x0] =	wrdreg $0xFFFFFFFF;
	(pc) =	sbr.abs _section_cstart, $3  }
0xc2: {  	[dreg:$0x1] =	wrdreg $0xFFFFFFFF  }
0xc3: {  	_ =	task.clear_ibuf [dreg:s8], $0x2FFFF;
	_ =	strace $0x9FFFFFFF  }
0xc4: {  	(tm) =	ssettm $0x7FFFFFFF  }
0xc5: {  	_ =	shalt  }
tec
execute0_lowered:
.L_overlay_start_1:
0x0: {  	(tag) =	ssettag $0x1  }
0x1: {  	s4 =	rddreg [dreg:$0x0]  }
0x2: {  	s1 =	rddreg [dreg:$0x1]  }
0x3: {  	s2 =	rddreg [dreg:$0x2]  }
0x4: {  	s0 =	rddreg [dreg:$0x3];
	s3 =	simm.s32 $0x0  }
0x5: {  	s5 =	srdreg.scid;
	s10 =	simm.s32 $0x80;
	s11 =	simm.s32 $0x20  }
0x6: {  	s12 =	simm.s32 $0x100;
	s13 =	simm.s32 $0x1100;
	s14 =	simm.s32 $0x2100  }
0x7: {  	s15 =	simm.s32 $0x0;
	[smem:$0x7FF] =	sst s3;
	s7 =	sand.u32 $0x1, s5  }
0x8: {  	s5 =	sadd.s32 $0x11D200, s4;
	s6 =	sadd.s32 $0x9A00, s4;
	s8 =	ssub.s32 $0x2, s7  }
0x9: {  	s4 =	stileid.u32;
	_ =	strace $0x80000050;
	s9 =	sshrl.u32 s8, $0x1  }
0xa: {  	s7 =	sshll.u32 s7, $0x8;
	s31 =	sshll.u32 s4, $0x4;
	s8 =	ssub.s32 s8, s9  }
0xb: {  	v0 =	vimm.f32 $0.0e+00;
	s7 =	sor.u32 s31, s7;
	s9 =	simm.s32 $0x1;
	s8 =	smax.u32 s8, $0x1  }
.LBB2_1:
0xc: {  	[tilespmem:$0x2180] =	vst v0  }
0xd: {  	[tilespmem:$0x2198] =	vst v0;
	s16 =	simm.s32 $0x0  }
.LBB2_2:
0xe: {  	s17 =	sshll.u32 s16, $0x2  }
0xf: {  	s17 =	sadd.s32 s7, s17  }
0x10: {  	s19 =	simm.s32 $0x0;
	s18 =	sadd.s32 s1, s17  }
0x11: {  	[tilespmem:s19], [sflag:$0x1] =	stream.linear.gather [hbm4b:s18+s19], $0x20, $0x38;
	[tilespmem:$0x2200] =	vst v63  }
0x12: {  	_ =	swait.ge [sflag:s9], $0x20  }
0x13: {  	[sflag:s9] =	ssyncset.done $0x0  }
0x14: {  	s30 =	sadd.s32 s6, s17;
	[sflag:s9] =	ssyncadd.s32 $0xFFFFFFE0  }
0x15: {  	[tilespmem:s10], [sflag:$0x1] =	stream.linear.gather [hbm4b:s30+s19], $0x20, $0x38;
	[tilespmem:$0x2200] =	vst v63  }
0x16: {  	_ =	swait.ge [sflag:s9], $0x20  }
0x17: {  	[sflag:s9] =	ssyncset.done $0x0  }
0x18: {  	[sflag:s9] =	ssyncadd.s32 $0xFFFFFFE0  }
0x19: {  	[tilespmem:s12], [sflag:$0x1] =	stream.indirect.gather [hbm4b:s5+s11], $0x80, s19, s11, $0xb8;
	[tilespmem:$0x2200] =	vst v63  }
0x1a: {  	_ =	swait.ge [sflag:s9], $0x1000  }
0x1b: {  	[sflag:s9] =	ssyncset.done $0x0  }
0x1c: {  	[sflag:s9] =	ssyncadd.s32 $0xFFFFF000  }
0x1d: {  	[tilespmem:s13], [sflag:$0x1] =	stream.indirect.gather [hbm4b:s5+s11], $0x80, s10, s11, $0xb8;
	[tilespmem:$0x2200] =	vst v63  }
0x1e: {  	_ =	swait.ge [sflag:s9], $0x1000  }
0x1f: {  	[sflag:s9] =	ssyncset.done $0x0  }
0x20: {  	s31 =	simm.s32 $0x0;
	[sflag:s9] =	ssyncadd.s32 $0xFFFFF000  }
0x21: {  	v1 =	vld [tilespmem:s31+$0x1110]  }
0x22: {  	v2 =	vld [tilespmem:s31+$0x100]  }
0x23: {  	v3 =	vld [tilespmem:s31+$0x110]  }
0x24: {  	v4 =	vld [tilespmem:s31+$0x1100]  }
0x25: {  	v5 =	vld [tilespmem:s31+$0x1120]  }
0x26: {  	v6 =	vld [tilespmem:s31+$0x120]  }
0x27: {  	v7 =	vld [tilespmem:s31+$0x1130]  }
0x28: {  	v8 =	vld [tilespmem:s31+$0x130]  }
0x29: {  	v1 =	vmul.f32 v1, v3;
	v2 =	vmul.f32 v4, v2;
	_ =	sdelay $0x1  }
0x2a: {  	v3 =	vmul.f32 v5, v6;
	v1 =	vadd.f32 v1, v2;
	_ =	sdelay $0x1  }
0x2b: {  	v2 =	vmul.f32 v7, v8;
	v1 =	vadd.f32 v3, v1;
	_ =	sdelay $0x1  }
0x2c: {  	v1 =	vadd.f32 v2, v1;
	_ =	sdelay $0x1  }
0x2d: {  	[tilespmem:$0x2188] =	vst v1  }
0x2e: {  	v2 =	vld [tilespmem:$0x2187];
	_ =	sdelay $0x4  }
0x2f: {  	v1 =	vadd.f32 v2, v1;
	_ =	sdelay $0x1  }
0x30: {  	[tilespmem:$0x2188] =	vst v1  }
0x31: {  	v2 =	vld [tilespmem:$0x2186];
	_ =	sdelay $0x4  }
0x32: {  	v1 =	vadd.f32 v2, v1;
	_ =	sdelay $0x1  }
0x33: {  	[tilespmem:$0x2188] =	vst v1  }
0x34: {  	v2 =	vld [tilespmem:$0x2184];
	_ =	sdelay $0x4  }
0x35: {  	v1 =	vadd.f32 v2, v1;
	_ =	sdelay $0x1  }
0x36: {  	[tilespmem:$0x2188] =	vst v1  }
0x37: {  	(v2sf) =	vpush v1, $0xF;
	v1 =	vld [tilespmem:$0x2180];
	_ =	sdelay $0x4  }
0x38: {  	(v2sf) =	vpush v1, $0xF;
	_ =	sdelay $0xc  }
0x39: {  	s20 =	simm.s32 $0x200  }
0x3a: {  	s18 =	simm.s32 $0x2100;
	s19 =	simm.s32 $0x2100;
	s21 =	spop (v2sf)  }
.LBB2_3:
0x3b: {  	p0 =	sne.s32 s20, $0x3E00;
	s18 =	sadd.s32 $0x1, s18;
	s22 =	spop (v2sf)  }
0x3c: {  	s21 =	sadd.f32 s22, s21;
	s22 =	smov.u32 s20;
	s20 =	sadd.s32 $0x200, s20  }
0x3d: {  	_ = 	snop  }
0x3e: {  	v1 =	vmov s21  }
0x3f: {  	s21 =	sshra.s32 s22, $0x2;
	[tilespmem:s19+$0x0] =	vst v1;
	s19 =	smov.u32 s18  }
0x40: {  	v1 =	vld [tilespmem:s21+$0x1120]  }
0x41: {  	v2 =	vld [tilespmem:s21+$0x1110]  }
0x42: {  	v3 =	vld [tilespmem:s21+$0x100]  }
0x43: {  	v4 =	vld [tilespmem:s21+$0x110]  }
0x44: {  	v5 =	vld [tilespmem:s21+$0x1100]  }
0x45: {  	v6 =	vld [tilespmem:s21+$0x120]  }
0x46: {  	v7 =	vld [tilespmem:s21+$0x1130]  }
0x47: {  	v8 =	vld [tilespmem:s21+$0x130]  }
0x48: {  	v2 =	vmul.f32 v2, v4  }
0x49: {  	v3 =	vmul.f32 v5, v3  }
0x4a: {  	v1 =	vmul.f32 v1, v6  }
0x4b: {  	v2 =	vadd.f32 v2, v3  }
0x4c: {  	v3 =	vmul.f32 v7, v8  }
0x4d: {  	v1 =	vadd.f32 v1, v2;
	_ =	sdelay $0x1  }
0x4e: {  	v1 =	vadd.f32 v3, v1;
	_ =	sdelay $0x1  }
0x4f: {  	[tilespmem:$0x2188] =	vst v1  }
0x50: {  	v2 =	vld [tilespmem:$0x2187];
	_ =	sdelay $0x4  }
0x51: {  	v1 =	vadd.f32 v2, v1;
	_ =	sdelay $0x1  }
0x52: {  	[tilespmem:$0x2188] =	vst v1  }
0x53: {  	v2 =	vld [tilespmem:$0x2186];
	_ =	sdelay $0x4  }
0x54: {  	v1 =	vadd.f32 v2, v1;
	_ =	sdelay $0x1  }
0x55: {  	[tilespmem:$0x2188] =	vst v1  }
0x56: {  	v2 =	vld [tilespmem:$0x2184];
	_ =	sdelay $0x4  }
0x57: {  	v1 =	vadd.f32 v2, v1;
	_ =	sdelay $0x1  }
0x58: {  	[tilespmem:$0x2188] =	vst v1  }
0x59: {  	v2 =	vld [tilespmem:$0x2180];
	_ =	sdelay $0x3  }
0x5a: {  	(v2sf) =	vpush v1, $0xF  }
0x5b: {  	(v2sf) =	vpush v2, $0xF;
	_ =	sdelay $0x9  }
.Ltmp0:
0x5c: {  	(pc) =	sbr.rel @p0 .LBB2_3-.Ltmp0, $2  }
0x5d: {  	_ =	sdelay $0x2  }
0x5e: {  	s21 =	spop (v2sf)  }
0x5f: {  	s18 =	spop (v2sf)  }
0x60: {  	s18 =	sadd.f32 s18, s21  }
0x61: {  	s16 =	sadd.s32 $0x1, s16  }
0x62: {  	p0 =	sne.s32 s16, $0x4;
	v1 =	vmov s18  }
.Ltmp1:
0x63: {  	s17 =	sadd.s32 s2, s17;
	[tilespmem:s19+$0x0] =	vst v1;
	(pc) =	sbr.rel @p0 .LBB2_2-.Ltmp1, $4  }
0x64: {  	[hbm4b:s17+s3] =	stream.linear.scatter [tilespmem:s14], [sflag:$0x1], $0x20, $0x38;
	[tilespmem:$0x2200] =	vst v63  }
0x65: {  	_ =	swait.ge [sflag:s9], $0x20  }
0x66: {  	[sflag:s9] =	ssyncset.done $0x0  }
0x67: {  	[sflag:s9] =	ssyncadd.s32 $0xFFFFFFE0  }
0x68: {  	s15 =	sadd.s32 $0x1, s15  }
0x69: {  	p0 =	sne.s32 s15, s8  }
.Ltmp2:
0x6a: {  	_ = 	snop;
	(pc) =	sbr.rel @p0 .LBB2_1-.Ltmp2, $1  }
0x6b: {  	_ =	sdelay $0x3  }
0x6c: {  	_ =	sfence.sel $0x180000  }
0x6d: {  	[bflag:$0x0] =	sbarrier.arrive $0xFFFF  }
0x6e: {  	p0 =	sne.s32 s4, $0x0;
	_ =	strace $0x90000050  }
0x6f: {  	s0 =	sadd.s32 @!p0 $0x100000, s0;
	[bflag:$0x2] =	sbarrier.arrive $0xFFFF  }
0x70: {  	[sflag:s0] =	ssyncadd.tile.s32 @!p0 $0x1;
	_ =	shalt  }
.Lfunc_end2:
_tile_overlayer_lowered:
.L_overlay_start_2:
0x71: {  	(tag) =	ssettag $0x2  }
0x72: {  	s0 =	rddreg [dreg:$0x0];
	s2 =	stileid.u32  }
0x73: {  	s1 =	rddreg [dreg:$0x1];
	p0 =	sne.s32 s2, $0x0  }
0x74: {  	s3 =	rddreg [dreg:$0x2];
	[bflag:$0x3] =	sbarrier.arrive $0xFFFF;
	s2 =	simm.s32 @!p0 $0x1C01  }
0x75: {  	[timem:s3], [sflag:s2] =	dma.local @!p0 [hbm:s0], s1  }
0x76: {  	s0 =	simm.s32 @!p0 $0x1  }
0x77: {  	_ =	swait.ge @!p0 [sflag:s0], s1  }
0x78: {  	s1 =	ssub.s32 @!p0 $0x0, s1;
	[sflag:s0] =	ssyncset.done @!p0 $0x0  }
0x79: {  	[sflag:s0] =	ssyncadd.s32 @!p0 s1  }
0x7a: {  	[bflag:$0x3] =	sbarrier.arrive $0xFFFF  }
0x7b: {  	_ =	shalt  }

// kernel: kernel.9.cloned.1.call-start
scs
__scs_entry_jumppad:
0x0: {  	(pc) =	sbr.rel $0x88, $3  }
0x1: {  	(tag) =	ssettag $0x0;
	lr =	simm.s32 $0x1  }
0x2: {  	[smem:$0x3F98] =	sst lr;
	_ =	strace $0xD0000000  }
0x3: {  	_ = 	snop  }
0x4: {  	_ = 	snop  }
0x5: {  	_ = 	snop  }
0x6: {  	_ = 	snop  }
0x7: {  	_ = 	snop  }
__scs_overlays_trampoline_lowered:
0x8: {  	[smem:$0x3FA7] =	sst s0  }
0x9: {  	[smem:$0x3FA8] =	sst s1  }
0xa: {  	[smem:$0x3FA9] =	sst s2  }
0xb: {  	[smem:$0x3FAA] =	sst s3  }
0xc: {  	[smem:$0x3FAB] =	sst s4  }
0xd: {  	[smem:$0x3FAC] =	sst s5  }
0xe: {  	[smem:$0x3FAD] =	sst s6  }
0xf: {  	[smem:$0x3FAE] =	sst s7  }
0x10: {  	[smem:$0x3FAF] =	sst s8  }
0x11: {  	[smem:$0x3FB0] =	sst s9;
	s0 =	simm.s32 @!p0 $0x0  }
0x12: {  	s1 =	sld [smem:$0x3F96];
	s0 =	simm.s32 @p0 $0x1  }
0x13: {  	[smem:$0x3FB1] =	sst s0;
	s0 =	simm.s32 @!p1 $0x0  }
0x14: {  	s2 =	sld [smem:$0x3F95];
	s0 =	simm.s32 @p1 $0x1  }
0x15: {  	[smem:$0x3FB2] =	sst s0;
	s0 =	simm.s32 @!p2 $0x0  }
0x16: {  	s3 =	sld [smem:$0x3FDB];
	s0 =	simm.s32 @p2 $0x1  }
0x17: {  	s4 =	simm.s32 $0x1BF5;
	[smem:$0x3FB4] =	sst s0  }
0x18: {  	s0 =	sld [smem:$0x3F97];
	_ =	swait.ge [sflag:s4], $0x0  }
0x19: {  	s7 =	sld [smem:$0x3F98]  }
0x1a: {  	s8 =	sadd.s32 $0xFFFFE003, lr  }
0x1b: {  	s9 =	sadd.s32 $0xFFFFFEF7, lr;
	s5 =	simm.s32 $0xFFFFFFFF;
	p2 =	slt.u32 s8, $0xFFFFF086  }
0x1c: {  	p1 =	slt.u32 s9, $0xF7A;
	s5 =	simm.s32 @!p2 $0x0  }
0x1d: {  	s5 =	simm.s32 @p1 $0x1;
	p0 =	seq.s32 s7, s2  }
0x1e: {  	s7 =	smul.u32 @!p0 $0xF7A, s2;
	p2 =	seq.s32 @!p0 s5, $0x0  }
0x1f: {  	s9 =	smul.u32 $0xF7A, s1;
	s8 =	simm.s32 @!p0 $0x1BF5;
	p2 =	por !p2, p0  }
0x20: {  	[sflag:s8] =	ssyncset.s32 @!p0 $0xFFFFF086;
	s6 =	sadd.s32 @!p0 s3, s7;
	s7 =	simm.s32 @!p0 $0x108  }
0x21: {  	s3 =	sadd.s32 s3, s9;
	s6 =	sadd.s32 @!p0 $0x88, s6;
	s7 =	simm.s32 @p2 $0x1082  }
0x22: {  	[simem:s7], [sflag:s8] =	dma.local @!p0 [hbm:s6], $0xF7A  }
0x23: {  	s9 =	sor.u32 $0xD0000000, s2;
	s6 =	simm.s32 $0x108;
	_ =	swait.ge @!p0 [sflag:s8], $0x0  }
0x24: {  	s3 =	sadd.s32 $0x88, s3;
	s6 =	simm.s32 @!p1 $0x1082;
	[sflag:s4] =	ssyncset.s32 $0xFFFFF086  }
0x25: {  	[simem:s6], [sflag:s4] =	dma.local [hbm:s3], $0xF7A  }
0x26: {  	[smem:$0x3F98] =	sst s1;
	(tag) =	ssettag s2;
	_ =	strace s9  }
0x27: {  	s1 =	sld [smem:$0x3FA8]  }
0x28: {  	s2 =	sld [smem:$0x3FA9]  }
0x29: {  	s4 =	sld [smem:$0x3FAB]  }
0x2a: {  	p0 =	seq.s32 s5, $0x0;
	s5 =	sld [smem:$0x3FAC]  }
0x2b: {  	s6 =	sld [smem:$0x3FAD]  }
0x2c: {  	s7 =	sld [smem:$0x3FAE]  }
0x2d: {  	s3 =	simm.s32 $0x108;
	s8 =	sld [smem:$0x3FAF]  }
0x2e: {  	s3 =	simm.s32 @!p0 $0x1082;
	s9 =	sld [smem:$0x3FB0]  }
0x2f: {  	lr =	sadd.s32 s0, s3;
	s0 =	sld [smem:$0x3FA7]  }
0x30: {  	s3 =	sld [smem:$0x3FAA]  }
0x31: {  	[smem:$0x3FB3] =	sst s10  }
0x32: {  	s10 =	sld [smem:$0x3FB1];
	_ =	sdelay $0x3  }
0x33: {  	p0 =	seq.s32 s10, $0x1;
	s10 =	sld [smem:$0x3FB3];
	_ =	sdelay $0x3  }
0x34: {  	[smem:$0x3FB3] =	sst s10  }
0x35: {  	s10 =	sld [smem:$0x3FB2];
	_ =	sdelay $0x3  }
0x36: {  	p1 =	seq.s32 s10, $0x1;
	s10 =	sld [smem:$0x3FB3];
	_ =	sdelay $0x3  }
0x37: {  	[smem:$0x3FB3] =	sst s10  }
0x38: {  	s10 =	sld [smem:$0x3FB4]  }
0x39: {  	_ = 	snop;
	(pc) =	sbr.ind lr, $3  }
0x3a: {  	_ = 	snop  }
0x3b: {  	_ = 	snop  }
0x3c: {  	p2 =	seq.s32 s10, $0x1;
	s10 =	sld [smem:$0x3FB3]  }
0x3d: {  	_ =	shalt  }
0x3e: {  	_ =	shalt  }
0x3f: {  	_ =	shalt  }
0x40: {  	_ =	shalt  }
0x41: {  	_ =	shalt  }
0x42: {  	_ =	shalt  }
0x43: {  	_ =	shalt  }
0x44: {  	_ =	shalt  }
0x45: {  	_ =	shalt  }
0x46: {  	_ =	shalt  }
0x47: {  	_ =	shalt  }
0x48: {  	_ =	shalt  }
0x49: {  	_ =	shalt  }
0x4a: {  	_ =	shalt  }
0x4b: {  	_ =	shalt  }
0x4c: {  	_ =	shalt  }
0x4d: {  	_ =	shalt  }
0x4e: {  	_ =	shalt  }
0x4f: {  	_ =	shalt  }
0x50: {  	_ =	shalt  }
0x51: {  	_ =	shalt  }
0x52: {  	_ =	shalt  }
0x53: {  	_ =	shalt  }
0x54: {  	_ =	shalt  }
0x55: {  	_ =	shalt  }
0x56: {  	_ =	shalt  }
0x57: {  	_ =	shalt  }
0x58: {  	_ =	shalt  }
0x59: {  	_ =	shalt  }
0x5a: {  	_ =	shalt  }
0x5b: {  	_ =	shalt  }
0x5c: {  	_ =	shalt  }
0x5d: {  	_ =	shalt  }
0x5e: {  	_ =	shalt  }
0x5f: {  	_ =	shalt  }
0x60: {  	_ =	shalt  }
0x61: {  	_ =	shalt  }
0x62: {  	_ =	shalt  }
0x63: {  	_ =	shalt  }
0x64: {  	_ =	shalt  }
0x65: {  	_ =	shalt  }
0x66: {  	_ =	shalt  }
0x67: {  	_ =	shalt  }
0x68: {  	_ =	shalt  }
0x69: {  	_ =	shalt  }
0x6a: {  	_ =	shalt  }
0x6b: {  	_ =	shalt  }
0x6c: {  	_ =	shalt  }
0x6d: {  	_ =	shalt  }
0x6e: {  	_ =	shalt  }
0x6f: {  	_ =	shalt  }
0x70: {  	_ =	shalt  }
0x71: {  	_ =	shalt  }
0x72: {  	_ =	shalt  }
0x73: {  	_ =	shalt  }
0x74: {  	_ =	shalt  }
0x75: {  	_ =	shalt  }
0x76: {  	_ =	shalt  }
0x77: {  	_ =	shalt  }
0x78: {  	_ =	shalt  }
0x79: {  	_ =	shalt  }
0x7a: {  	_ =	shalt  }
0x7b: {  	_ =	shalt  }
0x7c: {  	_ =	shalt  }
0x7d: {  	_ =	shalt  }
0x7e: {  	_ =	shalt  }
0x7f: {  	_ =	shalt  }
0x80: {  	_ =	shalt  }
0x81: {  	_ =	shalt  }
0x82: {  	_ =	shalt  }
0x83: {  	_ =	shalt  }
0x84: {  	_ =	shalt  }
0x85: {  	_ =	shalt  }
0x86: {  	_ =	shalt  }
0x87: {  	_ =	shalt  }
.Lfunc_end0:
.L_simem_size_0:
called_computation_lowered:
.L_overlay_start_0:
0x88: {  	s2 =	sld [smem:$0x3FD9]  }
0x89: {  	s3 =	sld [smem:$0x3FFE];
	_ =	sdelay $0x1  }
0x8a: {  	s1 =	srdreg.scid  }
0x8b: {  	s0 =	sand.u32 $0x1, s1  }
0x8c: {  	s17 =	sshll.u32 s0, $0xA;
	s2 =	sadd.s32 s3, s2  }
0x8d: {  	s2 =	sadd.s32 s2, s17  }
0x8e: {  	[smem:$0x3FBF] =	sst s2  }
0x8f: {  	_ = 	snop  }
0x90: {  	s2 =	sld [smem:$0x3FD0];
	(tm) =	ssettm $0x1  }
0x91: {  	s18 =	sld [smem:$0x3FFB];
	_ =	sdelay $0x3  }
0x92: {  	_ =	strace s18  }
0x93: {  	s3 =	sld [smem:$0x3FFC];
	_ =	sdelay $0x3  }
0x94: {  	_ =	strace s3  }
0x95: {  	s3 =	sld [smem:$0x3FFD];
	_ =	sdelay $0x3  }
0x96: {  	_ =	strace s3  }
0x97: {  	_ =	strace $0x8FFFFFFF  }
0x98: {  	s19 =	sld [smem:$0x3FDB];
	_ =	sdelay $0x1  }
0x99: {  	s4 =	simm.s32 $_scs_section_size  }
0x9a: {  	s5 =	simm.s32 $_size__tile_overlayer_lowered;
	s6 =	simm.s32 $_tile_overlayer_lowered  }
0x9b: {  	s22 =	simm.s32 $0x1BFF;
	s21 =	sshll.u32 s6, $0x1;
	s3 =	sadd.s32 s4, s19  }
0x9c: {  	s7 =	simm.s32 $0x0;
	s20 =	sshll.u32 s5, $0x1;
	s5 =	sadd.s32 s21, s3  }
0x9d: {  	[timem:s7], [sflag:s22] =	dma.local [hbm:s5], s20  }
0x9e: {  	_ =	swait.ge [sflag:s22], s20  }
0x9f: {  	s4 =	ssub.s32 $0x0, s20;
	[sflag:s22] =	ssyncset.done $0x0  }
0xa0: {  	[sflag:s22] =	ssyncadd.s32 s4;
	_ =	sdelay $0x1  }
0xa1: {  	s23 =	simm.s32 $0x1B8B  }
0xa2: {  	_ =	swait.ge [sflag:s23], $0x1  }
0xa3: {  	[sflag:s23] =	ssyncset.done $0x0  }
0xa4: {  	s25 =	simm.s32 $0x1B8E;
	s24 =	sld [smem:$0x3FFE];
	[sflag:s23] =	ssyncadd.s32 $0xFFFFFFFF  }
0xa5: {  	s26 =	simm.s32 $execute0_lowered;
	[smem:$0x3FD2] =	sst s25  }
0xa6: {  	s5 =	sshll.u32 s26, $0x1;
	_ =	strace $0x80000046;
	[dreg:$0x1] =	wrdreg $0xFFFFFFFF  }
0xa7: {  	s28 =	simm.s32 $_size_execute0_lowered;
	s3 =	sadd.s32 s3, s5;
	[dreg:$0x0] =	wrdreg $0x0  }
0xa8: {  	s5 =	sshll.u32 s28, $0x1;
	[dreg:$0x2] =	wrdreg s3  }
0xa9: {  	[dreg:$0x3] =	wrdreg s5  }
0xaa: {  	[dreg:$0x4] =	wrdreg $0xC0  }
0xab: {  	_ =	task [dreg:s7], $0x5FFFF  }
0xac: {  	[dreg:$0x1] =	wrdreg $0xFFFFFFFF  }
0xad: {  	[dreg:$0x0] =	wrdreg $0x60  }
0xae: {  	[dreg:$0x2] =	wrdreg s24  }
0xaf: {  	[dreg:$0x3] =	wrdreg s2  }
0xb0: {  	[dreg:$0x4] =	wrdreg $0x9  }
0xb1: {  	_ =	task.clear_ibuf [dreg:s7], $0x5FFFF;
	_ =	strace $0x90000046  }
0xb2: {  	s29 =	simm.s32 $0x9;
	_ =	strace $0x80000048  }
0xb3: {  	_ =	swait.ge [sflag:s29], $0x1  }
0xb4: {  	[sflag:s29] =	ssyncadd.s32 $0xFFFFFFFF  }
0xb5: {  	_ =	strace $0x90000048  }
0xb6: {  	_ =	sfence  }
0xb7: {  	s30 =	sld [smem:$0x0];
	_ =	sdelay $0x2  }
0xb8: {  	s31 =	sshll.u32 s1, $0xD;
	s1 =	sshrl.u32 s1, $0x2  }
0xb9: {  	s3 =	sand.u32 $0x4000, s31;
	s1 =	sadd.s32 s1, s30  }
0xba: {  	s0 =	sor.u32 s3, s0;
	s1 =	sshll.u32 s1, $0x11  }
0xbb: {  	s0 =	sor.u32 s1, s0  }
0xbc: {  	s0 =	sadd.s32 $0x8F2B, s0  }
0xbd: {  	[sflag:s0] =	ssyncadd.remote.s32 $0x1  }
0xbe: {  	_ =	sfence.sel $0xFFFF  }
0xbf: {  	[dreg:$0x0] =	wrdreg $0xFFFFFFFF;
	(pc) =	sbr.abs _section_cstart, $3  }
0xc0: {  	[dreg:$0x1] =	wrdreg $0xFFFFFFFF  }
0xc1: {  	_ =	task.clear_ibuf [dreg:s7], $0x2FFFF;
	_ =	strace $0x9FFFFFFF  }
0xc2: {  	(tm) =	ssettm $0x7FFFFFFF  }
0xc3: {  	_ =	shalt  }
tec
execute0_lowered:
.L_overlay_start_1:
0x0: {  	(tag) =	ssettag $0x1  }
0x1: {  	s5 =	rddreg [dreg:$0x0]  }
0x2: {  	s8 =	rddreg [dreg:$0x1]  }
0x3: {  	s0 =	rddreg [dreg:$0x2]  }
0x4: {  	s1 =	simm.s32 $0x0;
	s2 =	srdreg.scid;
	s12 =	simm.s32 $0x800  }
0x5: {  	s13 =	simm.s32 $0xF80;
	s14 =	simm.s32 $0x0;
	[smem:$0x7FF] =	sst s1  }
0x6: {  	s3 =	sadd.s32 $0x2C00, s5;
	s6 =	sand.u32 $0x1, s2;
	s4 =	sadd.s32 $0x1CC00, s5  }
0x7: {  	s2 =	stileid.u32;
	s5 =	sadd.s32 $0x36C00, s5;
	s7 =	sshll.u32 s6, $0x4  }
0x8: {  	_ =	strace $0x80000047;
	s9 =	ssub.s32 $0x2, s6;
	s7 =	sor.u32 s2, s7  }
0x9: {  	s10 =	sshrl.u32 s9, $0x1;
	s6 =	smul.u32 $0x6800, s7;
	s11 =	sshll.u32 s7, $0x2  }
0xa: {  	v1 =	vlaneseq.u32;
	s9 =	ssub.s32 s9, s10;
	s7 =	smul.u32 $0x14, s7;
	s10 =	simm.s32 $0x1  }
0xb: {  	v0 =	vimm.s32 $0x0;
	v1 =	vadd.s32 $0x1, v1;
	s8 =	sadd.s32 s8, s11;
	s9 =	smax.u32 s9, $0x1;
	s11 =	simm.s32 $0x400  }
.LBB2_1:
0xc: {  	[tilespmem:$0xF00] =	vst v0  }
0xd: {  	[tilespmem:$0xF18] =	vst v0;
	s15 =	simm.s32 $0x0  }
.LBB2_2:
0xe: {  	s16 =	smul.u32 $0xFFFFF600, s15;
	_ =	sdelay $0x1  }
0xf: {  	s22 =	simm.s32 $0x0;
	s17 =	simm.s32 $0x0;
	v2 =	vmov s16;
	s16 =	simm.s32 $0x0  }
.LBB2_3:
0x10: {  	s18 =	sshll.u32 s17, $0xA  }
0x11: {  	s18 =	sadd.s32 s6, s18  }
0x12: {  	s18 =	sshrl.u32 s18, $0x3  }
0x13: {  	s19 =	sadd.s32 s3, s18  }
0x14: {  	[tilespmem:s16], [sflag:$0x1] =	stream.linear.gather [hbm4b:s19+s16], $0x400, $0x38;
	[tilespmem:$0x1000] =	vst v63  }
0x15: {  	_ =	swait.ge [sflag:s10], $0x400  }
0x16: {  	[sflag:s10] =	ssyncset.done $0x0  }
0x17: {  	s18 =	sadd.s32 s4, s18;
	[sflag:s10] =	ssyncadd.s32 $0xFFFFFC00  }
0x18: {  	[tilespmem:s11], [sflag:$0x1] =	stream.linear.gather [hbm4b:s18+s16], $0x400, $0x38;
	[tilespmem:$0x1000] =	vst v63  }
0x19: {  	_ =	swait.ge [sflag:s10], $0x400  }
0x1a: {  	[sflag:s10] =	ssyncset.done $0x0  }
0x1b: {  	s30 =	simm.s32 $0x0;
	[sflag:s10] =	ssyncadd.s32 $0xFFFFFC00  }
0x1c: {  	v3 =	vld [tilespmem:s30+$0x400];
	_ =	sdelay $0x4  }
0x1d: {  	v3 =	vadd.s32 v2, v3  }
0x1e: {  	vm0 =	vlt.u32 v3, $0xA00  }
0x1f: {  	v5 =	vsel vm0, $0x1, v0  }
0x20: {  	v4 =	vld [tilespmem:s30+$0x0];
	[tilespmem:$0xF08] =	vst v5  }
0x21: {  	v6 =	vld [tilespmem:$0xF07];
	_ =	sdelay $0x4  }
0x22: {  	v5 =	vadd.s32 v5, v6  }
0x23: {  	[tilespmem:$0xF08] =	vst v5  }
0x24: {  	v55 =	vld [tilespmem:$0xF06];
	_ =	sdelay $0x4  }
0x25: {  	v5 =	vadd.s32 v55, v5  }
0x26: {  	[tilespmem:$0xF08] =	vst v5  }
0x27: {  	v56 =	vld [tilespmem:$0xF04];
	_ =	sdelay $0x4  }
0x28: {  	v5 =	vadd.s32 v5, v56  }
0x29: {  	[tilespmem:$0xF08] =	vst v5  }
0x2a: {  	v57 =	vld [tilespmem:$0xF00];
	_ =	sdelay $0x4  }
0x2b: {  	v5 =	vadd.s32 v5, v57  }
0x2c: {  	v6 =	vsub.s32 v1, v5  }
0x2d: {  	v6 =	vnsel vm0, $0x0, v6  }
0x2e: {  	[tilespmem:$0xF08] =	vst v6  }
0x2f: {  	v7 =	vld [tilespmem:$0xF09];
	_ =	sdelay $0x3  }
0x30: {  	v3 =	vshll.u32 v3, $0x10  }
0x31: {  	v3 =	vor.u32 v4, v3;
	v4 =	vand.u32 $0x1, v7  }
0x32: {  	vm12 =	veq.s32 v4, $0x0;
	v4 =	vadd.s32 $0xFFFFFFFF, v7  }
0x33: {  	[tilespmem:$0xF08] =	vst v3;
	v4 =	vsel vm12, v6, v4  }
0x34: {  	v58 =	vld [tilespmem:$0xF09];
	[tilespmem:$0xF08] =	vst v4  }
0x35: {  	v59 =	vld [tilespmem:$0xF0A];
	_ =	sdelay $0x3  }
0x36: {  	v3 =	vsel vm12, v3, v58  }
0x37: {  	[tilespmem:$0xF08] =	vst v3;
	v60 =	vand.u32 $0x2, v59  }
0x38: {  	v61 =	vld [tilespmem:$0xF0A];
	v6 =	vadd.s32 $0xFFFFFFFE, v59;
	vm13 =	veq.s32 v60, $0x0  }
0x39: {  	(v2sf) =	vpush v5, $0xF;
	v4 =	vsel vm13, v4, v6  }
0x3a: {  	[tilespmem:$0xF08] =	vst v4  }
0x3b: {  	v5 =	vld [tilespmem:$0xF0C];
	_ =	sdelay $0x1  }
0x3c: {  	v3 =	vsel vm13, v3, v61  }
0x3d: {  	[tilespmem:$0xF08] =	vst v3  }
0x3e: {  	v62 =	vld [tilespmem:$0xF0C]  }
0x3f: {  	v63 =	vand.u32 $0x4, v5  }
0x40: {  	v5 =	vadd.s32 $0xFFFFFFFC, v5;
	vm14 =	veq.s32 v63, $0x0  }
0x41: {  	v4 =	vsel vm14, v4, v5  }
0x42: {  	[tilespmem:$0xF08] =	vst v4  }
0x43: {  	v3 =	vsel vm14, v3, v62;
	v4 =	vld [tilespmem:$0xF10]  }
0x44: {  	[tilespmem:$0xF08] =	vst v3  }
0x45: {  	v5 =	vld [tilespmem:$0xF10];
	_ =	sdelay $0x1  }
0x46: {  	s31 =	spop (v2sf)  }
0x47: {  	p0 =	slt.s32 s22, $0x6F0;
	s20 =	simm.s32 $0x40;
	s18 =	sadd.s32 s22, s31;
	v4 =	vand.u32 $0x8, v4  }
0x48: {  	s21 =	simm.s32 $0x80;
	p0 =	por p0, p0;
	p1 =	slt.s32 s18, $0x6F0;
	vm15 =	veq.s32 v4, $0x0  }
0x49: {  	s22 =	simm.s32 @!p0 $0x6F0;
	s19 =	smov.u32 s18;
	p0 =	por p1, p1;
	v3 =	vsel vm15, v3, v5  }
.LBB2_4:
0x4a: {  	p1 =	sne.s32 s21, $0xFC0  }
0x4b: {  	s23 =	sshra.s32 s20, $0x2;
	[tilespmem:s22+$0x800] =	vst v3;
	s20 =	smov.u32 s21;
	s21 =	sadd.s32 $0x40, s21  }
0x4c: {  	v3 =	vld [tilespmem:s23+$0x400];
	_ =	sdelay $0x4  }
0x4d: {  	v3 =	vadd.s32 v2, v3  }
0x4e: {  	vm0 =	vlt.u32 v3, $0xA00  }
0x4f: {  	v4 =	vld [tilespmem:s23+$0x0];
	v5 =	vsel vm0, $0x1, v0  }
0x50: {  	[tilespmem:$0xF08] =	vst v5  }
0x51: {  	v6 =	vld [tilespmem:$0xF07];
	_ =	sdelay $0x4  }
0x52: {  	v5 =	vadd.s32 v5, v6  }
0x53: {  	[tilespmem:$0xF08] =	vst v5  }
0x54: {  	v6 =	vld [tilespmem:$0xF06];
	_ =	sdelay $0x4  }
0x55: {  	v5 =	vadd.s32 v6, v5  }
0x56: {  	[tilespmem:$0xF08] =	vst v5  }
0x57: {  	v6 =	vld [tilespmem:$0xF04];
	_ =	sdelay $0x4  }
0x58: {  	v5 =	vadd.s32 v5, v6  }
0x59: {  	[tilespmem:$0xF08] =	vst v5  }
0x5a: {  	v6 =	vld [tilespmem:$0xF00];
	_ =	sdelay $0x4  }
0x5b: {  	v5 =	vadd.s32 v5, v6  }
0x5c: {  	v6 =	vsub.s32 v1, v5;
	(v2sf) =	vpush v5, $0xF  }
0x5d: {  	v5 =	vnsel vm0, $0x0, v6  }
0x5e: {  	[tilespmem:$0xF08] =	vst v5  }
0x5f: {  	v6 =	vld [tilespmem:$0xF09]  }
0x60: {  	v3 =	vshll.u32 v3, $0x10  }
0x61: {  	v3 =	vor.u32 v4, v3  }
0x62: {  	[tilespmem:$0xF08] =	vst v3  }
0x63: {  	v4 =	vld [tilespmem:$0xF09]  }
0x64: {  	v7 =	vand.u32 $0x1, v6  }
0x65: {  	v6 =	vadd.s32 $0xFFFFFFFF, v6;
	vm0 =	veq.s32 v7, $0x0  }
0x66: {  	v5 =	vsel vm0, v5, v6  }
0x67: {  	[tilespmem:$0xF08] =	vst v5  }
0x68: {  	v3 =	vsel vm0, v3, v4;
	v4 =	vld [tilespmem:$0xF0A]  }
0x69: {  	[tilespmem:$0xF08] =	vst v3  }
0x6a: {  	v6 =	vld [tilespmem:$0xF0A]  }
0x6b: {  	s22 =	spop (v2sf)  }
0x6c: {  	s19 =	sadd.s32 s19, s22  }
0x6d: {  	p2 =	slt.s32 s19, $0x6F0;
	v7 =	vand.u32 $0x2, v4  }
0x6e: {  	v4 =	vadd.s32 $0xFFFFFFFE, v4;
	vm0 =	veq.s32 v7, $0x0  }
0x6f: {  	v3 =	vsel vm0, v3, v6;
	v4 =	vsel vm0, v5, v4  }
0x70: {  	[tilespmem:$0xF08] =	vst v4  }
0x71: {  	v5 =	vld [tilespmem:$0xF0C]  }
0x72: {  	[tilespmem:$0xF08] =	vst v3  }
0x73: {  	v6 =	vld [tilespmem:$0xF0C];
	_ =	sdelay $0x2  }
0x74: {  	v7 =	vand.u32 $0x4, v5  }
0x75: {  	v5 =	vadd.s32 $0xFFFFFFFC, v5;
	vm0 =	veq.s32 v7, $0x0  }
0x76: {  	v3 =	vsel vm0, v3, v6;
	v4 =	vsel vm0, v4, v5  }
0x77: {  	[tilespmem:$0xF08] =	vst v4  }
0x78: {  	v4 =	vld [tilespmem:$0xF10]  }
0x79: {  	[tilespmem:$0xF08] =	vst v3  }
0x7a: {  	v5 =	vld [tilespmem:$0xF10]  }
.Ltmp0:
0x7b: {  	(pc) =	sbr.rel @p1 .LBB2_4-.Ltmp0, $4  }
0x7c: {  	_ = 	snop  }
0x7d: {  	v4 =	vand.u32 $0x8, v4  }
0x7e: {  	s22 =	smov.u32 s18;
	vm0 =	veq.s32 v4, $0x0  }
0x7f: {  	s22 =	simm.s32 @!p0 $0x6F0;
	s18 =	smov.u32 s19;
	p0 =	por p2, p2;
	v3 =	vsel vm0, v3, v5  }
0x80: {  	s20 =	sshra.s32 s20, $0x2;
	[tilespmem:s22+$0x800] =	vst v3  }
0x81: {  	v3 =	vld [tilespmem:s20+$0x400];
	_ =	sdelay $0x4  }
0x82: {  	v3 =	vadd.s32 v2, v3  }
0x83: {  	vm0 =	vlt.u32 v3, $0xA00  }
0x84: {  	v5 =	vsel vm0, $0x1, v0  }
0x85: {  	v4 =	vld [tilespmem:s20+$0x0];
	[tilespmem:$0xF08] =	vst v5  }
0x86: {  	v6 =	vld [tilespmem:$0xF07];
	_ =	sdelay $0x4  }
0x87: {  	v5 =	vadd.s32 v5, v6  }
0x88: {  	[tilespmem:$0xF08] =	vst v5  }
0x89: {  	v51 =	vld [tilespmem:$0xF06];
	_ =	sdelay $0x4  }
0x8a: {  	v5 =	vadd.s32 v51, v5  }
0x8b: {  	[tilespmem:$0xF08] =	vst v5  }
0x8c: {  	v52 =	vld [tilespmem:$0xF04];
	_ =	sdelay $0x4  }
0x8d: {  	v5 =	vadd.s32 v5, v52  }
0x8e: {  	[tilespmem:$0xF08] =	vst v5  }
0x8f: {  	v53 =	vld [tilespmem:$0xF00];
	_ =	sdelay $0x4  }
0x90: {  	v5 =	vadd.s32 v5, v53  }
0x91: {  	v6 =	vsub.s32 v1, v5  }
0x92: {  	v6 =	vnsel vm0, $0x0, v6  }
0x93: {  	[tilespmem:$0xF08] =	vst v6  }
0x94: {  	v7 =	vld [tilespmem:$0xF09];
	_ =	sdelay $0x4  }
0x95: {  	v3 =	vshll.u32 v3, $0x10;
	v54 =	vand.u32 $0x1, v7  }
0x96: {  	v3 =	vor.u32 v4, v3;
	v55 =	vadd.s32 $0xFFFFFFFF, v7;
	vm12 =	veq.s32 v54, $0x0  }
0x97: {  	[tilespmem:$0xF08] =	vst v3;
	v4 =	vsel vm12, v6, v55  }
0x98: {  	v56 =	vld [tilespmem:$0xF09];
	[tilespmem:$0xF08] =	vst v4  }
0x99: {  	v57 =	vld [tilespmem:$0xF0A];
	_ =	sdelay $0x3  }
0x9a: {  	v3 =	vsel vm12, v3, v56  }
0x9b: {  	[tilespmem:$0xF08] =	vst v3;
	v58 =	vand.u32 $0x2, v57  }
0x9c: {  	v59 =	vld [tilespmem:$0xF0A];
	v6 =	vadd.s32 $0xFFFFFFFE, v57;
	vm13 =	veq.s32 v58, $0x0  }
0x9d: {  	v4 =	vsel vm13, v4, v6  }
0x9e: {  	[tilespmem:$0xF08] =	vst v4  }
0x9f: {  	v60 =	vld [tilespmem:$0xF0C]  }
0xa0: {  	(v2sf) =	vpush v5, $0xF  }
0xa1: {  	v3 =	vsel vm13, v3, v59  }
0xa2: {  	[tilespmem:$0xF08] =	vst v3  }
0xa3: {  	v61 =	vld [tilespmem:$0xF0C]  }
0xa4: {  	v62 =	vand.u32 $0x4, v60  }
0xa5: {  	v6 =	vadd.s32 $0xFFFFFFFC, v60;
	vm14 =	veq.s32 v62, $0x0  }
0xa6: {  	v4 =	vsel vm14, v4, v6  }
0xa7: {  	[tilespmem:$0xF08] =	vst v4  }
0xa8: {  	v3 =	vsel vm14, v3, v61;
	v4 =	vld [tilespmem:$0xF10]  }
0xa9: {  	[tilespmem:$0xF08] =	vst v3  }
0xaa: {  	s17 =	sadd.s32 $0x1, s17;
	v63 =	vld [tilespmem:$0xF10]  }
0xab: {  	s18 =	simm.s32 @!p0 $0x6F0;
	p0 =	sne.s32 s17, $0x1A  }
.Ltmp1:
0xac: {  	_ = 	snop;
	(pc) =	sbr.rel @p0 .LBB2_3-.Ltmp1, $4  }
0xad: {  	v4 =	vand.u32 $0x8, v4  }
0xae: {  	vm15 =	veq.s32 v4, $0x0  }
0xaf: {  	s31 =	spop (v2sf);
	v3 =	vsel vm15, v3, v63  }
0xb0: {  	s22 =	sadd.s32 s19, s31;
	[tilespmem:s18+$0x800] =	vst v3  }
0xb1: {  	s16 =	sadd.s32 s7, s15  }
0xb2: {  	s16 =	smul.u32 $0xE0, s16;
	_ =	sdelay $0x1  }
0xb3: {  	s16 =	sadd.s32 s5, s16  }
0xb4: {  	[hbm4b:s16+s1] =	stream.linear.scatter [tilespmem:s12], [sflag:$0x1], $0x700, $0x38;
	[tilespmem:$0x1000] =	vst v63  }
0xb5: {  	p0 =	slt.s32 s22, $0x700;
	_ =	swait.ge [sflag:s10], $0x700  }
0xb6: {  	s22 =	simm.s32 @!p0 $0x700;
	[sflag:s10] =	ssyncset.done $0x0  }
0xb7: {  	v2 =	vmov s22;
	[sflag:s10] =	ssyncadd.s32 $0xFFFFF900  }
0xb8: {  	[tilespmem:s15+$0xF80] =	vst v2;
	s15 =	sadd.s32 $0x1, s15  }
0xb9: {  	p0 =	sne.s32 s15, $0x14  }
.Ltmp2:
0xba: {  	_ = 	snop;
	(pc) =	sbr.rel @p0 .LBB2_2-.Ltmp2, $1  }
0xbb: {  	_ =	sdelay $0x3  }
0xbc: {  	s14 =	sadd.s32 $0x1, s14  }
0xbd: {  	p0 =	sne.s32 s14, s9  }
.Ltmp3:
0xbe: {  	_ = 	snop;
	(pc) =	sbr.rel @p0 .LBB2_1-.Ltmp3, $4  }
0xbf: {  	[hbm4b:s8+s1] =	stream.linear.scatter [tilespmem:s13], [sflag:$0x1], $0x20, $0x38;
	[tilespmem:$0x1000] =	vst v63  }
0xc0: {  	_ =	swait.ge [sflag:s10], $0x20  }
0xc1: {  	[sflag:s10] =	ssyncset.done $0x0  }
0xc2: {  	[sflag:s10] =	ssyncadd.s32 $0xFFFFFFE0  }
0xc3: {  	_ =	sfence.sel $0x180000  }
0xc4: {  	[bflag:$0x0] =	sbarrier.arrive $0xFFFF  }
0xc5: {  	p0 =	sne.s32 s2, $0x0;
	_ =	strace $0x90000047  }
0xc6: {  	s0 =	sadd.s32 @!p0 $0x100000, s0;
	[bflag:$0x2] =	sbarrier.arrive $0xFFFF  }
0xc7: {  	[sflag:s0] =	ssyncadd.tile.s32 @!p0 $0x1;
	_ =	shalt  }
.Lfunc_end2:
_tile_overlayer_lowered:
.L_overlay_start_2:
0xc8: {  	(tag) =	ssettag $0x2  }
0xc9: {  	s0 =	rddreg [dreg:$0x0];
	s2 =	stileid.u32  }
0xca: {  	s1 =	rddreg [dreg:$0x1];
	p0 =	sne.s32 s2, $0x0  }
0xcb: {  	s3 =	rddreg [dreg:$0x2];
	[bflag:$0x3] =	sbarrier.arrive $0xFFFF;
	s2 =	simm.s32 @!p0 $0x1C01  }
0xcc: {  	[timem:s3], [sflag:s2] =	dma.local @!p0 [hbm:s0], s1  }
0xcd: {  	s0 =	simm.s32 @!p0 $0x1  }
0xce: {  	_ =	swait.ge @!p0 [sflag:s0], s1  }
0xcf: {  	s1 =	ssub.s32 @!p0 $0x0, s1;
	[sflag:s0] =	ssyncset.done @!p0 $0x0  }
0xd0: {  	[sflag:s0] =	ssyncadd.s32 @!p0 s1  }
0xd1: {  	[bflag:$0x3] =	sbarrier.arrive $0xFFFF  }
0xd2: {  	_ =	shalt  }

</sc_bundles>
